<compile_context>
chip_gen: v7x
topology: tpu7x:2x2x1
jax: 0.10.2.dev20260603
libtpu: 0.0.44.dev20260713+nightly
codegen_flags: <defaults>
</compile_context>

<pallas_src>
import functools

import jax
import jax.numpy as jnp
from jax import lax
from jax.experimental import pallas as pl
from jax.experimental.pallas import tpu as pltpu
from jax.experimental.pallas import tpu_sc as plsc

_N = 2048
_BLK = 512
_NB = _N // _BLK
_ALPHA = 50.0
_N_LAMBDA = 0.5
_BIG = 2 ** 30
_B = 8
_VL = 16
_WT_LEN = 2056


def _dist_kernel(gt_ref, xt_ref, e1_ref, i1_ref, e2_ref, i2_ref):
    gt = gt_ref[0]
    xt = xt_ref[0]
    x0 = xt[0:1, :]
    x1 = xt[1:2, :]
    x2 = xt[2:3, :]
    iota_lanes = jax.lax.broadcasted_iota(jnp.int32, (_BLK, _N), 1)
    iota_rows = jax.lax.broadcasted_iota(jnp.int32, (_BLK, _N), 0)

    min2 = jnp.full((1, _N), jnp.inf, jnp.float32)
    idx2 = jnp.zeros((1, _N), jnp.int32)
    for k in range(_NB):
        g0 = gt[k * _BLK:(k + 1) * _BLK, 0:1]
        g1 = gt[k * _BLK:(k + 1) * _BLK, 1:2]
        g2 = gt[k * _BLK:(k + 1) * _BLK, 2:3]
        d = (g0 - x0) ** 2 + (g1 - x1) ** 2 + (g2 - x2) ** 2
        dmin1 = jnp.min(d, axis=1, keepdims=True)
        i1 = jnp.min(jnp.where(d == dmin1, iota_lanes, _BIG),
                     axis=1, keepdims=True)
        e1_ref[0, pl.ds(k * _BLK, _BLK), :] = jnp.exp(-_ALPHA * dmin1)
        i1_ref[0, pl.ds(k * _BLK, _BLK), :] = i1
        bmin = jnp.min(d, axis=0, keepdims=True)
        barg = jnp.min(jnp.where(d == bmin, iota_rows + k * _BLK, _BIG),
                       axis=0, keepdims=True)
        upd = bmin < min2
        min2 = jnp.where(upd, bmin, min2)
        idx2 = jnp.where(upd, barg, idx2)
    e2_ref[0] = jnp.exp(-_ALPHA * min2)
    i2_ref[0] = idx2


def _dist_call(gp, xt):
    B = gp.shape[0]
    return pl.pallas_call(
        _dist_kernel,
        grid=(B,),
        in_specs=[
            pl.BlockSpec((1, _N, 8), lambda b: (b, 0, 0)),
            pl.BlockSpec((1, 8, _N), lambda b: (b, 0, 0)),
        ],
        out_specs=[
            pl.BlockSpec((1, _N, 1), lambda b: (b, 0, 0)),
            pl.BlockSpec((1, _N, 1), lambda b: (b, 0, 0)),
            pl.BlockSpec((1, 1, _N), lambda b: (b, 0, 0)),
            pl.BlockSpec((1, 1, _N), lambda b: (b, 0, 0)),
        ],
        out_shape=[
            jax.ShapeDtypeStruct((B, _N, 1), jnp.float32),
            jax.ShapeDtypeStruct((B, _N, 1), jnp.int32),
            jax.ShapeDtypeStruct((B, 1, _N), jnp.float32),
            jax.ShapeDtypeStruct((B, 1, _N), jnp.int32),
        ],
        compiler_params=pltpu.CompilerParams(
            dimension_semantics=("parallel",)),
    )(gp, xt)


def _sc_count_kernel(i1_hbm, e1_hbm, i2_hbm, e2_hbm, wt_hbm, out_hbm,
                     idx_v, e_v, cnt_v, wt_v, out_v):
    c = lax.axis_index("c")
    s = lax.axis_index("s")

    @pl.when(s < _B)
    def _():
        base = s * _N

        @pl.when(c == 0)
        def _():
            pltpu.sync_copy(i1_hbm.at[pl.ds(base, _N)], idx_v)
            pltpu.sync_copy(e1_hbm.at[pl.ds(base, _N)], e_v)

        @pl.when(c == 1)
        def _():
            pltpu.sync_copy(i2_hbm.at[pl.ds(base, _N)], idx_v)
            pltpu.sync_copy(e2_hbm.at[pl.ds(base, _N)], e_v)

        pltpu.sync_copy(wt_hbm, wt_v)
        zeros16 = jnp.zeros((_VL,), jnp.int32)
        for i in range(_N // _VL):
            cnt_v[pl.ds(i * _VL, _VL)] = zeros16
        ones16 = jnp.ones((_VL,), jnp.int32)
        for i in range(_N // _VL):
            iv = idx_v[pl.ds(i * _VL, _VL)]
            plsc.addupdate_scatter(cnt_v, [iv], ones16)
        acc = jnp.zeros((_VL,), jnp.float32)
        for i in range(_N // _VL):
            iv = idx_v[pl.ds(i * _VL, _VL)]
            cv = plsc.load_gather(cnt_v, [iv])
            wv = plsc.load_gather(wt_v, [cv])
            acc = acc + e_v[pl.ds(i * _VL, _VL)] * wv
        out_v[...] = acc
        pltpu.sync_copy(out_v, out_hbm.at[pl.ds((s * 2 + c) * _VL, _VL)])


def _sc_count_call(i1f, e1f, i2f, e2f, wtable):
    mesh = plsc.VectorSubcoreMesh(core_axis_name="c", subcore_axis_name="s")
    fn = functools.partial(
        pl.kernel, mesh=mesh,
        out_type=jax.ShapeDtypeStruct((_B * 2 * _VL,), jnp.float32),
        compiler_params=pltpu.CompilerParams(needs_layout_passes=False),
        scratch_types=[
            pltpu.VMEM((_N,), jnp.int32),
            pltpu.VMEM((_N,), jnp.float32),
            pltpu.VMEM((_N,), jnp.int32),
            pltpu.VMEM((_WT_LEN,), jnp.float32),
            pltpu.VMEM((_VL,), jnp.float32),
        ],
    )(_sc_count_kernel)
    return fn(i1f, e1f, i2f, e2f, wtable)


@jax.jit
def kernel(x, gt):
    x = x.astype(jnp.float32)
    gt = gt.astype(jnp.float32)
    B = x.shape[0]
    xp = jnp.pad(x, ((0, 0), (0, 0), (0, 5)))
    gp = jnp.pad(gt, ((0, 0), (0, 0), (0, 5)))
    xt = xp.transpose(0, 2, 1)
    e1, i1, e2, i2 = _dist_call(gp, xt)
    wtable = 1.0 / (jnp.arange(_WT_LEN, dtype=jnp.float32) ** _N_LAMBDA
                    + 1e-6)
    partials = _sc_count_call(
        i1.reshape(B * _N), e1.reshape(B * _N),
        i2.reshape(B * _N), e2.reshape(B * _N), wtable)
    tot = jnp.sum(partials.reshape(B, 2 * _VL), axis=1)
    loss_b = 1.0 - tot / (2.0 * _N)
    return jnp.mean(loss_b)

# --- scband reference (transcript-rebuilt; emitter-appended) ---
"""Pipeline reference for scband-dcdloss-90348932038724 (READ-ONLY COPY).

The authoritative reference and input builder live on the scoring server;
editing this copy changes nothing except your own understanding.
"""

import jax, jax.numpy as jnp
import numpy as np


def setup_inputs(seed: int = 0) -> dict:
    key = jax.random.key(seed)
    k1, k2 = jax.random.split(key)
    x = jax.random.normal(k1, (8, 2048, 3), dtype=jnp.float32)
    gt = jax.random.normal(k2, (8, 2048, 3), dtype=jnp.float32)
    return {"x": x, "gt": gt}


def _chamfer(xyz1, xyz2):
    # brute-force squared-distance chamfer, matching chamfer_3DDist semantics
    d = jnp.sum((xyz1[:, :, None, :] - xyz2[:, None, :, :]) ** 2, axis=-1)
    dist1 = jnp.min(d, axis=2)
    idx1 = jnp.argmin(d, axis=2)
    dist2 = jnp.min(d, axis=1)
    idx2 = jnp.argmin(d, axis=1)
    return dist1, dist2, idx1, idx2


def reference(x, gt):
    alpha = 50.0
    n_lambda = 0.5
    x = x.astype(jnp.float32)
    gt = gt.astype(jnp.float32)
    B, n_x, _ = x.shape
    _, n_gt, _ = gt.shape
    frac_12 = n_x / n_gt
    frac_21 = n_gt / n_x
    # note: original calls chamfer_dist(gt, output) -> dist1 over gt points (idx into x),
    # dist2 over x points (idx into gt)
    dist1, dist2, idx1, idx2 = _chamfer(gt, x)
    exp_dist1 = jnp.exp(-dist1 * alpha)
    exp_dist2 = jnp.exp(-dist2 * alpha)
    b_idx = jnp.arange(B)[:, None]
    count1 = jnp.zeros((B, n_x), jnp.float32).at[b_idx, idx1].add(1.0)
    weight1 = jax.lax.stop_gradient(jnp.take_along_axis(count1, idx1, axis=1) ** n_lambda)
    weight1 = (weight1 + 1e-06) ** (-1) * frac_21
    loss1 = jnp.mean(-exp_dist1 * weight1 + 1.0, axis=1)
    count2 = jnp.zeros((B, n_gt), jnp.float32).at[b_idx, idx2].add(1.0)
    weight2 = jax.lax.stop_gradient(jnp.take_along_axis(count2, idx2, axis=1) ** n_lambda)
    weight2 = (weight2 + 1e-06) ** (-1) * frac_12
    loss2 = jnp.mean(-exp_dist2 * weight2 + 1.0, axis=1)
    loss = (loss1 + loss2) / 2.0
    return jnp.mean(loss)

if __name__ == "__main__":
    import jax
    _d = setup_inputs()
    print(jax.jit(kernel)(*tuple(_d.values())))

</pallas_src>

<mosaic_0001>
#map = affine_map<(d0, d1) -> (0)>
module attributes {stable_mosaic.version = 14 : i64} {
  func.func @_sc_count_kernel(%arg0: i32, %arg1: i32, %arg2: memref<16384xi32, #tpu.memory_space<hbm>>, %arg3: memref<16384xf32, #tpu.memory_space<hbm>>, %arg4: memref<16384xi32, #tpu.memory_space<hbm>>, %arg5: memref<16384xf32, #tpu.memory_space<hbm>>, %arg6: memref<2056xf32, #tpu.memory_space<hbm>>, %arg7: memref<256xf32, #tpu.memory_space<hbm>>, %arg8: memref<2048xi32, #tpu.memory_space<vmem>>, %arg9: memref<2048xf32, #tpu.memory_space<vmem>>, %arg10: memref<2048xi32, #tpu.memory_space<vmem>>, %arg11: memref<2056xf32, #tpu.memory_space<vmem>>, %arg12: memref<16xf32, #tpu.memory_space<vmem>>) attributes {dimension_semantics = [#tpu.dimension_semantics<core_parallel>, #tpu.dimension_semantics<subcore_parallel>], iteration_bounds = array<i64: 2, 16>, scalar_prefetch = 0 : i64, scratch_operands = 5 : i64, tpu.core_type = #tpu.core_type<sc_vector_subcore>, window_params = [{transform_indices = #map}, {transform_indices = #map}, {transform_indices = #map}, {transform_indices = #map}, {transform_indices = #map}, {transform_indices = #map}]} {
    %lt3A = arith.constant 8 : i32
    %lt3A_0 = arith.cmpi slt, %arg1, %lt3A : i32
    %convert_element_type3A = arith.extui %lt3A_0 : i1 to i32
    %cond3A = arith.constant 0 : i32
    %cond3A_1 = arith.cmpi ne, %convert_element_type3A, %cond3A : i32
    scf.if %cond3A_1 {
      %mul3A = arith.constant 2048 : i32
      %mul3A_2 = arith.muli %arg1, %mul3A : i32
      %eq3A = arith.constant 0 : i32
      %eq3A_3 = arith.cmpi eq, %arg0, %eq3A : i32
      %convert_element_type3A_4 = arith.extui %eq3A_3 : i1 to i32
      %cond3A_5 = arith.constant 0 : i32
      %cond3A_6 = arith.cmpi ne, %convert_element_type3A_4, %cond3A_5 : i32
      scf.if %cond3A_6 {
        "tpu.region"() ({
          %run_scoped3A = tpu.sem_alloc : memref<!tpu.dma_semaphore, #tpu.memory_space<semaphore_mem>>
          %dma_start3A = tpu.memref_slice %arg2[%mul3A_2] : memref<16384xi32, #tpu.memory_space<hbm>> -> memref<2048xi32, #tpu.memory_space<hbm>>
          %dma_start3A_1556 = tpu.memref_slice %arg2[%mul3A_2] : memref<16384xi32, #tpu.memory_space<hbm>> -> memref<2048xi32, #tpu.memory_space<hbm>>
          tpu.enqueue_dma source(%dma_start3A_1556 : memref<2048xi32, #tpu.memory_space<hbm>>) target(%arg8 : memref<2048xi32, #tpu.memory_space<vmem>>) target_semaphore(%run_scoped3A : memref<!tpu.dma_semaphore, #tpu.memory_space<semaphore_mem>>)
          %dma_wait3A = tpu.memref_slice %arg2[%mul3A_2] : memref<16384xi32, #tpu.memory_space<hbm>> -> memref<2048xi32, #tpu.memory_space<hbm>>
          %dma_wait3A_1557 = tpu.memref_slice %arg2[%mul3A_2] : memref<16384xi32, #tpu.memory_space<hbm>> -> memref<2048xi32, #tpu.memory_space<hbm>>
          tpu.wait_dma2 semaphore(%run_scoped3A : memref<!tpu.dma_semaphore, #tpu.memory_space<semaphore_mem>>) src(%dma_wait3A_1557 : memref<2048xi32, #tpu.memory_space<hbm>>) dst(%arg8 : memref<2048xi32, #tpu.memory_space<vmem>>)
          tpu.yield
        }) : () -> ()
        "tpu.region"() ({
          %run_scoped3A = tpu.sem_alloc : memref<!tpu.dma_semaphore, #tpu.memory_space<semaphore_mem>>
          %dma_start3A = tpu.memref_slice %arg3[%mul3A_2] : memref<16384xf32, #tpu.memory_space<hbm>> -> memref<2048xf32, #tpu.memory_space<hbm>>
          %dma_start3A_1556 = tpu.memref_slice %arg3[%mul3A_2] : memref<16384xf32, #tpu.memory_space<hbm>> -> memref<2048xf32, #tpu.memory_space<hbm>>
          tpu.enqueue_dma source(%dma_start3A_1556 : memref<2048xf32, #tpu.memory_space<hbm>>) target(%arg9 : memref<2048xf32, #tpu.memory_space<vmem>>) target_semaphore(%run_scoped3A : memref<!tpu.dma_semaphore, #tpu.memory_space<semaphore_mem>>)
          %dma_wait3A = tpu.memref_slice %arg3[%mul3A_2] : memref<16384xf32, #tpu.memory_space<hbm>> -> memref<2048xf32, #tpu.memory_space<hbm>>
          %dma_wait3A_1557 = tpu.memref_slice %arg3[%mul3A_2] : memref<16384xf32, #tpu.memory_space<hbm>> -> memref<2048xf32, #tpu.memory_space<hbm>>
          tpu.wait_dma2 semaphore(%run_scoped3A : memref<!tpu.dma_semaphore, #tpu.memory_space<semaphore_mem>>) src(%dma_wait3A_1557 : memref<2048xf32, #tpu.memory_space<hbm>>) dst(%arg9 : memref<2048xf32, #tpu.memory_space<vmem>>)
          tpu.yield
        }) : () -> ()
      } else {
      }
      %eq3A_7 = arith.constant 1 : i32
      %eq3A_8 = arith.cmpi eq, %arg0, %eq3A_7 : i32
      %convert_element_type3A_9 = arith.extui %eq3A_8 : i1 to i32
      %cond3A_10 = arith.constant 0 : i32
      %cond3A_11 = arith.cmpi ne, %convert_element_type3A_9, %cond3A_10 : i32
      scf.if %cond3A_11 {
        "tpu.region"() ({
          %run_scoped3A = tpu.sem_alloc : memref<!tpu.dma_semaphore, #tpu.memory_space<semaphore_mem>>
          %dma_start3A = tpu.memref_slice %arg4[%mul3A_2] : memref<16384xi32, #tpu.memory_space<hbm>> -> memref<2048xi32, #tpu.memory_space<hbm>>
          %dma_start3A_1556 = tpu.memref_slice %arg4[%mul3A_2] : memref<16384xi32, #tpu.memory_space<hbm>> -> memref<2048xi32, #tpu.memory_space<hbm>>
          tpu.enqueue_dma source(%dma_start3A_1556 : memref<2048xi32, #tpu.memory_space<hbm>>) target(%arg8 : memref<2048xi32, #tpu.memory_space<vmem>>) target_semaphore(%run_scoped3A : memref<!tpu.dma_semaphore, #tpu.memory_space<semaphore_mem>>)
          %dma_wait3A = tpu.memref_slice %arg4[%mul3A_2] : memref<16384xi32, #tpu.memory_space<hbm>> -> memref<2048xi32, #tpu.memory_space<hbm>>
          %dma_wait3A_1557 = tpu.memref_slice %arg4[%mul3A_2] : memref<16384xi32, #tpu.memory_space<hbm>> -> memref<2048xi32, #tpu.memory_space<hbm>>
          tpu.wait_dma2 semaphore(%run_scoped3A : memref<!tpu.dma_semaphore, #tpu.memory_space<semaphore_mem>>) src(%dma_wait3A_1557 : memref<2048xi32, #tpu.memory_space<hbm>>) dst(%arg8 : memref<2048xi32, #tpu.memory_space<vmem>>)
          tpu.yield
        }) : () -> ()
        "tpu.region"() ({
          %run_scoped3A = tpu.sem_alloc : memref<!tpu.dma_semaphore, #tpu.memory_space<semaphore_mem>>
          %dma_start3A = tpu.memref_slice %arg5[%mul3A_2] : memref<16384xf32, #tpu.memory_space<hbm>> -> memref<2048xf32, #tpu.memory_space<hbm>>
          %dma_start3A_1556 = tpu.memref_slice %arg5[%mul3A_2] : memref<16384xf32, #tpu.memory_space<hbm>> -> memref<2048xf32, #tpu.memory_space<hbm>>
          tpu.enqueue_dma source(%dma_start3A_1556 : memref<2048xf32, #tpu.memory_space<hbm>>) target(%arg9 : memref<2048xf32, #tpu.memory_space<vmem>>) target_semaphore(%run_scoped3A : memref<!tpu.dma_semaphore, #tpu.memory_space<semaphore_mem>>)
          %dma_wait3A = tpu.memref_slice %arg5[%mul3A_2] : memref<16384xf32, #tpu.memory_space<hbm>> -> memref<2048xf32, #tpu.memory_space<hbm>>
          %dma_wait3A_1557 = tpu.memref_slice %arg5[%mul3A_2] : memref<16384xf32, #tpu.memory_space<hbm>> -> memref<2048xf32, #tpu.memory_space<hbm>>
          tpu.wait_dma2 semaphore(%run_scoped3A : memref<!tpu.dma_semaphore, #tpu.memory_space<semaphore_mem>>) src(%dma_wait3A_1557 : memref<2048xf32, #tpu.memory_space<hbm>>) dst(%arg9 : memref<2048xf32, #tpu.memory_space<vmem>>)
          tpu.yield
        }) : () -> ()
      } else {
      }
      "tpu.region"() ({
        %run_scoped3A = tpu.sem_alloc : memref<!tpu.dma_semaphore, #tpu.memory_space<semaphore_mem>>
        tpu.enqueue_dma source(%arg6 : memref<2056xf32, #tpu.memory_space<hbm>>) target(%arg11 : memref<2056xf32, #tpu.memory_space<vmem>>) target_semaphore(%run_scoped3A : memref<!tpu.dma_semaphore, #tpu.memory_space<semaphore_mem>>)
        tpu.wait_dma2 semaphore(%run_scoped3A : memref<!tpu.dma_semaphore, #tpu.memory_space<semaphore_mem>>) src(%arg6 : memref<2056xf32, #tpu.memory_space<hbm>>) dst(%arg11 : memref<2056xf32, #tpu.memory_space<vmem>>)
        tpu.yield
      }) : () -> ()
      %broadcast_in_dim3A = arith.constant 0 : i32
      %broadcast_in_dim3A_12 = vector.broadcast %broadcast_in_dim3A : i32 to vector<16xi32>
      %swap3A = arith.constant 0 : index
      %swap3A_13 = tpu.vector_load %arg10[%swap3A] {strides = array<i32>} : memref<2048xi32, #tpu.memory_space<vmem>>, vector<16xi32>,
      tpu.vector_store %arg10[%swap3A], %broadcast_in_dim3A_12 {strides = array<i32>} : memref<2048xi32, #tpu.memory_space<vmem>>, vector<16xi32>,
      %swap3A_14 = arith.constant 16 : index
      %swap3A_15 = tpu.vector_load %arg10[%swap3A_14] {strides = array<i32>} : memref<2048xi32, #tpu.memory_space<vmem>>, vector<16xi32>,
      tpu.vector_store %arg10[%swap3A_14], %broadcast_in_dim3A_12 {strides = array<i32>} : memref<2048xi32, #tpu.memory_space<vmem>>, vector<16xi32>,
      %swap3A_16 = arith.constant 32 : index
      %swap3A_17 = tpu.vector_load %arg10[%swap3A_16] {strides = array<i32>} : memref<2048xi32, #tpu.memory_space<vmem>>, vector<16xi32>,
      tpu.vector_store %arg10[%swap3A_16], %broadcast_in_dim3A_12 {strides = array<i32>} : memref<2048xi32, #tpu.memory_space<vmem>>, vector<16xi32>,
      %swap3A_18 = arith.constant 48 : index
      %swap3A_19 = tpu.vector_load %arg10[%swap3A_18] {strides = array<i32>} : memref<2048xi32, #tpu.memory_space<vmem>>, vector<16xi32>,
      tpu.vector_store %arg10[%swap3A_18], %broadcast_in_dim3A_12 {strides = array<i32>} : memref<2048xi32, #tpu.memory_space<vmem>>, vector<16xi32>,
      %swap3A_20 = arith.constant 64 : index
      %swap3A_21 = tpu.vector_load %arg10[%swap3A_20] {strides = array<i32>} : memref<2048xi32, #tpu.memory_space<vmem>>, vector<16xi32>,
      tpu.vector_store %arg10[%swap3A_20], %broadcast_in_dim3A_12 {strides = array<i32>} : memref<2048xi32, #tpu.memory_space<vmem>>, vector<16xi32>,
      %swap3A_22 = arith.constant 80 : index
      %swap3A_23 = tpu.vector_load %arg10[%swap3A_22] {strides = array<i32>} : memref<2048xi32, #tpu.memory_space<vmem>>, vector<16xi32>,
      tpu.vector_store %arg10[%swap3A_22], %broadcast_in_dim3A_12 {strides = array<i32>} : memref<2048xi32, #tpu.memory_space<vmem>>, vector<16xi32>,
      %swap3A_24 = arith.constant 96 : index
      %swap3A_25 = tpu.vector_load %arg10[%swap3A_24] {strides = array<i32>} : memref<2048xi32, #tpu.memory_space<vmem>>, vector<16xi32>,
      tpu.vector_store %arg10[%swap3A_24], %broadcast_in_dim3A_12 {strides = array<i32>} : memref<2048xi32, #tpu.memory_space<vmem>>, vector<16xi32>,
      %swap3A_26 = arith.constant 112 : index
      %swap3A_27 = tpu.vector_load %arg10[%swap3A_26] {strides = array<i32>} : memref<2048xi32, #tpu.memory_space<vmem>>, vector<16xi32>,
      tpu.vector_store %arg10[%swap3A_26], %broadcast_in_dim3A_12 {strides = array<i32>} : memref<2048xi32, #tpu.memory_space<vmem>>, vector<16xi32>,
      %swap3A_28 = arith.constant 128 : index
      %swap3A_29 = tpu.vector_load %arg10[%swap3A_28] {strides = array<i32>} : memref<2048xi32, #tpu.memory_space<vmem>>, vector<16xi32>,
      tpu.vector_store %arg10[%swap3A_28], %broadcast_in_dim3A_12 {strides = array<i32>} : memref<2048xi32, #tpu.memory_space<vmem>>, vector<16xi32>,
      %swap3A_30 = arith.constant 144 : index
      %swap3A_31 = tpu.vector_load %arg10[%swap3A_30] {strides = array<i32>} : memref<2048xi32, #tpu.memory_space<vmem>>, vector<16xi32>,
      tpu.vector_store %arg10[%swap3A_30], %broadcast_in_dim3A_12 {strides = array<i32>} : memref<2048xi32, #tpu.memory_space<vmem>>, vector<16xi32>,
      %swap3A_32 = arith.constant 160 : index
      %swap3A_33 = tpu.vector_load %arg10[%swap3A_32] {strides = array<i32>} : memref<2048xi32, #tpu.memory_space<vmem>>, vector<16xi32>,
      tpu.vector_store %arg10[%swap3A_32], %broadcast_in_dim3A_12 {strides = array<i32>} : memref<2048xi32, #tpu.memory_space<vmem>>, vector<16xi32>,
      %swap3A_34 = arith.constant 176 : index
      %swap3A_35 = tpu.vector_load %arg10[%swap3A_34] {strides = array<i32>} : memref<2048xi32, #tpu.memory_space<vmem>>, vector<16xi32>,
      tpu.vector_store %arg10[%swap3A_34], %broadcast_in_dim3A_12 {strides = array<i32>} : memref<2048xi32, #tpu.memory_space<vmem>>, vector<16xi32>,
      %swap3A_36 = arith.constant 192 : index
      %swap3A_37 = tpu.vector_load %arg10[%swap3A_36] {strides = array<i32>} : memref<2048xi32, #tpu.memory_space<vmem>>, vector<16xi32>,
      tpu.vector_store %arg10[%swap3A_36], %broadcast_in_dim3A_12 {strides = array<i32>} : memref<2048xi32, #tpu.memory_space<vmem>>, vector<16xi32>,
      %swap3A_38 = arith.constant 208 : index
      %swap3A_39 = tpu.vector_load %arg10[%swap3A_38] {strides = array<i32>} : memref<2048xi32, #tpu.memory_space<vmem>>, vector<16xi32>,
      tpu.vector_store %arg10[%swap3A_38], %broadcast_in_dim3A_12 {strides = array<i32>} : memref<2048xi32, #tpu.memory_space<vmem>>, vector<16xi32>,
      %swap3A_40 = arith.constant 224 : index
      %swap3A_41 = tpu.vector_load %arg10[%swap3A_40] {strides = array<i32>} : memref<2048xi32, #tpu.memory_space<vmem>>, vector<16xi32>,
      tpu.vector_store %arg10[%swap3A_40], %broadcast_in_dim3A_12 {strides = array<i32>} : memref<2048xi32, #tpu.memory_space<vmem>>, vector<16xi32>,
      %swap3A_42 = arith.constant 240 : index
      %swap3A_43 = tpu.vector_load %arg10[%swap3A_42] {strides = array<i32>} : memref<2048xi32, #tpu.memory_space<vmem>>, vector<16xi32>,
      tpu.vector_store %arg10[%swap3A_42], %broadcast_in_dim3A_12 {strides = array<i32>} : memref<2048xi32, #tpu.memory_space<vmem>>, vector<16xi32>,
      %swap3A_44 = arith.constant 256 : index
      %swap3A_45 = tpu.vector_load %arg10[%swap3A_44] {strides = array<i32>} : memref<2048xi32, #tpu.memory_space<vmem>>, vector<16xi32>,
      tpu.vector_store %arg10[%swap3A_44], %broadcast_in_dim3A_12 {strides = array<i32>} : memref<2048xi32, #tpu.memory_space<vmem>>, vector<16xi32>,
      %swap3A_46 = arith.constant 272 : index
      %swap3A_47 = tpu.vector_load %arg10[%swap3A_46] {strides = array<i32>} : memref<2048xi32, #tpu.memory_space<vmem>>, vector<16xi32>,
      tpu.vector_store %arg10[%swap3A_46], %broadcast_in_dim3A_12 {strides = array<i32>} : memref<2048xi32, #tpu.memory_space<vmem>>, vector<16xi32>,
      %swap3A_48 = arith.constant 288 : index
      %swap3A_49 = tpu.vector_load %arg10[%swap3A_48] {strides = array<i32>} : memref<2048xi32, #tpu.memory_space<vmem>>, vector<16xi32>,
      tpu.vector_store %arg10[%swap3A_48], %broadcast_in_dim3A_12 {strides = array<i32>} : memref<2048xi32, #tpu.memory_space<vmem>>, vector<16xi32>,
      %swap3A_50 = arith.constant 304 : index
      %swap3A_51 = tpu.vector_load %arg10[%swap3A_50] {strides = array<i32>} : memref<2048xi32, #tpu.memory_space<vmem>>, vector<16xi32>,
      tpu.vector_store %arg10[%swap3A_50], %broadcast_in_dim3A_12 {strides = array<i32>} : memref<2048xi32, #tpu.memory_space<vmem>>, vector<16xi32>,
      %swap3A_52 = arith.constant 320 : index
      %swap3A_53 = tpu.vector_load %arg10[%swap3A_52] {strides = array<i32>} : memref<2048xi32, #tpu.memory_space<vmem>>, vector<16xi32>,
      tpu.vector_store %arg10[%swap3A_52], %broadcast_in_dim3A_12 {strides = array<i32>} : memref<2048xi32, #tpu.memory_space<vmem>>, vector<16xi32>,
      %swap3A_54 = arith.constant 336 : index
      %swap3A_55 = tpu.vector_load %arg10[%swap3A_54] {strides = array<i32>} : memref<2048xi32, #tpu.memory_space<vmem>>, vector<16xi32>,
      tpu.vector_store %arg10[%swap3A_54], %broadcast_in_dim3A_12 {strides = array<i32>} : memref<2048xi32, #tpu.memory_space<vmem>>, vector<16xi32>,
      %swap3A_56 = arith.constant 352 : index
      %swap3A_57 = tpu.vector_load %arg10[%swap3A_56] {strides = array<i32>} : memref<2048xi32, #tpu.memory_space<vmem>>, vector<16xi32>,
      tpu.vector_store %arg10[%swap3A_56], %broadcast_in_dim3A_12 {strides = array<i32>} : memref<2048xi32, #tpu.memory_space<vmem>>, vector<16xi32>,
      %swap3A_58 = arith.constant 368 : index
      %swap3A_59 = tpu.vector_load %arg10[%swap3A_58] {strides = array<i32>} : memref<2048xi32, #tpu.memory_space<vmem>>, vector<16xi32>,
      tpu.vector_store %arg10[%swap3A_58], %broadcast_in_dim3A_12 {strides = array<i32>} : memref<2048xi32, #tpu.memory_space<vmem>>, vector<16xi32>,
      %swap3A_60 = arith.constant 384 : index
      %swap3A_61 = tpu.vector_load %arg10[%swap3A_60] {strides = array<i32>} : memref<2048xi32, #tpu.memory_space<vmem>>, vector<16xi32>,
      tpu.vector_store %arg10[%swap3A_60], %broadcast_in_dim3A_12 {strides = array<i32>} : memref<2048xi32, #tpu.memory_space<vmem>>, vector<16xi32>,
      %swap3A_62 = arith.constant 400 : index
      %swap3A_63 = tpu.vector_load %arg10[%swap3A_62] {strides = array<i32>} : memref<2048xi32, #tpu.memory_space<vmem>>, vector<16xi32>,
      tpu.vector_store %arg10[%swap3A_62], %broadcast_in_dim3A_12 {strides = array<i32>} : memref<2048xi32, #tpu.memory_space<vmem>>, vector<16xi32>,
      %swap3A_64 = arith.constant 416 : index
      %swap3A_65 = tpu.vector_load %arg10[%swap3A_64] {strides = array<i32>} : memref<2048xi32, #tpu.memory_space<vmem>>, vector<16xi32>,
      tpu.vector_store %arg10[%swap3A_64], %broadcast_in_dim3A_12 {strides = array<i32>} : memref<2048xi32, #tpu.memory_space<vmem>>, vector<16xi32>,
      %swap3A_66 = arith.constant 432 : index
      %swap3A_67 = tpu.vector_load %arg10[%swap3A_66] {strides = array<i32>} : memref<2048xi32, #tpu.memory_space<vmem>>, vector<16xi32>,
      tpu.vector_store %arg10[%swap3A_66], %broadcast_in_dim3A_12 {strides = array<i32>} : memref<2048xi32, #tpu.memory_space<vmem>>, vector<16xi32>,
      %swap3A_68 = arith.constant 448 : index
      %swap3A_69 = tpu.vector_load %arg10[%swap3A_68] {strides = array<i32>} : memref<2048xi32, #tpu.memory_space<vmem>>, vector<16xi32>,
      tpu.vector_store %arg10[%swap3A_68], %broadcast_in_dim3A_12 {strides = array<i32>} : memref<2048xi32, #tpu.memory_space<vmem>>, vector<16xi32>,
      %swap3A_70 = arith.constant 464 : index
      %swap3A_71 = tpu.vector_load %arg10[%swap3A_70] {strides = array<i32>} : memref<2048xi32, #tpu.memory_space<vmem>>, vector<16xi32>,
      tpu.vector_store %arg10[%swap3A_70], %broadcast_in_dim3A_12 {strides = array<i32>} : memref<2048xi32, #tpu.memory_space<vmem>>, vector<16xi32>,
      %swap3A_72 = arith.constant 480 : index
      %swap3A_73 = tpu.vector_load %arg10[%swap3A_72] {strides = array<i32>} : memref<2048xi32, #tpu.memory_space<vmem>>, vector<16xi32>,
      tpu.vector_store %arg10[%swap3A_72], %broadcast_in_dim3A_12 {strides = array<i32>} : memref<2048xi32, #tpu.memory_space<vmem>>, vector<16xi32>,
      %swap3A_74 = arith.constant 496 : index
      %swap3A_75 = tpu.vector_load %arg10[%swap3A_74] {strides = array<i32>} : memref<2048xi32, #tpu.memory_space<vmem>>, vector<16xi32>,
      tpu.vector_store %arg10[%swap3A_74], %broadcast_in_dim3A_12 {strides = array<i32>} : memref<2048xi32, #tpu.memory_space<vmem>>, vector<16xi32>,
      %swap3A_76 = arith.constant 512 : index
      %swap3A_77 = tpu.vector_load %arg10[%swap3A_76] {strides = array<i32>} : memref<2048xi32, #tpu.memory_space<vmem>>, vector<16xi32>,
      tpu.vector_store %arg10[%swap3A_76], %broadcast_in_dim3A_12 {strides = array<i32>} : memref<2048xi32, #tpu.memory_space<vmem>>, vector<16xi32>,
      %swap3A_78 = arith.constant 528 : index
      %swap3A_79 = tpu.vector_load %arg10[%swap3A_78] {strides = array<i32>} : memref<2048xi32, #tpu.memory_space<vmem>>, vector<16xi32>,
      tpu.vector_store %arg10[%swap3A_78], %broadcast_in_dim3A_12 {strides = array<i32>} : memref<2048xi32, #tpu.memory_space<vmem>>, vector<16xi32>,
      %swap3A_80 = arith.constant 544 : index
      %swap3A_81 = tpu.vector_load %arg10[%swap3A_80] {strides = array<i32>} : memref<2048xi32, #tpu.memory_space<vmem>>, vector<16xi32>,
      tpu.vector_store %arg10[%swap3A_80], %broadcast_in_dim3A_12 {strides = array<i32>} : memref<2048xi32, #tpu.memory_space<vmem>>, vector<16xi32>,
      %swap3A_82 = arith.constant 560 : index
      %swap3A_83 = tpu.vector_load %arg10[%swap3A_82] {strides = array<i32>} : memref<2048xi32, #tpu.memory_space<vmem>>, vector<16xi32>,
      tpu.vector_store %arg10[%swap3A_82], %broadcast_in_dim3A_12 {strides = array<i32>} : memref<2048xi32, #tpu.memory_space<vmem>>, vector<16xi32>,
      %swap3A_84 = arith.constant 576 : index
      %swap3A_85 = tpu.vector_load %arg10[%swap3A_84] {strides = array<i32>} : memref<2048xi32, #tpu.memory_space<vmem>>, vector<16xi32>,
      tpu.vector_store %arg10[%swap3A_84], %broadcast_in_dim3A_12 {strides = array<i32>} : memref<2048xi32, #tpu.memory_space<vmem>>, vector<16xi32>,
      %swap3A_86 = arith.constant 592 : index
      %swap3A_87 = tpu.vector_load %arg10[%swap3A_86] {strides = array<i32>} : memref<2048xi32, #tpu.memory_space<vmem>>, vector<16xi32>,
      tpu.vector_store %arg10[%swap3A_86], %broadcast_in_dim3A_12 {strides = array<i32>} : memref<2048xi32, #tpu.memory_space<vmem>>, vector<16xi32>,
      %swap3A_88 = arith.constant 608 : index
      %swap3A_89 = tpu.vector_load %arg10[%swap3A_88] {strides = array<i32>} : memref<2048xi32, #tpu.memory_space<vmem>>, vector<16xi32>,
      tpu.vector_store %arg10[%swap3A_88], %broadcast_in_dim3A_12 {strides = array<i32>} : memref<2048xi32, #tpu.memory_space<vmem>>, vector<16xi32>,
      %swap3A_90 = arith.constant 624 : index
      %swap3A_91 = tpu.vector_load %arg10[%swap3A_90] {strides = array<i32>} : memref<2048xi32, #tpu.memory_space<vmem>>, vector<16xi32>,
      tpu.vector_store %arg10[%swap3A_90], %broadcast_in_dim3A_12 {strides = array<i32>} : memref<2048xi32, #tpu.memory_space<vmem>>, vector<16xi32>,
      %swap3A_92 = arith.constant 640 : index
      %swap3A_93 = tpu.vector_load %arg10[%swap3A_92] {strides = array<i32>} : memref<2048xi32, #tpu.memory_space<vmem>>, vector<16xi32>,
      tpu.vector_store %arg10[%swap3A_92], %broadcast_in_dim3A_12 {strides = array<i32>} : memref<2048xi32, #tpu.memory_space<vmem>>, vector<16xi32>,
      %swap3A_94 = arith.constant 656 : index
      %swap3A_95 = tpu.vector_load %arg10[%swap3A_94] {strides = array<i32>} : memref<2048xi32, #tpu.memory_space<vmem>>, vector<16xi32>,
      tpu.vector_store %arg10[%swap3A_94], %broadcast_in_dim3A_12 {strides = array<i32>} : memref<2048xi32, #tpu.memory_space<vmem>>, vector<16xi32>,
      %swap3A_96 = arith.constant 672 : index
      %swap3A_97 = tpu.vector_load %arg10[%swap3A_96] {strides = array<i32>} : memref<2048xi32, #tpu.memory_space<vmem>>, vector<16xi32>,
      tpu.vector_store %arg10[%swap3A_96], %broadcast_in_dim3A_12 {strides = array<i32>} : memref<2048xi32, #tpu.memory_space<vmem>>, vector<16xi32>,
      %swap3A_98 = arith.constant 688 : index
      %swap3A_99 = tpu.vector_load %arg10[%swap3A_98] {strides = array<i32>} : memref<2048xi32, #tpu.memory_space<vmem>>, vector<16xi32>,
      tpu.vector_store %arg10[%swap3A_98], %broadcast_in_dim3A_12 {strides = array<i32>} : memref<2048xi32, #tpu.memory_space<vmem>>, vector<16xi32>,
      %swap3A_100 = arith.constant 704 : index
      %swap3A_101 = tpu.vector_load %arg10[%swap3A_100] {strides = array<i32>} : memref<2048xi32, #tpu.memory_space<vmem>>, vector<16xi32>,
      tpu.vector_store %arg10[%swap3A_100], %broadcast_in_dim3A_12 {strides = array<i32>} : memref<2048xi32, #tpu.memory_space<vmem>>, vector<16xi32>,
      %swap3A_102 = arith.constant 720 : index
      %swap3A_103 = tpu.vector_load %arg10[%swap3A_102] {strides = array<i32>} : memref<2048xi32, #tpu.memory_space<vmem>>, vector<16xi32>,
      tpu.vector_store %arg10[%swap3A_102], %broadcast_in_dim3A_12 {strides = array<i32>} : memref<2048xi32, #tpu.memory_space<vmem>>, vector<16xi32>,
      %swap3A_104 = arith.constant 736 : index
      %swap3A_105 = tpu.vector_load %arg10[%swap3A_104] {strides = array<i32>} : memref<2048xi32, #tpu.memory_space<vmem>>, vector<16xi32>,
      tpu.vector_store %arg10[%swap3A_104], %broadcast_in_dim3A_12 {strides = array<i32>} : memref<2048xi32, #tpu.memory_space<vmem>>, vector<16xi32>,
      %swap3A_106 = arith.constant 752 : index
      %swap3A_107 = tpu.vector_load %arg10[%swap3A_106] {strides = array<i32>} : memref<2048xi32, #tpu.memory_space<vmem>>, vector<16xi32>,
      tpu.vector_store %arg10[%swap3A_106], %broadcast_in_dim3A_12 {strides = array<i32>} : memref<2048xi32, #tpu.memory_space<vmem>>, vector<16xi32>,
      %swap3A_108 = arith.constant 768 : index
      %swap3A_109 = tpu.vector_load %arg10[%swap3A_108] {strides = array<i32>} : memref<2048xi32, #tpu.memory_space<vmem>>, vector<16xi32>,
      tpu.vector_store %arg10[%swap3A_108], %broadcast_in_dim3A_12 {strides = array<i32>} : memref<2048xi32, #tpu.memory_space<vmem>>, vector<16xi32>,
      %swap3A_110 = arith.constant 784 : index
      %swap3A_111 = tpu.vector_load %arg10[%swap3A_110] {strides = array<i32>} : memref<2048xi32, #tpu.memory_space<vmem>>, vector<16xi32>,
      tpu.vector_store %arg10[%swap3A_110], %broadcast_in_dim3A_12 {strides = array<i32>} : memref<2048xi32, #tpu.memory_space<vmem>>, vector<16xi32>,
      %swap3A_112 = arith.constant 800 : index
      %swap3A_113 = tpu.vector_load %arg10[%swap3A_112] {strides = array<i32>} : memref<2048xi32, #tpu.memory_space<vmem>>, vector<16xi32>,
      tpu.vector_store %arg10[%swap3A_112], %broadcast_in_dim3A_12 {strides = array<i32>} : memref<2048xi32, #tpu.memory_space<vmem>>, vector<16xi32>,
      %swap3A_114 = arith.constant 816 : index
      %swap3A_115 = tpu.vector_load %arg10[%swap3A_114] {strides = array<i32>} : memref<2048xi32, #tpu.memory_space<vmem>>, vector<16xi32>,
      tpu.vector_store %arg10[%swap3A_114], %broadcast_in_dim3A_12 {strides = array<i32>} : memref<2048xi32, #tpu.memory_space<vmem>>, vector<16xi32>,
      %swap3A_116 = arith.constant 832 : index
      %swap3A_117 = tpu.vector_load %arg10[%swap3A_116] {strides = array<i32>} : memref<2048xi32, #tpu.memory_space<vmem>>, vector<16xi32>,
      tpu.vector_store %arg10[%swap3A_116], %broadcast_in_dim3A_12 {strides = array<i32>} : memref<2048xi32, #tpu.memory_space<vmem>>, vector<16xi32>,
      %swap3A_118 = arith.constant 848 : index
      %swap3A_119 = tpu.vector_load %arg10[%swap3A_118] {strides = array<i32>} : memref<2048xi32, #tpu.memory_space<vmem>>, vector<16xi32>,
      tpu.vector_store %arg10[%swap3A_118], %broadcast_in_dim3A_12 {strides = array<i32>} : memref<2048xi32, #tpu.memory_space<vmem>>, vector<16xi32>,
      %swap3A_120 = arith.constant 864 : index
      %swap3A_121 = tpu.vector_load %arg10[%swap3A_120] {strides = array<i32>} : memref<2048xi32, #tpu.memory_space<vmem>>, vector<16xi32>,
      tpu.vector_store %arg10[%swap3A_120], %broadcast_in_dim3A_12 {strides = array<i32>} : memref<2048xi32, #tpu.memory_space<vmem>>, vector<16xi32>,
      %swap3A_122 = arith.constant 880 : index
      %swap3A_123 = tpu.vector_load %arg10[%swap3A_122] {strides = array<i32>} : memref<2048xi32, #tpu.memory_space<vmem>>, vector<16xi32>,
      tpu.vector_store %arg10[%swap3A_122], %broadcast_in_dim3A_12 {strides = array<i32>} : memref<2048xi32, #tpu.memory_space<vmem>>, vector<16xi32>,
      %swap3A_124 = arith.constant 896 : index
      %swap3A_125 = tpu.vector_load %arg10[%swap3A_124] {strides = array<i32>} : memref<2048xi32, #tpu.memory_space<vmem>>, vector<16xi32>,
      tpu.vector_store %arg10[%swap3A_124], %broadcast_in_dim3A_12 {strides = array<i32>} : memref<2048xi32, #tpu.memory_space<vmem>>, vector<16xi32>,
      %swap3A_126 = arith.constant 912 : index
      %swap3A_127 = tpu.vector_load %arg10[%swap3A_126] {strides = array<i32>} : memref<2048xi32, #tpu.memory_space<vmem>>, vector<16xi32>,
      tpu.vector_store %arg10[%swap3A_126], %broadcast_in_dim3A_12 {strides = array<i32>} : memref<2048xi32, #tpu.memory_space<vmem>>, vector<16xi32>,
      %swap3A_128 = arith.constant 928 : index
      %swap3A_129 = tpu.vector_load %arg10[%swap3A_128] {strides = array<i32>} : memref<2048xi32, #tpu.memory_space<vmem>>, vector<16xi32>,
      tpu.vector_store %arg10[%swap3A_128], %broadcast_in_dim3A_12 {strides = array<i32>} : memref<2048xi32, #tpu.memory_space<vmem>>, vector<16xi32>,
      %swap3A_130 = arith.constant 944 : index
      %swap3A_131 = tpu.vector_load %arg10[%swap3A_130] {strides = array<i32>} : memref<2048xi32, #tpu.memory_space<vmem>>, vector<16xi32>,
      tpu.vector_store %arg10[%swap3A_130], %broadcast_in_dim3A_12 {strides = array<i32>} : memref<2048xi32, #tpu.memory_space<vmem>>, vector<16xi32>,
      %swap3A_132 = arith.constant 960 : index
      %swap3A_133 = tpu.vector_load %arg10[%swap3A_132] {strides = array<i32>} : memref<2048xi32, #tpu.memory_space<vmem>>, vector<16xi32>,
      tpu.vector_store %arg10[%swap3A_132], %broadcast_in_dim3A_12 {strides = array<i32>} : memref<2048xi32, #tpu.memory_space<vmem>>, vector<16xi32>,
      %swap3A_134 = arith.constant 976 : index
      %swap3A_135 = tpu.vector_load %arg10[%swap3A_134] {strides = array<i32>} : memref<2048xi32, #tpu.memory_space<vmem>>, vector<16xi32>,
      tpu.vector_store %arg10[%swap3A_134], %broadcast_in_dim3A_12 {strides = array<i32>} : memref<2048xi32, #tpu.memory_space<vmem>>, vector<16xi32>,
      %swap3A_136 = arith.constant 992 : index
      %swap3A_137 = tpu.vector_load %arg10[%swap3A_136] {strides = array<i32>} : memref<2048xi32, #tpu.memory_space<vmem>>, vector<16xi32>,
      tpu.vector_store %arg10[%swap3A_136], %broadcast_in_dim3A_12 {strides = array<i32>} : memref<2048xi32, #tpu.memory_space<vmem>>, vector<16xi32>,
      %swap3A_138 = arith.constant 1008 : index
      %swap3A_139 = tpu.vector_load %arg10[%swap3A_138] {strides = array<i32>} : memref<2048xi32, #tpu.memory_space<vmem>>, vector<16xi32>,
      tpu.vector_store %arg10[%swap3A_138], %broadcast_in_dim3A_12 {strides = array<i32>} : memref<2048xi32, #tpu.memory_space<vmem>>, vector<16xi32>,
      %swap3A_140 = arith.constant 1024 : index
      %swap3A_141 = tpu.vector_load %arg10[%swap3A_140] {strides = array<i32>} : memref<2048xi32, #tpu.memory_space<vmem>>, vector<16xi32>,
      tpu.vector_store %arg10[%swap3A_140], %broadcast_in_dim3A_12 {strides = array<i32>} : memref<2048xi32, #tpu.memory_space<vmem>>, vector<16xi32>,
      %swap3A_142 = arith.constant 1040 : index
      %swap3A_143 = tpu.vector_load %arg10[%swap3A_142] {strides = array<i32>} : memref<2048xi32, #tpu.memory_space<vmem>>, vector<16xi32>,
      tpu.vector_store %arg10[%swap3A_142], %broadcast_in_dim3A_12 {strides = array<i32>} : memref<2048xi32, #tpu.memory_space<vmem>>, vector<16xi32>,
      %swap3A_144 = arith.constant 1056 : index
      %swap3A_145 = tpu.vector_load %arg10[%swap3A_144] {strides = array<i32>} : memref<2048xi32, #tpu.memory_space<vmem>>, vector<16xi32>,
      tpu.vector_store %arg10[%swap3A_144], %broadcast_in_dim3A_12 {strides = array<i32>} : memref<2048xi32, #tpu.memory_space<vmem>>, vector<16xi32>,
      %swap3A_146 = arith.constant 1072 : index
      %swap3A_147 = tpu.vector_load %arg10[%swap3A_146] {strides = array<i32>} : memref<2048xi32, #tpu.memory_space<vmem>>, vector<16xi32>,
      tpu.vector_store %arg10[%swap3A_146], %broadcast_in_dim3A_12 {strides = array<i32>} : memref<2048xi32, #tpu.memory_space<vmem>>, vector<16xi32>,
      %swap3A_148 = arith.constant 1088 : index
      %swap3A_149 = tpu.vector_load %arg10[%swap3A_148] {strides = array<i32>} : memref<2048xi32, #tpu.memory_space<vmem>>, vector<16xi32>,
      tpu.vector_store %arg10[%swap3A_148], %broadcast_in_dim3A_12 {strides = array<i32>} : memref<2048xi32, #tpu.memory_space<vmem>>, vector<16xi32>,
      %swap3A_150 = arith.constant 1104 : index
      %swap3A_151 = tpu.vector_load %arg10[%swap3A_150] {strides = array<i32>} : memref<2048xi32, #tpu.memory_space<vmem>>, vector<16xi32>,
      tpu.vector_store %arg10[%swap3A_150], %broadcast_in_dim3A_12 {strides = array<i32>} : memref<2048xi32, #tpu.memory_space<vmem>>, vector<16xi32>,
      %swap3A_152 = arith.constant 1120 : index
      %swap3A_153 = tpu.vector_load %arg10[%swap3A_152] {strides = array<i32>} : memref<2048xi32, #tpu.memory_space<vmem>>, vector<16xi32>,
      tpu.vector_store %arg10[%swap3A_152], %broadcast_in_dim3A_12 {strides = array<i32>} : memref<2048xi32, #tpu.memory_space<vmem>>, vector<16xi32>,
      %swap3A_154 = arith.constant 1136 : index
      %swap3A_155 = tpu.vector_load %arg10[%swap3A_154] {strides = array<i32>} : memref<2048xi32, #tpu.memory_space<vmem>>, vector<16xi32>,
      tpu.vector_store %arg10[%swap3A_154], %broadcast_in_dim3A_12 {strides = array<i32>} : memref<2048xi32, #tpu.memory_space<vmem>>, vector<16xi32>,
      %swap3A_156 = arith.constant 1152 : index
      %swap3A_157 = tpu.vector_load %arg10[%swap3A_156] {strides = array<i32>} : memref<2048xi32, #tpu.memory_space<vmem>>, vector<16xi32>,
      tpu.vector_store %arg10[%swap3A_156], %broadcast_in_dim3A_12 {strides = array<i32>} : memref<2048xi32, #tpu.memory_space<vmem>>, vector<16xi32>,
      %swap3A_158 = arith.constant 1168 : index
      %swap3A_159 = tpu.vector_load %arg10[%swap3A_158] {strides = array<i32>} : memref<2048xi32, #tpu.memory_space<vmem>>, vector<16xi32>,
      tpu.vector_store %arg10[%swap3A_158], %broadcast_in_dim3A_12 {strides = array<i32>} : memref<2048xi32, #tpu.memory_space<vmem>>, vector<16xi32>,
      %swap3A_160 = arith.constant 1184 : index
      %swap3A_161 = tpu.vector_load %arg10[%swap3A_160] {strides = array<i32>} : memref<2048xi32, #tpu.memory_space<vmem>>, vector<16xi32>,
      tpu.vector_store %arg10[%swap3A_160], %broadcast_in_dim3A_12 {strides = array<i32>} : memref<2048xi32, #tpu.memory_space<vmem>>, vector<16xi32>,
      %swap3A_162 = arith.constant 1200 : index
      %swap3A_163 = tpu.vector_load %arg10[%swap3A_162] {strides = array<i32>} : memref<2048xi32, #tpu.memory_space<vmem>>, vector<16xi32>,
      tpu.vector_store %arg10[%swap3A_162], %broadcast_in_dim3A_12 {strides = array<i32>} : memref<2048xi32, #tpu.memory_space<vmem>>, vector<16xi32>,
      %swap3A_164 = arith.constant 1216 : index
      %swap3A_165 = tpu.vector_load %arg10[%swap3A_164] {strides = array<i32>} : memref<2048xi32, #tpu.memory_space<vmem>>, vector<16xi32>,
      tpu.vector_store %arg10[%swap3A_164], %broadcast_in_dim3A_12 {strides = array<i32>} : memref<2048xi32, #tpu.memory_space<vmem>>, vector<16xi32>,
      %swap3A_166 = arith.constant 1232 : index
      %swap3A_167 = tpu.vector_load %arg10[%swap3A_166] {strides = array<i32>} : memref<2048xi32, #tpu.memory_space<vmem>>, vector<16xi32>,
      tpu.vector_store %arg10[%swap3A_166], %broadcast_in_dim3A_12 {strides = array<i32>} : memref<2048xi32, #tpu.memory_space<vmem>>, vector<16xi32>,
      %swap3A_168 = arith.constant 1248 : index
      %swap3A_169 = tpu.vector_load %arg10[%swap3A_168] {strides = array<i32>} : memref<2048xi32, #tpu.memory_space<vmem>>, vector<16xi32>,
      tpu.vector_store %arg10[%swap3A_168], %broadcast_in_dim3A_12 {strides = array<i32>} : memref<2048xi32, #tpu.memory_space<vmem>>, vector<16xi32>,
      %swap3A_170 = arith.constant 1264 : index
      %swap3A_171 = tpu.vector_load %arg10[%swap3A_170] {strides = array<i32>} : memref<2048xi32, #tpu.memory_space<vmem>>, vector<16xi32>,
      tpu.vector_store %arg10[%swap3A_170], %broadcast_in_dim3A_12 {strides = array<i32>} : memref<2048xi32, #tpu.memory_space<vmem>>, vector<16xi32>,
      %swap3A_172 = arith.constant 1280 : index
      %swap3A_173 = tpu.vector_load %arg10[%swap3A_172] {strides = array<i32>} : memref<2048xi32, #tpu.memory_space<vmem>>, vector<16xi32>,
      tpu.vector_store %arg10[%swap3A_172], %broadcast_in_dim3A_12 {strides = array<i32>} : memref<2048xi32, #tpu.memory_space<vmem>>, vector<16xi32>,
      %swap3A_174 = arith.constant 1296 : index
      %swap3A_175 = tpu.vector_load %arg10[%swap3A_174] {strides = array<i32>} : memref<2048xi32, #tpu.memory_space<vmem>>, vector<16xi32>,
      tpu.vector_store %arg10[%swap3A_174], %broadcast_in_dim3A_12 {strides = array<i32>} : memref<2048xi32, #tpu.memory_space<vmem>>, vector<16xi32>,
      %swap3A_176 = arith.constant 1312 : index
      %swap3A_177 = tpu.vector_load %arg10[%swap3A_176] {strides = array<i32>} : memref<2048xi32, #tpu.memory_space<vmem>>, vector<16xi32>,
      tpu.vector_store %arg10[%swap3A_176], %broadcast_in_dim3A_12 {strides = array<i32>} : memref<2048xi32, #tpu.memory_space<vmem>>, vector<16xi32>,
      %swap3A_178 = arith.constant 1328 : index
      %swap3A_179 = tpu.vector_load %arg10[%swap3A_178] {strides = array<i32>} : memref<2048xi32, #tpu.memory_space<vmem>>, vector<16xi32>,
      tpu.vector_store %arg10[%swap3A_178], %broadcast_in_dim3A_12 {strides = array<i32>} : memref<2048xi32, #tpu.memory_space<vmem>>, vector<16xi32>,
      %swap3A_180 = arith.constant 1344 : index
      %swap3A_181 = tpu.vector_load %arg10[%swap3A_180] {strides = array<i32>} : memref<2048xi32, #tpu.memory_space<vmem>>, vector<16xi32>,
      tpu.vector_store %arg10[%swap3A_180], %broadcast_in_dim3A_12 {strides = array<i32>} : memref<2048xi32, #tpu.memory_space<vmem>>, vector<16xi32>,
      %swap3A_182 = arith.constant 1360 : index
      %swap3A_183 = tpu.vector_load %arg10[%swap3A_182] {strides = array<i32>} : memref<2048xi32, #tpu.memory_space<vmem>>, vector<16xi32>,
      tpu.vector_store %arg10[%swap3A_182], %broadcast_in_dim3A_12 {strides = array<i32>} : memref<2048xi32, #tpu.memory_space<vmem>>, vector<16xi32>,
      %swap3A_184 = arith.constant 1376 : index
      %swap3A_185 = tpu.vector_load %arg10[%swap3A_184] {strides = array<i32>} : memref<2048xi32, #tpu.memory_space<vmem>>, vector<16xi32>,
      tpu.vector_store %arg10[%swap3A_184], %broadcast_in_dim3A_12 {strides = array<i32>} : memref<2048xi32, #tpu.memory_space<vmem>>, vector<16xi32>,
      %swap3A_186 = arith.constant 1392 : index
      %swap3A_187 = tpu.vector_load %arg10[%swap3A_186] {strides = array<i32>} : memref<2048xi32, #tpu.memory_space<vmem>>, vector<16xi32>,
      tpu.vector_store %arg10[%swap3A_186], %broadcast_in_dim3A_12 {strides = array<i32>} : memref<2048xi32, #tpu.memory_space<vmem>>, vector<16xi32>,
      %swap3A_188 = arith.constant 1408 : index
      %swap3A_189 = tpu.vector_load %arg10[%swap3A_188] {strides = array<i32>} : memref<2048xi32, #tpu.memory_space<vmem>>, vector<16xi32>,
      tpu.vector_store %arg10[%swap3A_188], %broadcast_in_dim3A_12 {strides = array<i32>} : memref<2048xi32, #tpu.memory_space<vmem>>, vector<16xi32>,
      %swap3A_190 = arith.constant 1424 : index
      %swap3A_191 = tpu.vector_load %arg10[%swap3A_190] {strides = array<i32>} : memref<2048xi32, #tpu.memory_space<vmem>>, vector<16xi32>,
      tpu.vector_store %arg10[%swap3A_190], %broadcast_in_dim3A_12 {strides = array<i32>} : memref<2048xi32, #tpu.memory_space<vmem>>, vector<16xi32>,
      %swap3A_192 = arith.constant 1440 : index
      %swap3A_193 = tpu.vector_load %arg10[%swap3A_192] {strides = array<i32>} : memref<2048xi32, #tpu.memory_space<vmem>>, vector<16xi32>,
      tpu.vector_store %arg10[%swap3A_192], %broadcast_in_dim3A_12 {strides = array<i32>} : memref<2048xi32, #tpu.memory_space<vmem>>, vector<16xi32>,
      %swap3A_194 = arith.constant 1456 : index
      %swap3A_195 = tpu.vector_load %arg10[%swap3A_194] {strides = array<i32>} : memref<2048xi32, #tpu.memory_space<vmem>>, vector<16xi32>,
      tpu.vector_store %arg10[%swap3A_194], %broadcast_in_dim3A_12 {strides = array<i32>} : memref<2048xi32, #tpu.memory_space<vmem>>, vector<16xi32>,
      %swap3A_196 = arith.constant 1472 : index
      %swap3A_197 = tpu.vector_load %arg10[%swap3A_196] {strides = array<i32>} : memref<2048xi32, #tpu.memory_space<vmem>>, vector<16xi32>,
      tpu.vector_store %arg10[%swap3A_196], %broadcast_in_dim3A_12 {strides = array<i32>} : memref<2048xi32, #tpu.memory_space<vmem>>, vector<16xi32>,
      %swap3A_198 = arith.constant 1488 : index
      %swap3A_199 = tpu.vector_load %arg10[%swap3A_198] {strides = array<i32>} : memref<2048xi32, #tpu.memory_space<vmem>>, vector<16xi32>,
      tpu.vector_store %arg10[%swap3A_198], %broadcast_in_dim3A_12 {strides = array<i32>} : memref<2048xi32, #tpu.memory_space<vmem>>, vector<16xi32>,
      %swap3A_200 = arith.constant 1504 : index
      %swap3A_201 = tpu.vector_load %arg10[%swap3A_200] {strides = array<i32>} : memref<2048xi32, #tpu.memory_space<vmem>>, vector<16xi32>,
      tpu.vector_store %arg10[%swap3A_200], %broadcast_in_dim3A_12 {strides = array<i32>} : memref<2048xi32, #tpu.memory_space<vmem>>, vector<16xi32>,
      %swap3A_202 = arith.constant 1520 : index
      %swap3A_203 = tpu.vector_load %arg10[%swap3A_202] {strides = array<i32>} : memref<2048xi32, #tpu.memory_space<vmem>>, vector<16xi32>,
      tpu.vector_store %arg10[%swap3A_202], %broadcast_in_dim3A_12 {strides = array<i32>} : memref<2048xi32, #tpu.memory_space<vmem>>, vector<16xi32>,
      %swap3A_204 = arith.constant 1536 : index
      %swap3A_205 = tpu.vector_load %arg10[%swap3A_204] {strides = array<i32>} : memref<2048xi32, #tpu.memory_space<vmem>>, vector<16xi32>,
      tpu.vector_store %arg10[%swap3A_204], %broadcast_in_dim3A_12 {strides = array<i32>} : memref<2048xi32, #tpu.memory_space<vmem>>, vector<16xi32>,
      %swap3A_206 = arith.constant 1552 : index
      %swap3A_207 = tpu.vector_load %arg10[%swap3A_206] {strides = array<i32>} : memref<2048xi32, #tpu.memory_space<vmem>>, vector<16xi32>,
      tpu.vector_store %arg10[%swap3A_206], %broadcast_in_dim3A_12 {strides = array<i32>} : memref<2048xi32, #tpu.memory_space<vmem>>, vector<16xi32>,
      %swap3A_208 = arith.constant 1568 : index
      %swap3A_209 = tpu.vector_load %arg10[%swap3A_208] {strides = array<i32>} : memref<2048xi32, #tpu.memory_space<vmem>>, vector<16xi32>,
      tpu.vector_store %arg10[%swap3A_208], %broadcast_in_dim3A_12 {strides = array<i32>} : memref<2048xi32, #tpu.memory_space<vmem>>, vector<16xi32>,
      %swap3A_210 = arith.constant 1584 : index
      %swap3A_211 = tpu.vector_load %arg10[%swap3A_210] {strides = array<i32>} : memref<2048xi32, #tpu.memory_space<vmem>>, vector<16xi32>,
      tpu.vector_store %arg10[%swap3A_210], %broadcast_in_dim3A_12 {strides = array<i32>} : memref<2048xi32, #tpu.memory_space<vmem>>, vector<16xi32>,
      %swap3A_212 = arith.constant 1600 : index
      %swap3A_213 = tpu.vector_load %arg10[%swap3A_212] {strides = array<i32>} : memref<2048xi32, #tpu.memory_space<vmem>>, vector<16xi32>,
      tpu.vector_store %arg10[%swap3A_212], %broadcast_in_dim3A_12 {strides = array<i32>} : memref<2048xi32, #tpu.memory_space<vmem>>, vector<16xi32>,
      %swap3A_214 = arith.constant 1616 : index
      %swap3A_215 = tpu.vector_load %arg10[%swap3A_214] {strides = array<i32>} : memref<2048xi32, #tpu.memory_space<vmem>>, vector<16xi32>,
      tpu.vector_store %arg10[%swap3A_214], %broadcast_in_dim3A_12 {strides = array<i32>} : memref<2048xi32, #tpu.memory_space<vmem>>, vector<16xi32>,
      %swap3A_216 = arith.constant 1632 : index
      %swap3A_217 = tpu.vector_load %arg10[%swap3A_216] {strides = array<i32>} : memref<2048xi32, #tpu.memory_space<vmem>>, vector<16xi32>,
      tpu.vector_store %arg10[%swap3A_216], %broadcast_in_dim3A_12 {strides = array<i32>} : memref<2048xi32, #tpu.memory_space<vmem>>, vector<16xi32>,
      %swap3A_218 = arith.constant 1648 : index
      %swap3A_219 = tpu.vector_load %arg10[%swap3A_218] {strides = array<i32>} : memref<2048xi32, #tpu.memory_space<vmem>>, vector<16xi32>,
      tpu.vector_store %arg10[%swap3A_218], %broadcast_in_dim3A_12 {strides = array<i32>} : memref<2048xi32, #tpu.memory_space<vmem>>, vector<16xi32>,
      %swap3A_220 = arith.constant 1664 : index
      %swap3A_221 = tpu.vector_load %arg10[%swap3A_220] {strides = array<i32>} : memref<2048xi32, #tpu.memory_space<vmem>>, vector<16xi32>,
      tpu.vector_store %arg10[%swap3A_220], %broadcast_in_dim3A_12 {strides = array<i32>} : memref<2048xi32, #tpu.memory_space<vmem>>, vector<16xi32>,
      %swap3A_222 = arith.constant 1680 : index
      %swap3A_223 = tpu.vector_load %arg10[%swap3A_222] {strides = array<i32>} : memref<2048xi32, #tpu.memory_space<vmem>>, vector<16xi32>,
      tpu.vector_store %arg10[%swap3A_222], %broadcast_in_dim3A_12 {strides = array<i32>} : memref<2048xi32, #tpu.memory_space<vmem>>, vector<16xi32>,
      %swap3A_224 = arith.constant 1696 : index
      %swap3A_225 = tpu.vector_load %arg10[%swap3A_224] {strides = array<i32>} : memref<2048xi32, #tpu.memory_space<vmem>>, vector<16xi32>,
      tpu.vector_store %arg10[%swap3A_224], %broadcast_in_dim3A_12 {strides = array<i32>} : memref<2048xi32, #tpu.memory_space<vmem>>, vector<16xi32>,
      %swap3A_226 = arith.constant 1712 : index
      %swap3A_227 = tpu.vector_load %arg10[%swap3A_226] {strides = array<i32>} : memref<2048xi32, #tpu.memory_space<vmem>>, vector<16xi32>,
      tpu.vector_store %arg10[%swap3A_226], %broadcast_in_dim3A_12 {strides = array<i32>} : memref<2048xi32, #tpu.memory_space<vmem>>, vector<16xi32>,
      %swap3A_228 = arith.constant 1728 : index
      %swap3A_229 = tpu.vector_load %arg10[%swap3A_228] {strides = array<i32>} : memref<2048xi32, #tpu.memory_space<vmem>>, vector<16xi32>,
      tpu.vector_store %arg10[%swap3A_228], %broadcast_in_dim3A_12 {strides = array<i32>} : memref<2048xi32, #tpu.memory_space<vmem>>, vector<16xi32>,
      %swap3A_230 = arith.constant 1744 : index
      %swap3A_231 = tpu.vector_load %arg10[%swap3A_230] {strides = array<i32>} : memref<2048xi32, #tpu.memory_space<vmem>>, vector<16xi32>,
      tpu.vector_store %arg10[%swap3A_230], %broadcast_in_dim3A_12 {strides = array<i32>} : memref<2048xi32, #tpu.memory_space<vmem>>, vector<16xi32>,
      %swap3A_232 = arith.constant 1760 : index
      %swap3A_233 = tpu.vector_load %arg10[%swap3A_232] {strides = array<i32>} : memref<2048xi32, #tpu.memory_space<vmem>>, vector<16xi32>,
      tpu.vector_store %arg10[%swap3A_232], %broadcast_in_dim3A_12 {strides = array<i32>} : memref<2048xi32, #tpu.memory_space<vmem>>, vector<16xi32>,
      %swap3A_234 = arith.constant 1776 : index
      %swap3A_235 = tpu.vector_load %arg10[%swap3A_234] {strides = array<i32>} : memref<2048xi32, #tpu.memory_space<vmem>>, vector<16xi32>,
      tpu.vector_store %arg10[%swap3A_234], %broadcast_in_dim3A_12 {strides = array<i32>} : memref<2048xi32, #tpu.memory_space<vmem>>, vector<16xi32>,
      %swap3A_236 = arith.constant 1792 : index
      %swap3A_237 = tpu.vector_load %arg10[%swap3A_236] {strides = array<i32>} : memref<2048xi32, #tpu.memory_space<vmem>>, vector<16xi32>,
      tpu.vector_store %arg10[%swap3A_236], %broadcast_in_dim3A_12 {strides = array<i32>} : memref<2048xi32, #tpu.memory_space<vmem>>, vector<16xi32>,
      %swap3A_238 = arith.constant 1808 : index
      %swap3A_239 = tpu.vector_load %arg10[%swap3A_238] {strides = array<i32>} : memref<2048xi32, #tpu.memory_space<vmem>>, vector<16xi32>,
      tpu.vector_store %arg10[%swap3A_238], %broadcast_in_dim3A_12 {strides = array<i32>} : memref<2048xi32, #tpu.memory_space<vmem>>, vector<16xi32>,
      %swap3A_240 = arith.constant 1824 : index
      %swap3A_241 = tpu.vector_load %arg10[%swap3A_240] {strides = array<i32>} : memref<2048xi32, #tpu.memory_space<vmem>>, vector<16xi32>,
      tpu.vector_store %arg10[%swap3A_240], %broadcast_in_dim3A_12 {strides = array<i32>} : memref<2048xi32, #tpu.memory_space<vmem>>, vector<16xi32>,
      %swap3A_242 = arith.constant 1840 : index
      %swap3A_243 = tpu.vector_load %arg10[%swap3A_242] {strides = array<i32>} : memref<2048xi32, #tpu.memory_space<vmem>>, vector<16xi32>,
      tpu.vector_store %arg10[%swap3A_242], %broadcast_in_dim3A_12 {strides = array<i32>} : memref<2048xi32, #tpu.memory_space<vmem>>, vector<16xi32>,
      %swap3A_244 = arith.constant 1856 : index
      %swap3A_245 = tpu.vector_load %arg10[%swap3A_244] {strides = array<i32>} : memref<2048xi32, #tpu.memory_space<vmem>>, vector<16xi32>,
      tpu.vector_store %arg10[%swap3A_244], %broadcast_in_dim3A_12 {strides = array<i32>} : memref<2048xi32, #tpu.memory_space<vmem>>, vector<16xi32>,
      %swap3A_246 = arith.constant 1872 : index
      %swap3A_247 = tpu.vector_load %arg10[%swap3A_246] {strides = array<i32>} : memref<2048xi32, #tpu.memory_space<vmem>>, vector<16xi32>,
      tpu.vector_store %arg10[%swap3A_246], %broadcast_in_dim3A_12 {strides = array<i32>} : memref<2048xi32, #tpu.memory_space<vmem>>, vector<16xi32>,
      %swap3A_248 = arith.constant 1888 : index
      %swap3A_249 = tpu.vector_load %arg10[%swap3A_248] {strides = array<i32>} : memref<2048xi32, #tpu.memory_space<vmem>>, vector<16xi32>,
      tpu.vector_store %arg10[%swap3A_248], %broadcast_in_dim3A_12 {strides = array<i32>} : memref<2048xi32, #tpu.memory_space<vmem>>, vector<16xi32>,
      %swap3A_250 = arith.constant 1904 : index
      %swap3A_251 = tpu.vector_load %arg10[%swap3A_250] {strides = array<i32>} : memref<2048xi32, #tpu.memory_space<vmem>>, vector<16xi32>,
      tpu.vector_store %arg10[%swap3A_250], %broadcast_in_dim3A_12 {strides = array<i32>} : memref<2048xi32, #tpu.memory_space<vmem>>, vector<16xi32>,
      %swap3A_252 = arith.constant 1920 : index
      %swap3A_253 = tpu.vector_load %arg10[%swap3A_252] {strides = array<i32>} : memref<2048xi32, #tpu.memory_space<vmem>>, vector<16xi32>,
      tpu.vector_store %arg10[%swap3A_252], %broadcast_in_dim3A_12 {strides = array<i32>} : memref<2048xi32, #tpu.memory_space<vmem>>, vector<16xi32>,
      %swap3A_254 = arith.constant 1936 : index
      %swap3A_255 = tpu.vector_load %arg10[%swap3A_254] {strides = array<i32>} : memref<2048xi32, #tpu.memory_space<vmem>>, vector<16xi32>,
      tpu.vector_store %arg10[%swap3A_254], %broadcast_in_dim3A_12 {strides = array<i32>} : memref<2048xi32, #tpu.memory_space<vmem>>, vector<16xi32>,
      %swap3A_256 = arith.constant 1952 : index
      %swap3A_257 = tpu.vector_load %arg10[%swap3A_256] {strides = array<i32>} : memref<2048xi32, #tpu.memory_space<vmem>>, vector<16xi32>,
      tpu.vector_store %arg10[%swap3A_256], %broadcast_in_dim3A_12 {strides = array<i32>} : memref<2048xi32, #tpu.memory_space<vmem>>, vector<16xi32>,
      %swap3A_258 = arith.constant 1968 : index
      %swap3A_259 = tpu.vector_load %arg10[%swap3A_258] {strides = array<i32>} : memref<2048xi32, #tpu.memory_space<vmem>>, vector<16xi32>,
      tpu.vector_store %arg10[%swap3A_258], %broadcast_in_dim3A_12 {strides = array<i32>} : memref<2048xi32, #tpu.memory_space<vmem>>, vector<16xi32>,
      %swap3A_260 = arith.constant 1984 : index
      %swap3A_261 = tpu.vector_load %arg10[%swap3A_260] {strides = array<i32>} : memref<2048xi32, #tpu.memory_space<vmem>>, vector<16xi32>,
      tpu.vector_store %arg10[%swap3A_260], %broadcast_in_dim3A_12 {strides = array<i32>} : memref<2048xi32, #tpu.memory_space<vmem>>, vector<16xi32>,
      %swap3A_262 = arith.constant 2000 : index
      %swap3A_263 = tpu.vector_load %arg10[%swap3A_262] {strides = array<i32>} : memref<2048xi32, #tpu.memory_space<vmem>>, vector<16xi32>,
      tpu.vector_store %arg10[%swap3A_262], %broadcast_in_dim3A_12 {strides = array<i32>} : memref<2048xi32, #tpu.memory_space<vmem>>, vector<16xi32>,
      %swap3A_264 = arith.constant 2016 : index
      %swap3A_265 = tpu.vector_load %arg10[%swap3A_264] {strides = array<i32>} : memref<2048xi32, #tpu.memory_space<vmem>>, vector<16xi32>,
      tpu.vector_store %arg10[%swap3A_264], %broadcast_in_dim3A_12 {strides = array<i32>} : memref<2048xi32, #tpu.memory_space<vmem>>, vector<16xi32>,
      %swap3A_266 = arith.constant 2032 : index
      %swap3A_267 = tpu.vector_load %arg10[%swap3A_266] {strides = array<i32>} : memref<2048xi32, #tpu.memory_space<vmem>>, vector<16xi32>,
      tpu.vector_store %arg10[%swap3A_266], %broadcast_in_dim3A_12 {strides = array<i32>} : memref<2048xi32, #tpu.memory_space<vmem>>, vector<16xi32>,
      %broadcast_in_dim3A_268 = arith.constant 1 : i32
      %broadcast_in_dim3A_269 = vector.broadcast %broadcast_in_dim3A_268 : i32 to vector<16xi32>
      %get3A = arith.constant 0 : index
      %get3A_270 = tpu.vector_load %arg8[%get3A] {strides = array<i32>} : memref<2048xi32, #tpu.memory_space<vmem>>, vector<16xi32>,
      tpu.vector_store_idx %arg10[%get3A_270], %broadcast_in_dim3A_269 {add = true} : memref<2048xi32, #tpu.memory_space<vmem>>[vector<16xi32>], vector<16xi32>,
      %get3A_271 = arith.constant 16 : index
      %get3A_272 = tpu.vector_load %arg8[%get3A_271] {strides = array<i32>} : memref<2048xi32, #tpu.memory_space<vmem>>, vector<16xi32>,
      tpu.vector_store_idx %arg10[%get3A_272], %broadcast_in_dim3A_269 {add = true} : memref<2048xi32, #tpu.memory_space<vmem>>[vector<16xi32>], vector<16xi32>,
      %get3A_273 = arith.constant 32 : index
      %get3A_274 = tpu.vector_load %arg8[%get3A_273] {strides = array<i32>} : memref<2048xi32, #tpu.memory_space<vmem>>, vector<16xi32>,
      tpu.vector_store_idx %arg10[%get3A_274], %broadcast_in_dim3A_269 {add = true} : memref<2048xi32, #tpu.memory_space<vmem>>[vector<16xi32>], vector<16xi32>,
      %get3A_275 = arith.constant 48 : index
      %get3A_276 = tpu.vector_load %arg8[%get3A_275] {strides = array<i32>} : memref<2048xi32, #tpu.memory_space<vmem>>, vector<16xi32>,
      tpu.vector_store_idx %arg10[%get3A_276], %broadcast_in_dim3A_269 {add = true} : memref<2048xi32, #tpu.memory_space<vmem>>[vector<16xi32>], vector<16xi32>,
      %get3A_277 = arith.constant 64 : index
      %get3A_278 = tpu.vector_load %arg8[%get3A_277] {strides = array<i32>} : memref<2048xi32, #tpu.memory_space<vmem>>, vector<16xi32>,
      tpu.vector_store_idx %arg10[%get3A_278], %broadcast_in_dim3A_269 {add = true} : memref<2048xi32, #tpu.memory_space<vmem>>[vector<16xi32>], vector<16xi32>,
      %get3A_279 = arith.constant 80 : index
      %get3A_280 = tpu.vector_load %arg8[%get3A_279] {strides = array<i32>} : memref<2048xi32, #tpu.memory_space<vmem>>, vector<16xi32>,
      tpu.vector_store_idx %arg10[%get3A_280], %broadcast_in_dim3A_269 {add = true} : memref<2048xi32, #tpu.memory_space<vmem>>[vector<16xi32>], vector<16xi32>,
      %get3A_281 = arith.constant 96 : index
      %get3A_282 = tpu.vector_load %arg8[%get3A_281] {strides = array<i32>} : memref<2048xi32, #tpu.memory_space<vmem>>, vector<16xi32>,
      tpu.vector_store_idx %arg10[%get3A_282], %broadcast_in_dim3A_269 {add = true} : memref<2048xi32, #tpu.memory_space<vmem>>[vector<16xi32>], vector<16xi32>,
      %get3A_283 = arith.constant 112 : index
      %get3A_284 = tpu.vector_load %arg8[%get3A_283] {strides = array<i32>} : memref<2048xi32, #tpu.memory_space<vmem>>, vector<16xi32>,
      tpu.vector_store_idx %arg10[%get3A_284], %broadcast_in_dim3A_269 {add = true} : memref<2048xi32, #tpu.memory_space<vmem>>[vector<16xi32>], vector<16xi32>,
      %get3A_285 = arith.constant 128 : index
      %get3A_286 = tpu.vector_load %arg8[%get3A_285] {strides = array<i32>} : memref<2048xi32, #tpu.memory_space<vmem>>, vector<16xi32>,
      tpu.vector_store_idx %arg10[%get3A_286], %broadcast_in_dim3A_269 {add = true} : memref<2048xi32, #tpu.memory_space<vmem>>[vector<16xi32>], vector<16xi32>,
      %get3A_287 = arith.constant 144 : index
      %get3A_288 = tpu.vector_load %arg8[%get3A_287] {strides = array<i32>} : memref<2048xi32, #tpu.memory_space<vmem>>, vector<16xi32>,
      tpu.vector_store_idx %arg10[%get3A_288], %broadcast_in_dim3A_269 {add = true} : memref<2048xi32, #tpu.memory_space<vmem>>[vector<16xi32>], vector<16xi32>,
      %get3A_289 = arith.constant 160 : index
      %get3A_290 = tpu.vector_load %arg8[%get3A_289] {strides = array<i32>} : memref<2048xi32, #tpu.memory_space<vmem>>, vector<16xi32>,
      tpu.vector_store_idx %arg10[%get3A_290], %broadcast_in_dim3A_269 {add = true} : memref<2048xi32, #tpu.memory_space<vmem>>[vector<16xi32>], vector<16xi32>,
      %get3A_291 = arith.constant 176 : index
      %get3A_292 = tpu.vector_load %arg8[%get3A_291] {strides = array<i32>} : memref<2048xi32, #tpu.memory_space<vmem>>, vector<16xi32>,
      tpu.vector_store_idx %arg10[%get3A_292], %broadcast_in_dim3A_269 {add = true} : memref<2048xi32, #tpu.memory_space<vmem>>[vector<16xi32>], vector<16xi32>,
      %get3A_293 = arith.constant 192 : index
      %get3A_294 = tpu.vector_load %arg8[%get3A_293] {strides = array<i32>} : memref<2048xi32, #tpu.memory_space<vmem>>, vector<16xi32>,
      tpu.vector_store_idx %arg10[%get3A_294], %broadcast_in_dim3A_269 {add = true} : memref<2048xi32, #tpu.memory_space<vmem>>[vector<16xi32>], vector<16xi32>,
      %get3A_295 = arith.constant 208 : index
      %get3A_296 = tpu.vector_load %arg8[%get3A_295] {strides = array<i32>} : memref<2048xi32, #tpu.memory_space<vmem>>, vector<16xi32>,
      tpu.vector_store_idx %arg10[%get3A_296], %broadcast_in_dim3A_269 {add = true} : memref<2048xi32, #tpu.memory_space<vmem>>[vector<16xi32>], vector<16xi32>,
      %get3A_297 = arith.constant 224 : index
      %get3A_298 = tpu.vector_load %arg8[%get3A_297] {strides = array<i32>} : memref<2048xi32, #tpu.memory_space<vmem>>, vector<16xi32>,
      tpu.vector_store_idx %arg10[%get3A_298], %broadcast_in_dim3A_269 {add = true} : memref<2048xi32, #tpu.memory_space<vmem>>[vector<16xi32>], vector<16xi32>,
      %get3A_299 = arith.constant 240 : index
      %get3A_300 = tpu.vector_load %arg8[%get3A_299] {strides = array<i32>} : memref<2048xi32, #tpu.memory_space<vmem>>, vector<16xi32>,
      tpu.vector_store_idx %arg10[%get3A_300], %broadcast_in_dim3A_269 {add = true} : memref<2048xi32, #tpu.memory_space<vmem>>[vector<16xi32>], vector<16xi32>,
      %get3A_301 = arith.constant 256 : index
      %get3A_302 = tpu.vector_load %arg8[%get3A_301] {strides = array<i32>} : memref<2048xi32, #tpu.memory_space<vmem>>, vector<16xi32>,
      tpu.vector_store_idx %arg10[%get3A_302], %broadcast_in_dim3A_269 {add = true} : memref<2048xi32, #tpu.memory_space<vmem>>[vector<16xi32>], vector<16xi32>,
      %get3A_303 = arith.constant 272 : index
      %get3A_304 = tpu.vector_load %arg8[%get3A_303] {strides = array<i32>} : memref<2048xi32, #tpu.memory_space<vmem>>, vector<16xi32>,
      tpu.vector_store_idx %arg10[%get3A_304], %broadcast_in_dim3A_269 {add = true} : memref<2048xi32, #tpu.memory_space<vmem>>[vector<16xi32>], vector<16xi32>,
      %get3A_305 = arith.constant 288 : index
      %get3A_306 = tpu.vector_load %arg8[%get3A_305] {strides = array<i32>} : memref<2048xi32, #tpu.memory_space<vmem>>, vector<16xi32>,
      tpu.vector_store_idx %arg10[%get3A_306], %broadcast_in_dim3A_269 {add = true} : memref<2048xi32, #tpu.memory_space<vmem>>[vector<16xi32>], vector<16xi32>,
      %get3A_307 = arith.constant 304 : index
      %get3A_308 = tpu.vector_load %arg8[%get3A_307] {strides = array<i32>} : memref<2048xi32, #tpu.memory_space<vmem>>, vector<16xi32>,
      tpu.vector_store_idx %arg10[%get3A_308], %broadcast_in_dim3A_269 {add = true} : memref<2048xi32, #tpu.memory_space<vmem>>[vector<16xi32>], vector<16xi32>,
      %get3A_309 = arith.constant 320 : index
      %get3A_310 = tpu.vector_load %arg8[%get3A_309] {strides = array<i32>} : memref<2048xi32, #tpu.memory_space<vmem>>, vector<16xi32>,
      tpu.vector_store_idx %arg10[%get3A_310], %broadcast_in_dim3A_269 {add = true} : memref<2048xi32, #tpu.memory_space<vmem>>[vector<16xi32>], vector<16xi32>,
      %get3A_311 = arith.constant 336 : index
      %get3A_312 = tpu.vector_load %arg8[%get3A_311] {strides = array<i32>} : memref<2048xi32, #tpu.memory_space<vmem>>, vector<16xi32>,
      tpu.vector_store_idx %arg10[%get3A_312], %broadcast_in_dim3A_269 {add = true} : memref<2048xi32, #tpu.memory_space<vmem>>[vector<16xi32>], vector<16xi32>,
      %get3A_313 = arith.constant 352 : index
      %get3A_314 = tpu.vector_load %arg8[%get3A_313] {strides = array<i32>} : memref<2048xi32, #tpu.memory_space<vmem>>, vector<16xi32>,
      tpu.vector_store_idx %arg10[%get3A_314], %broadcast_in_dim3A_269 {add = true} : memref<2048xi32, #tpu.memory_space<vmem>>[vector<16xi32>], vector<16xi32>,
      %get3A_315 = arith.constant 368 : index
      %get3A_316 = tpu.vector_load %arg8[%get3A_315] {strides = array<i32>} : memref<2048xi32, #tpu.memory_space<vmem>>, vector<16xi32>,
      tpu.vector_store_idx %arg10[%get3A_316], %broadcast_in_dim3A_269 {add = true} : memref<2048xi32, #tpu.memory_space<vmem>>[vector<16xi32>], vector<16xi32>,
      %get3A_317 = arith.constant 384 : index
      %get3A_318 = tpu.vector_load %arg8[%get3A_317] {strides = array<i32>} : memref<2048xi32, #tpu.memory_space<vmem>>, vector<16xi32>,
      tpu.vector_store_idx %arg10[%get3A_318], %broadcast_in_dim3A_269 {add = true} : memref<2048xi32, #tpu.memory_space<vmem>>[vector<16xi32>], vector<16xi32>,
      %get3A_319 = arith.constant 400 : index
      %get3A_320 = tpu.vector_load %arg8[%get3A_319] {strides = array<i32>} : memref<2048xi32, #tpu.memory_space<vmem>>, vector<16xi32>,
      tpu.vector_store_idx %arg10[%get3A_320], %broadcast_in_dim3A_269 {add = true} : memref<2048xi32, #tpu.memory_space<vmem>>[vector<16xi32>], vector<16xi32>,
      %get3A_321 = arith.constant 416 : index
      %get3A_322 = tpu.vector_load %arg8[%get3A_321] {strides = array<i32>} : memref<2048xi32, #tpu.memory_space<vmem>>, vector<16xi32>,
      tpu.vector_store_idx %arg10[%get3A_322], %broadcast_in_dim3A_269 {add = true} : memref<2048xi32, #tpu.memory_space<vmem>>[vector<16xi32>], vector<16xi32>,
      %get3A_323 = arith.constant 432 : index
      %get3A_324 = tpu.vector_load %arg8[%get3A_323] {strides = array<i32>} : memref<2048xi32, #tpu.memory_space<vmem>>, vector<16xi32>,
      tpu.vector_store_idx %arg10[%get3A_324], %broadcast_in_dim3A_269 {add = true} : memref<2048xi32, #tpu.memory_space<vmem>>[vector<16xi32>], vector<16xi32>,
      %get3A_325 = arith.constant 448 : index
      %get3A_326 = tpu.vector_load %arg8[%get3A_325] {strides = array<i32>} : memref<2048xi32, #tpu.memory_space<vmem>>, vector<16xi32>,
      tpu.vector_store_idx %arg10[%get3A_326], %broadcast_in_dim3A_269 {add = true} : memref<2048xi32, #tpu.memory_space<vmem>>[vector<16xi32>], vector<16xi32>,
      %get3A_327 = arith.constant 464 : index
      %get3A_328 = tpu.vector_load %arg8[%get3A_327] {strides = array<i32>} : memref<2048xi32, #tpu.memory_space<vmem>>, vector<16xi32>,
      tpu.vector_store_idx %arg10[%get3A_328], %broadcast_in_dim3A_269 {add = true} : memref<2048xi32, #tpu.memory_space<vmem>>[vector<16xi32>], vector<16xi32>,
      %get3A_329 = arith.constant 480 : index
      %get3A_330 = tpu.vector_load %arg8[%get3A_329] {strides = array<i32>} : memref<2048xi32, #tpu.memory_space<vmem>>, vector<16xi32>,
      tpu.vector_store_idx %arg10[%get3A_330], %broadcast_in_dim3A_269 {add = true} : memref<2048xi32, #tpu.memory_space<vmem>>[vector<16xi32>], vector<16xi32>,
      %get3A_331 = arith.constant 496 : index
      %get3A_332 = tpu.vector_load %arg8[%get3A_331] {strides = array<i32>} : memref<2048xi32, #tpu.memory_space<vmem>>, vector<16xi32>,
      tpu.vector_store_idx %arg10[%get3A_332], %broadcast_in_dim3A_269 {add = true} : memref<2048xi32, #tpu.memory_space<vmem>>[vector<16xi32>], vector<16xi32>,
      %get3A_333 = arith.constant 512 : index
      %get3A_334 = tpu.vector_load %arg8[%get3A_333] {strides = array<i32>} : memref<2048xi32, #tpu.memory_space<vmem>>, vector<16xi32>,
      tpu.vector_store_idx %arg10[%get3A_334], %broadcast_in_dim3A_269 {add = true} : memref<2048xi32, #tpu.memory_space<vmem>>[vector<16xi32>], vector<16xi32>,
      %get3A_335 = arith.constant 528 : index
      %get3A_336 = tpu.vector_load %arg8[%get3A_335] {strides = array<i32>} : memref<2048xi32, #tpu.memory_space<vmem>>, vector<16xi32>,
      tpu.vector_store_idx %arg10[%get3A_336], %broadcast_in_dim3A_269 {add = true} : memref<2048xi32, #tpu.memory_space<vmem>>[vector<16xi32>], vector<16xi32>,
      %get3A_337 = arith.constant 544 : index
      %get3A_338 = tpu.vector_load %arg8[%get3A_337] {strides = array<i32>} : memref<2048xi32, #tpu.memory_space<vmem>>, vector<16xi32>,
      tpu.vector_store_idx %arg10[%get3A_338], %broadcast_in_dim3A_269 {add = true} : memref<2048xi32, #tpu.memory_space<vmem>>[vector<16xi32>], vector<16xi32>,
      %get3A_339 = arith.constant 560 : index
      %get3A_340 = tpu.vector_load %arg8[%get3A_339] {strides = array<i32>} : memref<2048xi32, #tpu.memory_space<vmem>>, vector<16xi32>,
      tpu.vector_store_idx %arg10[%get3A_340], %broadcast_in_dim3A_269 {add = true} : memref<2048xi32, #tpu.memory_space<vmem>>[vector<16xi32>], vector<16xi32>,
      %get3A_341 = arith.constant 576 : index
      %get3A_342 = tpu.vector_load %arg8[%get3A_341] {strides = array<i32>} : memref<2048xi32, #tpu.memory_space<vmem>>, vector<16xi32>,
      tpu.vector_store_idx %arg10[%get3A_342], %broadcast_in_dim3A_269 {add = true} : memref<2048xi32, #tpu.memory_space<vmem>>[vector<16xi32>], vector<16xi32>,
      %get3A_343 = arith.constant 592 : index
      %get3A_344 = tpu.vector_load %arg8[%get3A_343] {strides = array<i32>} : memref<2048xi32, #tpu.memory_space<vmem>>, vector<16xi32>,
      tpu.vector_store_idx %arg10[%get3A_344], %broadcast_in_dim3A_269 {add = true} : memref<2048xi32, #tpu.memory_space<vmem>>[vector<16xi32>], vector<16xi32>,
      %get3A_345 = arith.constant 608 : index
      %get3A_346 = tpu.vector_load %arg8[%get3A_345] {strides = array<i32>} : memref<2048xi32, #tpu.memory_space<vmem>>, vector<16xi32>,
      tpu.vector_store_idx %arg10[%get3A_346], %broadcast_in_dim3A_269 {add = true} : memref<2048xi32, #tpu.memory_space<vmem>>[vector<16xi32>], vector<16xi32>,
      %get3A_347 = arith.constant 624 : index
      %get3A_348 = tpu.vector_load %arg8[%get3A_347] {strides = array<i32>} : memref<2048xi32, #tpu.memory_space<vmem>>, vector<16xi32>,
      tpu.vector_store_idx %arg10[%get3A_348], %broadcast_in_dim3A_269 {add = true} : memref<2048xi32, #tpu.memory_space<vmem>>[vector<16xi32>], vector<16xi32>,
      %get3A_349 = arith.constant 640 : index
      %get3A_350 = tpu.vector_load %arg8[%get3A_349] {strides = array<i32>} : memref<2048xi32, #tpu.memory_space<vmem>>, vector<16xi32>,
      tpu.vector_store_idx %arg10[%get3A_350], %broadcast_in_dim3A_269 {add = true} : memref<2048xi32, #tpu.memory_space<vmem>>[vector<16xi32>], vector<16xi32>,
      %get3A_351 = arith.constant 656 : index
      %get3A_352 = tpu.vector_load %arg8[%get3A_351] {strides = array<i32>} : memref<2048xi32, #tpu.memory_space<vmem>>, vector<16xi32>,
      tpu.vector_store_idx %arg10[%get3A_352], %broadcast_in_dim3A_269 {add = true} : memref<2048xi32, #tpu.memory_space<vmem>>[vector<16xi32>], vector<16xi32>,
      %get3A_353 = arith.constant 672 : index
      %get3A_354 = tpu.vector_load %arg8[%get3A_353] {strides = array<i32>} : memref<2048xi32, #tpu.memory_space<vmem>>, vector<16xi32>,
      tpu.vector_store_idx %arg10[%get3A_354], %broadcast_in_dim3A_269 {add = true} : memref<2048xi32, #tpu.memory_space<vmem>>[vector<16xi32>], vector<16xi32>,
      %get3A_355 = arith.constant 688 : index
      %get3A_356 = tpu.vector_load %arg8[%get3A_355] {strides = array<i32>} : memref<2048xi32, #tpu.memory_space<vmem>>, vector<16xi32>,
      tpu.vector_store_idx %arg10[%get3A_356], %broadcast_in_dim3A_269 {add = true} : memref<2048xi32, #tpu.memory_space<vmem>>[vector<16xi32>], vector<16xi32>,
      %get3A_357 = arith.constant 704 : index
      %get3A_358 = tpu.vector_load %arg8[%get3A_357] {strides = array<i32>} : memref<2048xi32, #tpu.memory_space<vmem>>, vector<16xi32>,
      tpu.vector_store_idx %arg10[%get3A_358], %broadcast_in_dim3A_269 {add = true} : memref<2048xi32, #tpu.memory_space<vmem>>[vector<16xi32>], vector<16xi32>,
      %get3A_359 = arith.constant 720 : index
      %get3A_360 = tpu.vector_load %arg8[%get3A_359] {strides = array<i32>} : memref<2048xi32, #tpu.memory_space<vmem>>, vector<16xi32>,
      tpu.vector_store_idx %arg10[%get3A_360], %broadcast_in_dim3A_269 {add = true} : memref<2048xi32, #tpu.memory_space<vmem>>[vector<16xi32>], vector<16xi32>,
      %get3A_361 = arith.constant 736 : index
      %get3A_362 = tpu.vector_load %arg8[%get3A_361] {strides = array<i32>} : memref<2048xi32, #tpu.memory_space<vmem>>, vector<16xi32>,
      tpu.vector_store_idx %arg10[%get3A_362], %broadcast_in_dim3A_269 {add = true} : memref<2048xi32, #tpu.memory_space<vmem>>[vector<16xi32>], vector<16xi32>,
      %get3A_363 = arith.constant 752 : index
      %get3A_364 = tpu.vector_load %arg8[%get3A_363] {strides = array<i32>} : memref<2048xi32, #tpu.memory_space<vmem>>, vector<16xi32>,
      tpu.vector_store_idx %arg10[%get3A_364], %broadcast_in_dim3A_269 {add = true} : memref<2048xi32, #tpu.memory_space<vmem>>[vector<16xi32>], vector<16xi32>,
      %get3A_365 = arith.constant 768 : index
      %get3A_366 = tpu.vector_load %arg8[%get3A_365] {strides = array<i32>} : memref<2048xi32, #tpu.memory_space<vmem>>, vector<16xi32>,
      tpu.vector_store_idx %arg10[%get3A_366], %broadcast_in_dim3A_269 {add = true} : memref<2048xi32, #tpu.memory_space<vmem>>[vector<16xi32>], vector<16xi32>,
      %get3A_367 = arith.constant 784 : index
      %get3A_368 = tpu.vector_load %arg8[%get3A_367] {strides = array<i32>} : memref<2048xi32, #tpu.memory_space<vmem>>, vector<16xi32>,
      tpu.vector_store_idx %arg10[%get3A_368], %broadcast_in_dim3A_269 {add = true} : memref<2048xi32, #tpu.memory_space<vmem>>[vector<16xi32>], vector<16xi32>,
      %get3A_369 = arith.constant 800 : index
      %get3A_370 = tpu.vector_load %arg8[%get3A_369] {strides = array<i32>} : memref<2048xi32, #tpu.memory_space<vmem>>, vector<16xi32>,
      tpu.vector_store_idx %arg10[%get3A_370], %broadcast_in_dim3A_269 {add = true} : memref<2048xi32, #tpu.memory_space<vmem>>[vector<16xi32>], vector<16xi32>,
      %get3A_371 = arith.constant 816 : index
      %get3A_372 = tpu.vector_load %arg8[%get3A_371] {strides = array<i32>} : memref<2048xi32, #tpu.memory_space<vmem>>, vector<16xi32>,
      tpu.vector_store_idx %arg10[%get3A_372], %broadcast_in_dim3A_269 {add = true} : memref<2048xi32, #tpu.memory_space<vmem>>[vector<16xi32>], vector<16xi32>,
      %get3A_373 = arith.constant 832 : index
      %get3A_374 = tpu.vector_load %arg8[%get3A_373] {strides = array<i32>} : memref<2048xi32, #tpu.memory_space<vmem>>, vector<16xi32>,
      tpu.vector_store_idx %arg10[%get3A_374], %broadcast_in_dim3A_269 {add = true} : memref<2048xi32, #tpu.memory_space<vmem>>[vector<16xi32>], vector<16xi32>,
      %get3A_375 = arith.constant 848 : index
      %get3A_376 = tpu.vector_load %arg8[%get3A_375] {strides = array<i32>} : memref<2048xi32, #tpu.memory_space<vmem>>, vector<16xi32>,
      tpu.vector_store_idx %arg10[%get3A_376], %broadcast_in_dim3A_269 {add = true} : memref<2048xi32, #tpu.memory_space<vmem>>[vector<16xi32>], vector<16xi32>,
      %get3A_377 = arith.constant 864 : index
      %get3A_378 = tpu.vector_load %arg8[%get3A_377] {strides = array<i32>} : memref<2048xi32, #tpu.memory_space<vmem>>, vector<16xi32>,
      tpu.vector_store_idx %arg10[%get3A_378], %broadcast_in_dim3A_269 {add = true} : memref<2048xi32, #tpu.memory_space<vmem>>[vector<16xi32>], vector<16xi32>,
      %get3A_379 = arith.constant 880 : index
      %get3A_380 = tpu.vector_load %arg8[%get3A_379] {strides = array<i32>} : memref<2048xi32, #tpu.memory_space<vmem>>, vector<16xi32>,
      tpu.vector_store_idx %arg10[%get3A_380], %broadcast_in_dim3A_269 {add = true} : memref<2048xi32, #tpu.memory_space<vmem>>[vector<16xi32>], vector<16xi32>,
      %get3A_381 = arith.constant 896 : index
      %get3A_382 = tpu.vector_load %arg8[%get3A_381] {strides = array<i32>} : memref<2048xi32, #tpu.memory_space<vmem>>, vector<16xi32>,
      tpu.vector_store_idx %arg10[%get3A_382], %broadcast_in_dim3A_269 {add = true} : memref<2048xi32, #tpu.memory_space<vmem>>[vector<16xi32>], vector<16xi32>,
      %get3A_383 = arith.constant 912 : index
      %get3A_384 = tpu.vector_load %arg8[%get3A_383] {strides = array<i32>} : memref<2048xi32, #tpu.memory_space<vmem>>, vector<16xi32>,
      tpu.vector_store_idx %arg10[%get3A_384], %broadcast_in_dim3A_269 {add = true} : memref<2048xi32, #tpu.memory_space<vmem>>[vector<16xi32>], vector<16xi32>,
      %get3A_385 = arith.constant 928 : index
      %get3A_386 = tpu.vector_load %arg8[%get3A_385] {strides = array<i32>} : memref<2048xi32, #tpu.memory_space<vmem>>, vector<16xi32>,
      tpu.vector_store_idx %arg10[%get3A_386], %broadcast_in_dim3A_269 {add = true} : memref<2048xi32, #tpu.memory_space<vmem>>[vector<16xi32>], vector<16xi32>,
      %get3A_387 = arith.constant 944 : index
      %get3A_388 = tpu.vector_load %arg8[%get3A_387] {strides = array<i32>} : memref<2048xi32, #tpu.memory_space<vmem>>, vector<16xi32>,
      tpu.vector_store_idx %arg10[%get3A_388], %broadcast_in_dim3A_269 {add = true} : memref<2048xi32, #tpu.memory_space<vmem>>[vector<16xi32>], vector<16xi32>,
      %get3A_389 = arith.constant 960 : index
      %get3A_390 = tpu.vector_load %arg8[%get3A_389] {strides = array<i32>} : memref<2048xi32, #tpu.memory_space<vmem>>, vector<16xi32>,
      tpu.vector_store_idx %arg10[%get3A_390], %broadcast_in_dim3A_269 {add = true} : memref<2048xi32, #tpu.memory_space<vmem>>[vector<16xi32>], vector<16xi32>,
      %get3A_391 = arith.constant 976 : index
      %get3A_392 = tpu.vector_load %arg8[%get3A_391] {strides = array<i32>} : memref<2048xi32, #tpu.memory_space<vmem>>, vector<16xi32>,
      tpu.vector_store_idx %arg10[%get3A_392], %broadcast_in_dim3A_269 {add = true} : memref<2048xi32, #tpu.memory_space<vmem>>[vector<16xi32>], vector<16xi32>,
      %get3A_393 = arith.constant 992 : index
      %get3A_394 = tpu.vector_load %arg8[%get3A_393] {strides = array<i32>} : memref<2048xi32, #tpu.memory_space<vmem>>, vector<16xi32>,
      tpu.vector_store_idx %arg10[%get3A_394], %broadcast_in_dim3A_269 {add = true} : memref<2048xi32, #tpu.memory_space<vmem>>[vector<16xi32>], vector<16xi32>,
      %get3A_395 = arith.constant 1008 : index
      %get3A_396 = tpu.vector_load %arg8[%get3A_395] {strides = array<i32>} : memref<2048xi32, #tpu.memory_space<vmem>>, vector<16xi32>,
      tpu.vector_store_idx %arg10[%get3A_396], %broadcast_in_dim3A_269 {add = true} : memref<2048xi32, #tpu.memory_space<vmem>>[vector<16xi32>], vector<16xi32>,
      %get3A_397 = arith.constant 1024 : index
      %get3A_398 = tpu.vector_load %arg8[%get3A_397] {strides = array<i32>} : memref<2048xi32, #tpu.memory_space<vmem>>, vector<16xi32>,
      tpu.vector_store_idx %arg10[%get3A_398], %broadcast_in_dim3A_269 {add = true} : memref<2048xi32, #tpu.memory_space<vmem>>[vector<16xi32>], vector<16xi32>,
      %get3A_399 = arith.constant 1040 : index
      %get3A_400 = tpu.vector_load %arg8[%get3A_399] {strides = array<i32>} : memref<2048xi32, #tpu.memory_space<vmem>>, vector<16xi32>,
      tpu.vector_store_idx %arg10[%get3A_400], %broadcast_in_dim3A_269 {add = true} : memref<2048xi32, #tpu.memory_space<vmem>>[vector<16xi32>], vector<16xi32>,
      %get3A_401 = arith.constant 1056 : index
      %get3A_402 = tpu.vector_load %arg8[%get3A_401] {strides = array<i32>} : memref<2048xi32, #tpu.memory_space<vmem>>, vector<16xi32>,
      tpu.vector_store_idx %arg10[%get3A_402], %broadcast_in_dim3A_269 {add = true} : memref<2048xi32, #tpu.memory_space<vmem>>[vector<16xi32>], vector<16xi32>,
      %get3A_403 = arith.constant 1072 : index
      %get3A_404 = tpu.vector_load %arg8[%get3A_403] {strides = array<i32>} : memref<2048xi32, #tpu.memory_space<vmem>>, vector<16xi32>,
      tpu.vector_store_idx %arg10[%get3A_404], %broadcast_in_dim3A_269 {add = true} : memref<2048xi32, #tpu.memory_space<vmem>>[vector<16xi32>], vector<16xi32>,
      %get3A_405 = arith.constant 1088 : index
      %get3A_406 = tpu.vector_load %arg8[%get3A_405] {strides = array<i32>} : memref<2048xi32, #tpu.memory_space<vmem>>, vector<16xi32>,
      tpu.vector_store_idx %arg10[%get3A_406], %broadcast_in_dim3A_269 {add = true} : memref<2048xi32, #tpu.memory_space<vmem>>[vector<16xi32>], vector<16xi32>,
      %get3A_407 = arith.constant 1104 : index
      %get3A_408 = tpu.vector_load %arg8[%get3A_407] {strides = array<i32>} : memref<2048xi32, #tpu.memory_space<vmem>>, vector<16xi32>,
      tpu.vector_store_idx %arg10[%get3A_408], %broadcast_in_dim3A_269 {add = true} : memref<2048xi32, #tpu.memory_space<vmem>>[vector<16xi32>], vector<16xi32>,
      %get3A_409 = arith.constant 1120 : index
      %get3A_410 = tpu.vector_load %arg8[%get3A_409] {strides = array<i32>} : memref<2048xi32, #tpu.memory_space<vmem>>, vector<16xi32>,
      tpu.vector_store_idx %arg10[%get3A_410], %broadcast_in_dim3A_269 {add = true} : memref<2048xi32, #tpu.memory_space<vmem>>[vector<16xi32>], vector<16xi32>,
      %get3A_411 = arith.constant 1136 : index
      %get3A_412 = tpu.vector_load %arg8[%get3A_411] {strides = array<i32>} : memref<2048xi32, #tpu.memory_space<vmem>>, vector<16xi32>,
      tpu.vector_store_idx %arg10[%get3A_412], %broadcast_in_dim3A_269 {add = true} : memref<2048xi32, #tpu.memory_space<vmem>>[vector<16xi32>], vector<16xi32>,
      %get3A_413 = arith.constant 1152 : index
      %get3A_414 = tpu.vector_load %arg8[%get3A_413] {strides = array<i32>} : memref<2048xi32, #tpu.memory_space<vmem>>, vector<16xi32>,
      tpu.vector_store_idx %arg10[%get3A_414], %broadcast_in_dim3A_269 {add = true} : memref<2048xi32, #tpu.memory_space<vmem>>[vector<16xi32>], vector<16xi32>,
      %get3A_415 = arith.constant 1168 : index
      %get3A_416 = tpu.vector_load %arg8[%get3A_415] {strides = array<i32>} : memref<2048xi32, #tpu.memory_space<vmem>>, vector<16xi32>,
      tpu.vector_store_idx %arg10[%get3A_416], %broadcast_in_dim3A_269 {add = true} : memref<2048xi32, #tpu.memory_space<vmem>>[vector<16xi32>], vector<16xi32>,
      %get3A_417 = arith.constant 1184 : index
      %get3A_418 = tpu.vector_load %arg8[%get3A_417] {strides = array<i32>} : memref<2048xi32, #tpu.memory_space<vmem>>, vector<16xi32>,
      tpu.vector_store_idx %arg10[%get3A_418], %broadcast_in_dim3A_269 {add = true} : memref<2048xi32, #tpu.memory_space<vmem>>[vector<16xi32>], vector<16xi32>,
      %get3A_419 = arith.constant 1200 : index
      %get3A_420 = tpu.vector_load %arg8[%get3A_419] {strides = array<i32>} : memref<2048xi32, #tpu.memory_space<vmem>>, vector<16xi32>,
      tpu.vector_store_idx %arg10[%get3A_420], %broadcast_in_dim3A_269 {add = true} : memref<2048xi32, #tpu.memory_space<vmem>>[vector<16xi32>], vector<16xi32>,
      %get3A_421 = arith.constant 1216 : index
      %get3A_422 = tpu.vector_load %arg8[%get3A_421] {strides = array<i32>} : memref<2048xi32, #tpu.memory_space<vmem>>, vector<16xi32>,
      tpu.vector_store_idx %arg10[%get3A_422], %broadcast_in_dim3A_269 {add = true} : memref<2048xi32, #tpu.memory_space<vmem>>[vector<16xi32>], vector<16xi32>,
      %get3A_423 = arith.constant 1232 : index
      %get3A_424 = tpu.vector_load %arg8[%get3A_423] {strides = array<i32>} : memref<2048xi32, #tpu.memory_space<vmem>>, vector<16xi32>,
      tpu.vector_store_idx %arg10[%get3A_424], %broadcast_in_dim3A_269 {add = true} : memref<2048xi32, #tpu.memory_space<vmem>>[vector<16xi32>], vector<16xi32>,
      %get3A_425 = arith.constant 1248 : index
      %get3A_426 = tpu.vector_load %arg8[%get3A_425] {strides = array<i32>} : memref<2048xi32, #tpu.memory_space<vmem>>, vector<16xi32>,
      tpu.vector_store_idx %arg10[%get3A_426], %broadcast_in_dim3A_269 {add = true} : memref<2048xi32, #tpu.memory_space<vmem>>[vector<16xi32>], vector<16xi32>,
      %get3A_427 = arith.constant 1264 : index
      %get3A_428 = tpu.vector_load %arg8[%get3A_427] {strides = array<i32>} : memref<2048xi32, #tpu.memory_space<vmem>>, vector<16xi32>,
      tpu.vector_store_idx %arg10[%get3A_428], %broadcast_in_dim3A_269 {add = true} : memref<2048xi32, #tpu.memory_space<vmem>>[vector<16xi32>], vector<16xi32>,
      %get3A_429 = arith.constant 1280 : index
      %get3A_430 = tpu.vector_load %arg8[%get3A_429] {strides = array<i32>} : memref<2048xi32, #tpu.memory_space<vmem>>, vector<16xi32>,
      tpu.vector_store_idx %arg10[%get3A_430], %broadcast_in_dim3A_269 {add = true} : memref<2048xi32, #tpu.memory_space<vmem>>[vector<16xi32>], vector<16xi32>,
      %get3A_431 = arith.constant 1296 : index
      %get3A_432 = tpu.vector_load %arg8[%get3A_431] {strides = array<i32>} : memref<2048xi32, #tpu.memory_space<vmem>>, vector<16xi32>,
      tpu.vector_store_idx %arg10[%get3A_432], %broadcast_in_dim3A_269 {add = true} : memref<2048xi32, #tpu.memory_space<vmem>>[vector<16xi32>], vector<16xi32>,
      %get3A_433 = arith.constant 1312 : index
      %get3A_434 = tpu.vector_load %arg8[%get3A_433] {strides = array<i32>} : memref<2048xi32, #tpu.memory_space<vmem>>, vector<16xi32>,
      tpu.vector_store_idx %arg10[%get3A_434], %broadcast_in_dim3A_269 {add = true} : memref<2048xi32, #tpu.memory_space<vmem>>[vector<16xi32>], vector<16xi32>,
      %get3A_435 = arith.constant 1328 : index
      %get3A_436 = tpu.vector_load %arg8[%get3A_435] {strides = array<i32>} : memref<2048xi32, #tpu.memory_space<vmem>>, vector<16xi32>,
      tpu.vector_store_idx %arg10[%get3A_436], %broadcast_in_dim3A_269 {add = true} : memref<2048xi32, #tpu.memory_space<vmem>>[vector<16xi32>], vector<16xi32>,
      %get3A_437 = arith.constant 1344 : index
      %get3A_438 = tpu.vector_load %arg8[%get3A_437] {strides = array<i32>} : memref<2048xi32, #tpu.memory_space<vmem>>, vector<16xi32>,
      tpu.vector_store_idx %arg10[%get3A_438], %broadcast_in_dim3A_269 {add = true} : memref<2048xi32, #tpu.memory_space<vmem>>[vector<16xi32>], vector<16xi32>,
      %get3A_439 = arith.constant 1360 : index
      %get3A_440 = tpu.vector_load %arg8[%get3A_439] {strides = array<i32>} : memref<2048xi32, #tpu.memory_space<vmem>>, vector<16xi32>,
      tpu.vector_store_idx %arg10[%get3A_440], %broadcast_in_dim3A_269 {add = true} : memref<2048xi32, #tpu.memory_space<vmem>>[vector<16xi32>], vector<16xi32>,
      %get3A_441 = arith.constant 1376 : index
      %get3A_442 = tpu.vector_load %arg8[%get3A_441] {strides = array<i32>} : memref<2048xi32, #tpu.memory_space<vmem>>, vector<16xi32>,
      tpu.vector_store_idx %arg10[%get3A_442], %broadcast_in_dim3A_269 {add = true} : memref<2048xi32, #tpu.memory_space<vmem>>[vector<16xi32>], vector<16xi32>,
      %get3A_443 = arith.constant 1392 : index
      %get3A_444 = tpu.vector_load %arg8[%get3A_443] {strides = array<i32>} : memref<2048xi32, #tpu.memory_space<vmem>>, vector<16xi32>,
      tpu.vector_store_idx %arg10[%get3A_444], %broadcast_in_dim3A_269 {add = true} : memref<2048xi32, #tpu.memory_space<vmem>>[vector<16xi32>], vector<16xi32>,
      %get3A_445 = arith.constant 1408 : index
      %get3A_446 = tpu.vector_load %arg8[%get3A_445] {strides = array<i32>} : memref<2048xi32, #tpu.memory_space<vmem>>, vector<16xi32>,
      tpu.vector_store_idx %arg10[%get3A_446], %broadcast_in_dim3A_269 {add = true} : memref<2048xi32, #tpu.memory_space<vmem>>[vector<16xi32>], vector<16xi32>,
      %get3A_447 = arith.constant 1424 : index
      %get3A_448 = tpu.vector_load %arg8[%get3A_447] {strides = array<i32>} : memref<2048xi32, #tpu.memory_space<vmem>>, vector<16xi32>,
      tpu.vector_store_idx %arg10[%get3A_448], %broadcast_in_dim3A_269 {add = true} : memref<2048xi32, #tpu.memory_space<vmem>>[vector<16xi32>], vector<16xi32>,
      %get3A_449 = arith.constant 1440 : index
      %get3A_450 = tpu.vector_load %arg8[%get3A_449] {strides = array<i32>} : memref<2048xi32, #tpu.memory_space<vmem>>, vector<16xi32>,
      tpu.vector_store_idx %arg10[%get3A_450], %broadcast_in_dim3A_269 {add = true} : memref<2048xi32, #tpu.memory_space<vmem>>[vector<16xi32>], vector<16xi32>,
      %get3A_451 = arith.constant 1456 : index
      %get3A_452 = tpu.vector_load %arg8[%get3A_451] {strides = array<i32>} : memref<2048xi32, #tpu.memory_space<vmem>>, vector<16xi32>,
      tpu.vector_store_idx %arg10[%get3A_452], %broadcast_in_dim3A_269 {add = true} : memref<2048xi32, #tpu.memory_space<vmem>>[vector<16xi32>], vector<16xi32>,
      %get3A_453 = arith.constant 1472 : index
      %get3A_454 = tpu.vector_load %arg8[%get3A_453] {strides = array<i32>} : memref<2048xi32, #tpu.memory_space<vmem>>, vector<16xi32>,
      tpu.vector_store_idx %arg10[%get3A_454], %broadcast_in_dim3A_269 {add = true} : memref<2048xi32, #tpu.memory_space<vmem>>[vector<16xi32>], vector<16xi32>,
      %get3A_455 = arith.constant 1488 : index
      %get3A_456 = tpu.vector_load %arg8[%get3A_455] {strides = array<i32>} : memref<2048xi32, #tpu.memory_space<vmem>>, vector<16xi32>,
      tpu.vector_store_idx %arg10[%get3A_456], %broadcast_in_dim3A_269 {add = true} : memref<2048xi32, #tpu.memory_space<vmem>>[vector<16xi32>], vector<16xi32>,
      %get3A_457 = arith.constant 1504 : index
      %get3A_458 = tpu.vector_load %arg8[%get3A_457] {strides = array<i32>} : memref<2048xi32, #tpu.memory_space<vmem>>, vector<16xi32>,
      tpu.vector_store_idx %arg10[%get3A_458], %broadcast_in_dim3A_269 {add = true} : memref<2048xi32, #tpu.memory_space<vmem>>[vector<16xi32>], vector<16xi32>,
      %get3A_459 = arith.constant 1520 : index
      %get3A_460 = tpu.vector_load %arg8[%get3A_459] {strides = array<i32>} : memref<2048xi32, #tpu.memory_space<vmem>>, vector<16xi32>,
      tpu.vector_store_idx %arg10[%get3A_460], %broadcast_in_dim3A_269 {add = true} : memref<2048xi32, #tpu.memory_space<vmem>>[vector<16xi32>], vector<16xi32>,
      %get3A_461 = arith.constant 1536 : index
      %get3A_462 = tpu.vector_load %arg8[%get3A_461] {strides = array<i32>} : memref<2048xi32, #tpu.memory_space<vmem>>, vector<16xi32>,
      tpu.vector_store_idx %arg10[%get3A_462], %broadcast_in_dim3A_269 {add = true} : memref<2048xi32, #tpu.memory_space<vmem>>[vector<16xi32>], vector<16xi32>,
      %get3A_463 = arith.constant 1552 : index
      %get3A_464 = tpu.vector_load %arg8[%get3A_463] {strides = array<i32>} : memref<2048xi32, #tpu.memory_space<vmem>>, vector<16xi32>,
      tpu.vector_store_idx %arg10[%get3A_464], %broadcast_in_dim3A_269 {add = true} : memref<2048xi32, #tpu.memory_space<vmem>>[vector<16xi32>], vector<16xi32>,
      %get3A_465 = arith.constant 1568 : index
      %get3A_466 = tpu.vector_load %arg8[%get3A_465] {strides = array<i32>} : memref<2048xi32, #tpu.memory_space<vmem>>, vector<16xi32>,
      tpu.vector_store_idx %arg10[%get3A_466], %broadcast_in_dim3A_269 {add = true} : memref<2048xi32, #tpu.memory_space<vmem>>[vector<16xi32>], vector<16xi32>,
      %get3A_467 = arith.constant 1584 : index
      %get3A_468 = tpu.vector_load %arg8[%get3A_467] {strides = array<i32>} : memref<2048xi32, #tpu.memory_space<vmem>>, vector<16xi32>,
      tpu.vector_store_idx %arg10[%get3A_468], %broadcast_in_dim3A_269 {add = true} : memref<2048xi32, #tpu.memory_space<vmem>>[vector<16xi32>], vector<16xi32>,
      %get3A_469 = arith.constant 1600 : index
      %get3A_470 = tpu.vector_load %arg8[%get3A_469] {strides = array<i32>} : memref<2048xi32, #tpu.memory_space<vmem>>, vector<16xi32>,
      tpu.vector_store_idx %arg10[%get3A_470], %broadcast_in_dim3A_269 {add = true} : memref<2048xi32, #tpu.memory_space<vmem>>[vector<16xi32>], vector<16xi32>,
      %get3A_471 = arith.constant 1616 : index
      %get3A_472 = tpu.vector_load %arg8[%get3A_471] {strides = array<i32>} : memref<2048xi32, #tpu.memory_space<vmem>>, vector<16xi32>,
      tpu.vector_store_idx %arg10[%get3A_472], %broadcast_in_dim3A_269 {add = true} : memref<2048xi32, #tpu.memory_space<vmem>>[vector<16xi32>], vector<16xi32>,
      %get3A_473 = arith.constant 1632 : index
      %get3A_474 = tpu.vector_load %arg8[%get3A_473] {strides = array<i32>} : memref<2048xi32, #tpu.memory_space<vmem>>, vector<16xi32>,
      tpu.vector_store_idx %arg10[%get3A_474], %broadcast_in_dim3A_269 {add = true} : memref<2048xi32, #tpu.memory_space<vmem>>[vector<16xi32>], vector<16xi32>,
      %get3A_475 = arith.constant 1648 : index
      %get3A_476 = tpu.vector_load %arg8[%get3A_475] {strides = array<i32>} : memref<2048xi32, #tpu.memory_space<vmem>>, vector<16xi32>,
      tpu.vector_store_idx %arg10[%get3A_476], %broadcast_in_dim3A_269 {add = true} : memref<2048xi32, #tpu.memory_space<vmem>>[vector<16xi32>], vector<16xi32>,
      %get3A_477 = arith.constant 1664 : index
      %get3A_478 = tpu.vector_load %arg8[%get3A_477] {strides = array<i32>} : memref<2048xi32, #tpu.memory_space<vmem>>, vector<16xi32>,
      tpu.vector_store_idx %arg10[%get3A_478], %broadcast_in_dim3A_269 {add = true} : memref<2048xi32, #tpu.memory_space<vmem>>[vector<16xi32>], vector<16xi32>,
      %get3A_479 = arith.constant 1680 : index
      %get3A_480 = tpu.vector_load %arg8[%get3A_479] {strides = array<i32>} : memref<2048xi32, #tpu.memory_space<vmem>>, vector<16xi32>,
      tpu.vector_store_idx %arg10[%get3A_480], %broadcast_in_dim3A_269 {add = true} : memref<2048xi32, #tpu.memory_space<vmem>>[vector<16xi32>], vector<16xi32>,
      %get3A_481 = arith.constant 1696 : index
      %get3A_482 = tpu.vector_load %arg8[%get3A_481] {strides = array<i32>} : memref<2048xi32, #tpu.memory_space<vmem>>, vector<16xi32>,
      tpu.vector_store_idx %arg10[%get3A_482], %broadcast_in_dim3A_269 {add = true} : memref<2048xi32, #tpu.memory_space<vmem>>[vector<16xi32>], vector<16xi32>,
      %get3A_483 = arith.constant 1712 : index
      %get3A_484 = tpu.vector_load %arg8[%get3A_483] {strides = array<i32>} : memref<2048xi32, #tpu.memory_space<vmem>>, vector<16xi32>,
      tpu.vector_store_idx %arg10[%get3A_484], %broadcast_in_dim3A_269 {add = true} : memref<2048xi32, #tpu.memory_space<vmem>>[vector<16xi32>], vector<16xi32>,
      %get3A_485 = arith.constant 1728 : index
      %get3A_486 = tpu.vector_load %arg8[%get3A_485] {strides = array<i32>} : memref<2048xi32, #tpu.memory_space<vmem>>, vector<16xi32>,
      tpu.vector_store_idx %arg10[%get3A_486], %broadcast_in_dim3A_269 {add = true} : memref<2048xi32, #tpu.memory_space<vmem>>[vector<16xi32>], vector<16xi32>,
      %get3A_487 = arith.constant 1744 : index
      %get3A_488 = tpu.vector_load %arg8[%get3A_487] {strides = array<i32>} : memref<2048xi32, #tpu.memory_space<vmem>>, vector<16xi32>,
      tpu.vector_store_idx %arg10[%get3A_488], %broadcast_in_dim3A_269 {add = true} : memref<2048xi32, #tpu.memory_space<vmem>>[vector<16xi32>], vector<16xi32>,
      %get3A_489 = arith.constant 1760 : index
      %get3A_490 = tpu.vector_load %arg8[%get3A_489] {strides = array<i32>} : memref<2048xi32, #tpu.memory_space<vmem>>, vector<16xi32>,
      tpu.vector_store_idx %arg10[%get3A_490], %broadcast_in_dim3A_269 {add = true} : memref<2048xi32, #tpu.memory_space<vmem>>[vector<16xi32>], vector<16xi32>,
      %get3A_491 = arith.constant 1776 : index
      %get3A_492 = tpu.vector_load %arg8[%get3A_491] {strides = array<i32>} : memref<2048xi32, #tpu.memory_space<vmem>>, vector<16xi32>,
      tpu.vector_store_idx %arg10[%get3A_492], %broadcast_in_dim3A_269 {add = true} : memref<2048xi32, #tpu.memory_space<vmem>>[vector<16xi32>], vector<16xi32>,
      %get3A_493 = arith.constant 1792 : index
      %get3A_494 = tpu.vector_load %arg8[%get3A_493] {strides = array<i32>} : memref<2048xi32, #tpu.memory_space<vmem>>, vector<16xi32>,
      tpu.vector_store_idx %arg10[%get3A_494], %broadcast_in_dim3A_269 {add = true} : memref<2048xi32, #tpu.memory_space<vmem>>[vector<16xi32>], vector<16xi32>,
      %get3A_495 = arith.constant 1808 : index
      %get3A_496 = tpu.vector_load %arg8[%get3A_495] {strides = array<i32>} : memref<2048xi32, #tpu.memory_space<vmem>>, vector<16xi32>,
      tpu.vector_store_idx %arg10[%get3A_496], %broadcast_in_dim3A_269 {add = true} : memref<2048xi32, #tpu.memory_space<vmem>>[vector<16xi32>], vector<16xi32>,
      %get3A_497 = arith.constant 1824 : index
      %get3A_498 = tpu.vector_load %arg8[%get3A_497] {strides = array<i32>} : memref<2048xi32, #tpu.memory_space<vmem>>, vector<16xi32>,
      tpu.vector_store_idx %arg10[%get3A_498], %broadcast_in_dim3A_269 {add = true} : memref<2048xi32, #tpu.memory_space<vmem>>[vector<16xi32>], vector<16xi32>,
      %get3A_499 = arith.constant 1840 : index
      %get3A_500 = tpu.vector_load %arg8[%get3A_499] {strides = array<i32>} : memref<2048xi32, #tpu.memory_space<vmem>>, vector<16xi32>,
      tpu.vector_store_idx %arg10[%get3A_500], %broadcast_in_dim3A_269 {add = true} : memref<2048xi32, #tpu.memory_space<vmem>>[vector<16xi32>], vector<16xi32>,
      %get3A_501 = arith.constant 1856 : index
      %get3A_502 = tpu.vector_load %arg8[%get3A_501] {strides = array<i32>} : memref<2048xi32, #tpu.memory_space<vmem>>, vector<16xi32>,
      tpu.vector_store_idx %arg10[%get3A_502], %broadcast_in_dim3A_269 {add = true} : memref<2048xi32, #tpu.memory_space<vmem>>[vector<16xi32>], vector<16xi32>,
      %get3A_503 = arith.constant 1872 : index
      %get3A_504 = tpu.vector_load %arg8[%get3A_503] {strides = array<i32>} : memref<2048xi32, #tpu.memory_space<vmem>>, vector<16xi32>,
      tpu.vector_store_idx %arg10[%get3A_504], %broadcast_in_dim3A_269 {add = true} : memref<2048xi32, #tpu.memory_space<vmem>>[vector<16xi32>], vector<16xi32>,
      %get3A_505 = arith.constant 1888 : index
      %get3A_506 = tpu.vector_load %arg8[%get3A_505] {strides = array<i32>} : memref<2048xi32, #tpu.memory_space<vmem>>, vector<16xi32>,
      tpu.vector_store_idx %arg10[%get3A_506], %broadcast_in_dim3A_269 {add = true} : memref<2048xi32, #tpu.memory_space<vmem>>[vector<16xi32>], vector<16xi32>,
      %get3A_507 = arith.constant 1904 : index
      %get3A_508 = tpu.vector_load %arg8[%get3A_507] {strides = array<i32>} : memref<2048xi32, #tpu.memory_space<vmem>>, vector<16xi32>,
      tpu.vector_store_idx %arg10[%get3A_508], %broadcast_in_dim3A_269 {add = true} : memref<2048xi32, #tpu.memory_space<vmem>>[vector<16xi32>], vector<16xi32>,
      %get3A_509 = arith.constant 1920 : index
      %get3A_510 = tpu.vector_load %arg8[%get3A_509] {strides = array<i32>} : memref<2048xi32, #tpu.memory_space<vmem>>, vector<16xi32>,
      tpu.vector_store_idx %arg10[%get3A_510], %broadcast_in_dim3A_269 {add = true} : memref<2048xi32, #tpu.memory_space<vmem>>[vector<16xi32>], vector<16xi32>,
      %get3A_511 = arith.constant 1936 : index
      %get3A_512 = tpu.vector_load %arg8[%get3A_511] {strides = array<i32>} : memref<2048xi32, #tpu.memory_space<vmem>>, vector<16xi32>,
      tpu.vector_store_idx %arg10[%get3A_512], %broadcast_in_dim3A_269 {add = true} : memref<2048xi32, #tpu.memory_space<vmem>>[vector<16xi32>], vector<16xi32>,
      %get3A_513 = arith.constant 1952 : index
      %get3A_514 = tpu.vector_load %arg8[%get3A_513] {strides = array<i32>} : memref<2048xi32, #tpu.memory_space<vmem>>, vector<16xi32>,
      tpu.vector_store_idx %arg10[%get3A_514], %broadcast_in_dim3A_269 {add = true} : memref<2048xi32, #tpu.memory_space<vmem>>[vector<16xi32>], vector<16xi32>,
      %get3A_515 = arith.constant 1968 : index
      %get3A_516 = tpu.vector_load %arg8[%get3A_515] {strides = array<i32>} : memref<2048xi32, #tpu.memory_space<vmem>>, vector<16xi32>,
      tpu.vector_store_idx %arg10[%get3A_516], %broadcast_in_dim3A_269 {add = true} : memref<2048xi32, #tpu.memory_space<vmem>>[vector<16xi32>], vector<16xi32>,
      %get3A_517 = arith.constant 1984 : index
      %get3A_518 = tpu.vector_load %arg8[%get3A_517] {strides = array<i32>} : memref<2048xi32, #tpu.memory_space<vmem>>, vector<16xi32>,
      tpu.vector_store_idx %arg10[%get3A_518], %broadcast_in_dim3A_269 {add = true} : memref<2048xi32, #tpu.memory_space<vmem>>[vector<16xi32>], vector<16xi32>,
      %get3A_519 = arith.constant 2000 : index
      %get3A_520 = tpu.vector_load %arg8[%get3A_519] {strides = array<i32>} : memref<2048xi32, #tpu.memory_space<vmem>>, vector<16xi32>,
      tpu.vector_store_idx %arg10[%get3A_520], %broadcast_in_dim3A_269 {add = true} : memref<2048xi32, #tpu.memory_space<vmem>>[vector<16xi32>], vector<16xi32>,
      %get3A_521 = arith.constant 2016 : index
      %get3A_522 = tpu.vector_load %arg8[%get3A_521] {strides = array<i32>} : memref<2048xi32, #tpu.memory_space<vmem>>, vector<16xi32>,
      tpu.vector_store_idx %arg10[%get3A_522], %broadcast_in_dim3A_269 {add = true} : memref<2048xi32, #tpu.memory_space<vmem>>[vector<16xi32>], vector<16xi32>,
      %get3A_523 = arith.constant 2032 : index
      %get3A_524 = tpu.vector_load %arg8[%get3A_523] {strides = array<i32>} : memref<2048xi32, #tpu.memory_space<vmem>>, vector<16xi32>,
      tpu.vector_store_idx %arg10[%get3A_524], %broadcast_in_dim3A_269 {add = true} : memref<2048xi32, #tpu.memory_space<vmem>>[vector<16xi32>], vector<16xi32>,
      %broadcast_in_dim3A_525 = arith.constant 0.000000e+00 : f32
      %broadcast_in_dim3A_526 = vector.broadcast %broadcast_in_dim3A_525 : f32 to vector<16xf32>
      %get3A_527 = arith.constant 0 : index
      %get3A_528 = tpu.vector_load %arg8[%get3A_527] {strides = array<i32>} : memref<2048xi32, #tpu.memory_space<vmem>>, vector<16xi32>,
      %gather3A = tpu.vector_load_idx %arg10[%get3A_528] : memref<2048xi32, #tpu.memory_space<vmem>>[vector<16xi32>], vector<16xi32>,
      %gather3A_529 = tpu.vector_load_idx %arg11[%gather3A] : memref<2056xf32, #tpu.memory_space<vmem>>[vector<16xi32>], vector<16xf32>,
      %get3A_530 = arith.constant 0 : index
      %get3A_531 = tpu.vector_load %arg9[%get3A_530] {strides = array<i32>} : memref<2048xf32, #tpu.memory_space<vmem>>, vector<16xf32>,
      %mul3A_532 = arith.mulf %get3A_531, %gather3A_529 : vector<16xf32>
      %add3A = arith.addf %broadcast_in_dim3A_526, %mul3A_532 : vector<16xf32>
      %get3A_533 = arith.constant 16 : index
      %get3A_534 = tpu.vector_load %arg8[%get3A_533] {strides = array<i32>} : memref<2048xi32, #tpu.memory_space<vmem>>, vector<16xi32>,
      %gather3A_535 = tpu.vector_load_idx %arg10[%get3A_534] : memref<2048xi32, #tpu.memory_space<vmem>>[vector<16xi32>], vector<16xi32>,
      %gather3A_536 = tpu.vector_load_idx %arg11[%gather3A_535] : memref<2056xf32, #tpu.memory_space<vmem>>[vector<16xi32>], vector<16xf32>,
      %get3A_537 = arith.constant 16 : index
      %get3A_538 = tpu.vector_load %arg9[%get3A_537] {strides = array<i32>} : memref<2048xf32, #tpu.memory_space<vmem>>, vector<16xf32>,
      %mul3A_539 = arith.mulf %get3A_538, %gather3A_536 : vector<16xf32>
      %add3A_540 = arith.addf %add3A, %mul3A_539 : vector<16xf32>
      %get3A_541 = arith.constant 32 : index
      %get3A_542 = tpu.vector_load %arg8[%get3A_541] {strides = array<i32>} : memref<2048xi32, #tpu.memory_space<vmem>>, vector<16xi32>,
      %gather3A_543 = tpu.vector_load_idx %arg10[%get3A_542] : memref<2048xi32, #tpu.memory_space<vmem>>[vector<16xi32>], vector<16xi32>,
      %gather3A_544 = tpu.vector_load_idx %arg11[%gather3A_543] : memref<2056xf32, #tpu.memory_space<vmem>>[vector<16xi32>], vector<16xf32>,
      %get3A_545 = arith.constant 32 : index
      %get3A_546 = tpu.vector_load %arg9[%get3A_545] {strides = array<i32>} : memref<2048xf32, #tpu.memory_space<vmem>>, vector<16xf32>,
      %mul3A_547 = arith.mulf %get3A_546, %gather3A_544 : vector<16xf32>
      %add3A_548 = arith.addf %add3A_540, %mul3A_547 : vector<16xf32>
      %get3A_549 = arith.constant 48 : index
      %get3A_550 = tpu.vector_load %arg8[%get3A_549] {strides = array<i32>} : memref<2048xi32, #tpu.memory_space<vmem>>, vector<16xi32>,
      %gather3A_551 = tpu.vector_load_idx %arg10[%get3A_550] : memref<2048xi32, #tpu.memory_space<vmem>>[vector<16xi32>], vector<16xi32>,
      %gather3A_552 = tpu.vector_load_idx %arg11[%gather3A_551] : memref<2056xf32, #tpu.memory_space<vmem>>[vector<16xi32>], vector<16xf32>,
      %get3A_553 = arith.constant 48 : index
      %get3A_554 = tpu.vector_load %arg9[%get3A_553] {strides = array<i32>} : memref<2048xf32, #tpu.memory_space<vmem>>, vector<16xf32>,
      %mul3A_555 = arith.mulf %get3A_554, %gather3A_552 : vector<16xf32>
      %add3A_556 = arith.addf %add3A_548, %mul3A_555 : vector<16xf32>
      %get3A_557 = arith.constant 64 : index
      %get3A_558 = tpu.vector_load %arg8[%get3A_557] {strides = array<i32>} : memref<2048xi32, #tpu.memory_space<vmem>>, vector<16xi32>,
      %gather3A_559 = tpu.vector_load_idx %arg10[%get3A_558] : memref<2048xi32, #tpu.memory_space<vmem>>[vector<16xi32>], vector<16xi32>,
      %gather3A_560 = tpu.vector_load_idx %arg11[%gather3A_559] : memref<2056xf32, #tpu.memory_space<vmem>>[vector<16xi32>], vector<16xf32>,
      %get3A_561 = arith.constant 64 : index
      %get3A_562 = tpu.vector_load %arg9[%get3A_561] {strides = array<i32>} : memref<2048xf32, #tpu.memory_space<vmem>>, vector<16xf32>,
      %mul3A_563 = arith.mulf %get3A_562, %gather3A_560 : vector<16xf32>
      %add3A_564 = arith.addf %add3A_556, %mul3A_563 : vector<16xf32>
      %get3A_565 = arith.constant 80 : index
      %get3A_566 = tpu.vector_load %arg8[%get3A_565] {strides = array<i32>} : memref<2048xi32, #tpu.memory_space<vmem>>, vector<16xi32>,
      %gather3A_567 = tpu.vector_load_idx %arg10[%get3A_566] : memref<2048xi32, #tpu.memory_space<vmem>>[vector<16xi32>], vector<16xi32>,
      %gather3A_568 = tpu.vector_load_idx %arg11[%gather3A_567] : memref<2056xf32, #tpu.memory_space<vmem>>[vector<16xi32>], vector<16xf32>,
      %get3A_569 = arith.constant 80 : index
      %get3A_570 = tpu.vector_load %arg9[%get3A_569] {strides = array<i32>} : memref<2048xf32, #tpu.memory_space<vmem>>, vector<16xf32>,
      %mul3A_571 = arith.mulf %get3A_570, %gather3A_568 : vector<16xf32>
      %add3A_572 = arith.addf %add3A_564, %mul3A_571 : vector<16xf32>
      %get3A_573 = arith.constant 96 : index
      %get3A_574 = tpu.vector_load %arg8[%get3A_573] {strides = array<i32>} : memref<2048xi32, #tpu.memory_space<vmem>>, vector<16xi32>,
      %gather3A_575 = tpu.vector_load_idx %arg10[%get3A_574] : memref<2048xi32, #tpu.memory_space<vmem>>[vector<16xi32>], vector<16xi32>,
      %gather3A_576 = tpu.vector_load_idx %arg11[%gather3A_575] : memref<2056xf32, #tpu.memory_space<vmem>>[vector<16xi32>], vector<16xf32>,
      %get3A_577 = arith.constant 96 : index
      %get3A_578 = tpu.vector_load %arg9[%get3A_577] {strides = array<i32>} : memref<2048xf32, #tpu.memory_space<vmem>>, vector<16xf32>,
      %mul3A_579 = arith.mulf %get3A_578, %gather3A_576 : vector<16xf32>
      %add3A_580 = arith.addf %add3A_572, %mul3A_579 : vector<16xf32>
      %get3A_581 = arith.constant 112 : index
      %get3A_582 = tpu.vector_load %arg8[%get3A_581] {strides = array<i32>} : memref<2048xi32, #tpu.memory_space<vmem>>, vector<16xi32>,
      %gather3A_583 = tpu.vector_load_idx %arg10[%get3A_582] : memref<2048xi32, #tpu.memory_space<vmem>>[vector<16xi32>], vector<16xi32>,
      %gather3A_584 = tpu.vector_load_idx %arg11[%gather3A_583] : memref<2056xf32, #tpu.memory_space<vmem>>[vector<16xi32>], vector<16xf32>,
      %get3A_585 = arith.constant 112 : index
      %get3A_586 = tpu.vector_load %arg9[%get3A_585] {strides = array<i32>} : memref<2048xf32, #tpu.memory_space<vmem>>, vector<16xf32>,
      %mul3A_587 = arith.mulf %get3A_586, %gather3A_584 : vector<16xf32>
      %add3A_588 = arith.addf %add3A_580, %mul3A_587 : vector<16xf32>
      %get3A_589 = arith.constant 128 : index
      %get3A_590 = tpu.vector_load %arg8[%get3A_589] {strides = array<i32>} : memref<2048xi32, #tpu.memory_space<vmem>>, vector<16xi32>,
      %gather3A_591 = tpu.vector_load_idx %arg10[%get3A_590] : memref<2048xi32, #tpu.memory_space<vmem>>[vector<16xi32>], vector<16xi32>,
      %gather3A_592 = tpu.vector_load_idx %arg11[%gather3A_591] : memref<2056xf32, #tpu.memory_space<vmem>>[vector<16xi32>], vector<16xf32>,
      %get3A_593 = arith.constant 128 : index
      %get3A_594 = tpu.vector_load %arg9[%get3A_593] {strides = array<i32>} : memref<2048xf32, #tpu.memory_space<vmem>>, vector<16xf32>,
      %mul3A_595 = arith.mulf %get3A_594, %gather3A_592 : vector<16xf32>
      %add3A_596 = arith.addf %add3A_588, %mul3A_595 : vector<16xf32>
      %get3A_597 = arith.constant 144 : index
      %get3A_598 = tpu.vector_load %arg8[%get3A_597] {strides = array<i32>} : memref<2048xi32, #tpu.memory_space<vmem>>, vector<16xi32>,
      %gather3A_599 = tpu.vector_load_idx %arg10[%get3A_598] : memref<2048xi32, #tpu.memory_space<vmem>>[vector<16xi32>], vector<16xi32>,
      %gather3A_600 = tpu.vector_load_idx %arg11[%gather3A_599] : memref<2056xf32, #tpu.memory_space<vmem>>[vector<16xi32>], vector<16xf32>,
      %get3A_601 = arith.constant 144 : index
      %get3A_602 = tpu.vector_load %arg9[%get3A_601] {strides = array<i32>} : memref<2048xf32, #tpu.memory_space<vmem>>, vector<16xf32>,
      %mul3A_603 = arith.mulf %get3A_602, %gather3A_600 : vector<16xf32>
      %add3A_604 = arith.addf %add3A_596, %mul3A_603 : vector<16xf32>
      %get3A_605 = arith.constant 160 : index
      %get3A_606 = tpu.vector_load %arg8[%get3A_605] {strides = array<i32>} : memref<2048xi32, #tpu.memory_space<vmem>>, vector<16xi32>,
      %gather3A_607 = tpu.vector_load_idx %arg10[%get3A_606] : memref<2048xi32, #tpu.memory_space<vmem>>[vector<16xi32>], vector<16xi32>,
      %gather3A_608 = tpu.vector_load_idx %arg11[%gather3A_607] : memref<2056xf32, #tpu.memory_space<vmem>>[vector<16xi32>], vector<16xf32>,
      %get3A_609 = arith.constant 160 : index
      %get3A_610 = tpu.vector_load %arg9[%get3A_609] {strides = array<i32>} : memref<2048xf32, #tpu.memory_space<vmem>>, vector<16xf32>,
      %mul3A_611 = arith.mulf %get3A_610, %gather3A_608 : vector<16xf32>
      %add3A_612 = arith.addf %add3A_604, %mul3A_611 : vector<16xf32>
      %get3A_613 = arith.constant 176 : index
      %get3A_614 = tpu.vector_load %arg8[%get3A_613] {strides = array<i32>} : memref<2048xi32, #tpu.memory_space<vmem>>, vector<16xi32>,
      %gather3A_615 = tpu.vector_load_idx %arg10[%get3A_614] : memref<2048xi32, #tpu.memory_space<vmem>>[vector<16xi32>], vector<16xi32>,
      %gather3A_616 = tpu.vector_load_idx %arg11[%gather3A_615] : memref<2056xf32, #tpu.memory_space<vmem>>[vector<16xi32>], vector<16xf32>,
      %get3A_617 = arith.constant 176 : index
      %get3A_618 = tpu.vector_load %arg9[%get3A_617] {strides = array<i32>} : memref<2048xf32, #tpu.memory_space<vmem>>, vector<16xf32>,
      %mul3A_619 = arith.mulf %get3A_618, %gather3A_616 : vector<16xf32>
      %add3A_620 = arith.addf %add3A_612, %mul3A_619 : vector<16xf32>
      %get3A_621 = arith.constant 192 : index
      %get3A_622 = tpu.vector_load %arg8[%get3A_621] {strides = array<i32>} : memref<2048xi32, #tpu.memory_space<vmem>>, vector<16xi32>,
      %gather3A_623 = tpu.vector_load_idx %arg10[%get3A_622] : memref<2048xi32, #tpu.memory_space<vmem>>[vector<16xi32>], vector<16xi32>,
      %gather3A_624 = tpu.vector_load_idx %arg11[%gather3A_623] : memref<2056xf32, #tpu.memory_space<vmem>>[vector<16xi32>], vector<16xf32>,
      %get3A_625 = arith.constant 192 : index
      %get3A_626 = tpu.vector_load %arg9[%get3A_625] {strides = array<i32>} : memref<2048xf32, #tpu.memory_space<vmem>>, vector<16xf32>,
      %mul3A_627 = arith.mulf %get3A_626, %gather3A_624 : vector<16xf32>
      %add3A_628 = arith.addf %add3A_620, %mul3A_627 : vector<16xf32>
      %get3A_629 = arith.constant 208 : index
      %get3A_630 = tpu.vector_load %arg8[%get3A_629] {strides = array<i32>} : memref<2048xi32, #tpu.memory_space<vmem>>, vector<16xi32>,
      %gather3A_631 = tpu.vector_load_idx %arg10[%get3A_630] : memref<2048xi32, #tpu.memory_space<vmem>>[vector<16xi32>], vector<16xi32>,
      %gather3A_632 = tpu.vector_load_idx %arg11[%gather3A_631] : memref<2056xf32, #tpu.memory_space<vmem>>[vector<16xi32>], vector<16xf32>,
      %get3A_633 = arith.constant 208 : index
      %get3A_634 = tpu.vector_load %arg9[%get3A_633] {strides = array<i32>} : memref<2048xf32, #tpu.memory_space<vmem>>, vector<16xf32>,
      %mul3A_635 = arith.mulf %get3A_634, %gather3A_632 : vector<16xf32>
      %add3A_636 = arith.addf %add3A_628, %mul3A_635 : vector<16xf32>
      %get3A_637 = arith.constant 224 : index
      %get3A_638 = tpu.vector_load %arg8[%get3A_637] {strides = array<i32>} : memref<2048xi32, #tpu.memory_space<vmem>>, vector<16xi32>,
      %gather3A_639 = tpu.vector_load_idx %arg10[%get3A_638] : memref<2048xi32, #tpu.memory_space<vmem>>[vector<16xi32>], vector<16xi32>,
      %gather3A_640 = tpu.vector_load_idx %arg11[%gather3A_639] : memref<2056xf32, #tpu.memory_space<vmem>>[vector<16xi32>], vector<16xf32>,
      %get3A_641 = arith.constant 224 : index
      %get3A_642 = tpu.vector_load %arg9[%get3A_641] {strides = array<i32>} : memref<2048xf32, #tpu.memory_space<vmem>>, vector<16xf32>,
      %mul3A_643 = arith.mulf %get3A_642, %gather3A_640 : vector<16xf32>
      %add3A_644 = arith.addf %add3A_636, %mul3A_643 : vector<16xf32>
      %get3A_645 = arith.constant 240 : index
      %get3A_646 = tpu.vector_load %arg8[%get3A_645] {strides = array<i32>} : memref<2048xi32, #tpu.memory_space<vmem>>, vector<16xi32>,
      %gather3A_647 = tpu.vector_load_idx %arg10[%get3A_646] : memref<2048xi32, #tpu.memory_space<vmem>>[vector<16xi32>], vector<16xi32>,
      %gather3A_648 = tpu.vector_load_idx %arg11[%gather3A_647] : memref<2056xf32, #tpu.memory_space<vmem>>[vector<16xi32>], vector<16xf32>,
      %get3A_649 = arith.constant 240 : index
      %get3A_650 = tpu.vector_load %arg9[%get3A_649] {strides = array<i32>} : memref<2048xf32, #tpu.memory_space<vmem>>, vector<16xf32>,
      %mul3A_651 = arith.mulf %get3A_650, %gather3A_648 : vector<16xf32>
      %add3A_652 = arith.addf %add3A_644, %mul3A_651 : vector<16xf32>
      %get3A_653 = arith.constant 256 : index
      %get3A_654 = tpu.vector_load %arg8[%get3A_653] {strides = array<i32>} : memref<2048xi32, #tpu.memory_space<vmem>>, vector<16xi32>,
      %gather3A_655 = tpu.vector_load_idx %arg10[%get3A_654] : memref<2048xi32, #tpu.memory_space<vmem>>[vector<16xi32>], vector<16xi32>,
      %gather3A_656 = tpu.vector_load_idx %arg11[%gather3A_655] : memref<2056xf32, #tpu.memory_space<vmem>>[vector<16xi32>], vector<16xf32>,
      %get3A_657 = arith.constant 256 : index
      %get3A_658 = tpu.vector_load %arg9[%get3A_657] {strides = array<i32>} : memref<2048xf32, #tpu.memory_space<vmem>>, vector<16xf32>,
      %mul3A_659 = arith.mulf %get3A_658, %gather3A_656 : vector<16xf32>
      %add3A_660 = arith.addf %add3A_652, %mul3A_659 : vector<16xf32>
      %get3A_661 = arith.constant 272 : index
      %get3A_662 = tpu.vector_load %arg8[%get3A_661] {strides = array<i32>} : memref<2048xi32, #tpu.memory_space<vmem>>, vector<16xi32>,
      %gather3A_663 = tpu.vector_load_idx %arg10[%get3A_662] : memref<2048xi32, #tpu.memory_space<vmem>>[vector<16xi32>], vector<16xi32>,
      %gather3A_664 = tpu.vector_load_idx %arg11[%gather3A_663] : memref<2056xf32, #tpu.memory_space<vmem>>[vector<16xi32>], vector<16xf32>,
      %get3A_665 = arith.constant 272 : index
      %get3A_666 = tpu.vector_load %arg9[%get3A_665] {strides = array<i32>} : memref<2048xf32, #tpu.memory_space<vmem>>, vector<16xf32>,
      %mul3A_667 = arith.mulf %get3A_666, %gather3A_664 : vector<16xf32>
      %add3A_668 = arith.addf %add3A_660, %mul3A_667 : vector<16xf32>
      %get3A_669 = arith.constant 288 : index
      %get3A_670 = tpu.vector_load %arg8[%get3A_669] {strides = array<i32>} : memref<2048xi32, #tpu.memory_space<vmem>>, vector<16xi32>,
      %gather3A_671 = tpu.vector_load_idx %arg10[%get3A_670] : memref<2048xi32, #tpu.memory_space<vmem>>[vector<16xi32>], vector<16xi32>,
      %gather3A_672 = tpu.vector_load_idx %arg11[%gather3A_671] : memref<2056xf32, #tpu.memory_space<vmem>>[vector<16xi32>], vector<16xf32>,
      %get3A_673 = arith.constant 288 : index
      %get3A_674 = tpu.vector_load %arg9[%get3A_673] {strides = array<i32>} : memref<2048xf32, #tpu.memory_space<vmem>>, vector<16xf32>,
      %mul3A_675 = arith.mulf %get3A_674, %gather3A_672 : vector<16xf32>
      %add3A_676 = arith.addf %add3A_668, %mul3A_675 : vector<16xf32>
      %get3A_677 = arith.constant 304 : index
      %get3A_678 = tpu.vector_load %arg8[%get3A_677] {strides = array<i32>} : memref<2048xi32, #tpu.memory_space<vmem>>, vector<16xi32>,
      %gather3A_679 = tpu.vector_load_idx %arg10[%get3A_678] : memref<2048xi32, #tpu.memory_space<vmem>>[vector<16xi32>], vector<16xi32>,
      %gather3A_680 = tpu.vector_load_idx %arg11[%gather3A_679] : memref<2056xf32, #tpu.memory_space<vmem>>[vector<16xi32>], vector<16xf32>,
      %get3A_681 = arith.constant 304 : index
      %get3A_682 = tpu.vector_load %arg9[%get3A_681] {strides = array<i32>} : memref<2048xf32, #tpu.memory_space<vmem>>, vector<16xf32>,
      %mul3A_683 = arith.mulf %get3A_682, %gather3A_680 : vector<16xf32>
      %add3A_684 = arith.addf %add3A_676, %mul3A_683 : vector<16xf32>
      %get3A_685 = arith.constant 320 : index
      %get3A_686 = tpu.vector_load %arg8[%get3A_685] {strides = array<i32>} : memref<2048xi32, #tpu.memory_space<vmem>>, vector<16xi32>,
      %gather3A_687 = tpu.vector_load_idx %arg10[%get3A_686] : memref<2048xi32, #tpu.memory_space<vmem>>[vector<16xi32>], vector<16xi32>,
      %gather3A_688 = tpu.vector_load_idx %arg11[%gather3A_687] : memref<2056xf32, #tpu.memory_space<vmem>>[vector<16xi32>], vector<16xf32>,
      %get3A_689 = arith.constant 320 : index
      %get3A_690 = tpu.vector_load %arg9[%get3A_689] {strides = array<i32>} : memref<2048xf32, #tpu.memory_space<vmem>>, vector<16xf32>,
      %mul3A_691 = arith.mulf %get3A_690, %gather3A_688 : vector<16xf32>
      %add3A_692 = arith.addf %add3A_684, %mul3A_691 : vector<16xf32>
      %get3A_693 = arith.constant 336 : index
      %get3A_694 = tpu.vector_load %arg8[%get3A_693] {strides = array<i32>} : memref<2048xi32, #tpu.memory_space<vmem>>, vector<16xi32>,
      %gather3A_695 = tpu.vector_load_idx %arg10[%get3A_694] : memref<2048xi32, #tpu.memory_space<vmem>>[vector<16xi32>], vector<16xi32>,
      %gather3A_696 = tpu.vector_load_idx %arg11[%gather3A_695] : memref<2056xf32, #tpu.memory_space<vmem>>[vector<16xi32>], vector<16xf32>,
      %get3A_697 = arith.constant 336 : index
      %get3A_698 = tpu.vector_load %arg9[%get3A_697] {strides = array<i32>} : memref<2048xf32, #tpu.memory_space<vmem>>, vector<16xf32>,
      %mul3A_699 = arith.mulf %get3A_698, %gather3A_696 : vector<16xf32>
      %add3A_700 = arith.addf %add3A_692, %mul3A_699 : vector<16xf32>
      %get3A_701 = arith.constant 352 : index
      %get3A_702 = tpu.vector_load %arg8[%get3A_701] {strides = array<i32>} : memref<2048xi32, #tpu.memory_space<vmem>>, vector<16xi32>,
      %gather3A_703 = tpu.vector_load_idx %arg10[%get3A_702] : memref<2048xi32, #tpu.memory_space<vmem>>[vector<16xi32>], vector<16xi32>,
      %gather3A_704 = tpu.vector_load_idx %arg11[%gather3A_703] : memref<2056xf32, #tpu.memory_space<vmem>>[vector<16xi32>], vector<16xf32>,
      %get3A_705 = arith.constant 352 : index
      %get3A_706 = tpu.vector_load %arg9[%get3A_705] {strides = array<i32>} : memref<2048xf32, #tpu.memory_space<vmem>>, vector<16xf32>,
      %mul3A_707 = arith.mulf %get3A_706, %gather3A_704 : vector<16xf32>
      %add3A_708 = arith.addf %add3A_700, %mul3A_707 : vector<16xf32>
      %get3A_709 = arith.constant 368 : index
      %get3A_710 = tpu.vector_load %arg8[%get3A_709] {strides = array<i32>} : memref<2048xi32, #tpu.memory_space<vmem>>, vector<16xi32>,
      %gather3A_711 = tpu.vector_load_idx %arg10[%get3A_710] : memref<2048xi32, #tpu.memory_space<vmem>>[vector<16xi32>], vector<16xi32>,
      %gather3A_712 = tpu.vector_load_idx %arg11[%gather3A_711] : memref<2056xf32, #tpu.memory_space<vmem>>[vector<16xi32>], vector<16xf32>,
      %get3A_713 = arith.constant 368 : index
      %get3A_714 = tpu.vector_load %arg9[%get3A_713] {strides = array<i32>} : memref<2048xf32, #tpu.memory_space<vmem>>, vector<16xf32>,
      %mul3A_715 = arith.mulf %get3A_714, %gather3A_712 : vector<16xf32>
      %add3A_716 = arith.addf %add3A_708, %mul3A_715 : vector<16xf32>
      %get3A_717 = arith.constant 384 : index
      %get3A_718 = tpu.vector_load %arg8[%get3A_717] {strides = array<i32>} : memref<2048xi32, #tpu.memory_space<vmem>>, vector<16xi32>,
      %gather3A_719 = tpu.vector_load_idx %arg10[%get3A_718] : memref<2048xi32, #tpu.memory_space<vmem>>[vector<16xi32>], vector<16xi32>,
      %gather3A_720 = tpu.vector_load_idx %arg11[%gather3A_719] : memref<2056xf32, #tpu.memory_space<vmem>>[vector<16xi32>], vector<16xf32>,
      %get3A_721 = arith.constant 384 : index
      %get3A_722 = tpu.vector_load %arg9[%get3A_721] {strides = array<i32>} : memref<2048xf32, #tpu.memory_space<vmem>>, vector<16xf32>,
      %mul3A_723 = arith.mulf %get3A_722, %gather3A_720 : vector<16xf32>
      %add3A_724 = arith.addf %add3A_716, %mul3A_723 : vector<16xf32>
      %get3A_725 = arith.constant 400 : index
      %get3A_726 = tpu.vector_load %arg8[%get3A_725] {strides = array<i32>} : memref<2048xi32, #tpu.memory_space<vmem>>, vector<16xi32>,
      %gather3A_727 = tpu.vector_load_idx %arg10[%get3A_726] : memref<2048xi32, #tpu.memory_space<vmem>>[vector<16xi32>], vector<16xi32>,
      %gather3A_728 = tpu.vector_load_idx %arg11[%gather3A_727] : memref<2056xf32, #tpu.memory_space<vmem>>[vector<16xi32>], vector<16xf32>,
      %get3A_729 = arith.constant 400 : index
      %get3A_730 = tpu.vector_load %arg9[%get3A_729] {strides = array<i32>} : memref<2048xf32, #tpu.memory_space<vmem>>, vector<16xf32>,
      %mul3A_731 = arith.mulf %get3A_730, %gather3A_728 : vector<16xf32>
      %add3A_732 = arith.addf %add3A_724, %mul3A_731 : vector<16xf32>
      %get3A_733 = arith.constant 416 : index
      %get3A_734 = tpu.vector_load %arg8[%get3A_733] {strides = array<i32>} : memref<2048xi32, #tpu.memory_space<vmem>>, vector<16xi32>,
      %gather3A_735 = tpu.vector_load_idx %arg10[%get3A_734] : memref<2048xi32, #tpu.memory_space<vmem>>[vector<16xi32>], vector<16xi32>,
      %gather3A_736 = tpu.vector_load_idx %arg11[%gather3A_735] : memref<2056xf32, #tpu.memory_space<vmem>>[vector<16xi32>], vector<16xf32>,
      %get3A_737 = arith.constant 416 : index
      %get3A_738 = tpu.vector_load %arg9[%get3A_737] {strides = array<i32>} : memref<2048xf32, #tpu.memory_space<vmem>>, vector<16xf32>,
      %mul3A_739 = arith.mulf %get3A_738, %gather3A_736 : vector<16xf32>
      %add3A_740 = arith.addf %add3A_732, %mul3A_739 : vector<16xf32>
      %get3A_741 = arith.constant 432 : index
      %get3A_742 = tpu.vector_load %arg8[%get3A_741] {strides = array<i32>} : memref<2048xi32, #tpu.memory_space<vmem>>, vector<16xi32>,
      %gather3A_743 = tpu.vector_load_idx %arg10[%get3A_742] : memref<2048xi32, #tpu.memory_space<vmem>>[vector<16xi32>], vector<16xi32>,
      %gather3A_744 = tpu.vector_load_idx %arg11[%gather3A_743] : memref<2056xf32, #tpu.memory_space<vmem>>[vector<16xi32>], vector<16xf32>,
      %get3A_745 = arith.constant 432 : index
      %get3A_746 = tpu.vector_load %arg9[%get3A_745] {strides = array<i32>} : memref<2048xf32, #tpu.memory_space<vmem>>, vector<16xf32>,
      %mul3A_747 = arith.mulf %get3A_746, %gather3A_744 : vector<16xf32>
      %add3A_748 = arith.addf %add3A_740, %mul3A_747 : vector<16xf32>
      %get3A_749 = arith.constant 448 : index
      %get3A_750 = tpu.vector_load %arg8[%get3A_749] {strides = array<i32>} : memref<2048xi32, #tpu.memory_space<vmem>>, vector<16xi32>,
      %gather3A_751 = tpu.vector_load_idx %arg10[%get3A_750] : memref<2048xi32, #tpu.memory_space<vmem>>[vector<16xi32>], vector<16xi32>,
      %gather3A_752 = tpu.vector_load_idx %arg11[%gather3A_751] : memref<2056xf32, #tpu.memory_space<vmem>>[vector<16xi32>], vector<16xf32>,
      %get3A_753 = arith.constant 448 : index
      %get3A_754 = tpu.vector_load %arg9[%get3A_753] {strides = array<i32>} : memref<2048xf32, #tpu.memory_space<vmem>>, vector<16xf32>,
      %mul3A_755 = arith.mulf %get3A_754, %gather3A_752 : vector<16xf32>
      %add3A_756 = arith.addf %add3A_748, %mul3A_755 : vector<16xf32>
      %get3A_757 = arith.constant 464 : index
      %get3A_758 = tpu.vector_load %arg8[%get3A_757] {strides = array<i32>} : memref<2048xi32, #tpu.memory_space<vmem>>, vector<16xi32>,
      %gather3A_759 = tpu.vector_load_idx %arg10[%get3A_758] : memref<2048xi32, #tpu.memory_space<vmem>>[vector<16xi32>], vector<16xi32>,
      %gather3A_760 = tpu.vector_load_idx %arg11[%gather3A_759] : memref<2056xf32, #tpu.memory_space<vmem>>[vector<16xi32>], vector<16xf32>,
      %get3A_761 = arith.constant 464 : index
      %get3A_762 = tpu.vector_load %arg9[%get3A_761] {strides = array<i32>} : memref<2048xf32, #tpu.memory_space<vmem>>, vector<16xf32>,
      %mul3A_763 = arith.mulf %get3A_762, %gather3A_760 : vector<16xf32>
      %add3A_764 = arith.addf %add3A_756, %mul3A_763 : vector<16xf32>
      %get3A_765 = arith.constant 480 : index
      %get3A_766 = tpu.vector_load %arg8[%get3A_765] {strides = array<i32>} : memref<2048xi32, #tpu.memory_space<vmem>>, vector<16xi32>,
      %gather3A_767 = tpu.vector_load_idx %arg10[%get3A_766] : memref<2048xi32, #tpu.memory_space<vmem>>[vector<16xi32>], vector<16xi32>,
      %gather3A_768 = tpu.vector_load_idx %arg11[%gather3A_767] : memref<2056xf32, #tpu.memory_space<vmem>>[vector<16xi32>], vector<16xf32>,
      %get3A_769 = arith.constant 480 : index
      %get3A_770 = tpu.vector_load %arg9[%get3A_769] {strides = array<i32>} : memref<2048xf32, #tpu.memory_space<vmem>>, vector<16xf32>,
      %mul3A_771 = arith.mulf %get3A_770, %gather3A_768 : vector<16xf32>
      %add3A_772 = arith.addf %add3A_764, %mul3A_771 : vector<16xf32>
      %get3A_773 = arith.constant 496 : index
      %get3A_774 = tpu.vector_load %arg8[%get3A_773] {strides = array<i32>} : memref<2048xi32, #tpu.memory_space<vmem>>, vector<16xi32>,
      %gather3A_775 = tpu.vector_load_idx %arg10[%get3A_774] : memref<2048xi32, #tpu.memory_space<vmem>>[vector<16xi32>], vector<16xi32>,
      %gather3A_776 = tpu.vector_load_idx %arg11[%gather3A_775] : memref<2056xf32, #tpu.memory_space<vmem>>[vector<16xi32>], vector<16xf32>,
      %get3A_777 = arith.constant 496 : index
      %get3A_778 = tpu.vector_load %arg9[%get3A_777] {strides = array<i32>} : memref<2048xf32, #tpu.memory_space<vmem>>, vector<16xf32>,
      %mul3A_779 = arith.mulf %get3A_778, %gather3A_776 : vector<16xf32>
      %add3A_780 = arith.addf %add3A_772, %mul3A_779 : vector<16xf32>
      %get3A_781 = arith.constant 512 : index
      %get3A_782 = tpu.vector_load %arg8[%get3A_781] {strides = array<i32>} : memref<2048xi32, #tpu.memory_space<vmem>>, vector<16xi32>,
      %gather3A_783 = tpu.vector_load_idx %arg10[%get3A_782] : memref<2048xi32, #tpu.memory_space<vmem>>[vector<16xi32>], vector<16xi32>,
      %gather3A_784 = tpu.vector_load_idx %arg11[%gather3A_783] : memref<2056xf32, #tpu.memory_space<vmem>>[vector<16xi32>], vector<16xf32>,
      %get3A_785 = arith.constant 512 : index
      %get3A_786 = tpu.vector_load %arg9[%get3A_785] {strides = array<i32>} : memref<2048xf32, #tpu.memory_space<vmem>>, vector<16xf32>,
      %mul3A_787 = arith.mulf %get3A_786, %gather3A_784 : vector<16xf32>
      %add3A_788 = arith.addf %add3A_780, %mul3A_787 : vector<16xf32>
      %get3A_789 = arith.constant 528 : index
      %get3A_790 = tpu.vector_load %arg8[%get3A_789] {strides = array<i32>} : memref<2048xi32, #tpu.memory_space<vmem>>, vector<16xi32>,
      %gather3A_791 = tpu.vector_load_idx %arg10[%get3A_790] : memref<2048xi32, #tpu.memory_space<vmem>>[vector<16xi32>], vector<16xi32>,
      %gather3A_792 = tpu.vector_load_idx %arg11[%gather3A_791] : memref<2056xf32, #tpu.memory_space<vmem>>[vector<16xi32>], vector<16xf32>,
      %get3A_793 = arith.constant 528 : index
      %get3A_794 = tpu.vector_load %arg9[%get3A_793] {strides = array<i32>} : memref<2048xf32, #tpu.memory_space<vmem>>, vector<16xf32>,
      %mul3A_795 = arith.mulf %get3A_794, %gather3A_792 : vector<16xf32>
      %add3A_796 = arith.addf %add3A_788, %mul3A_795 : vector<16xf32>
      %get3A_797 = arith.constant 544 : index
      %get3A_798 = tpu.vector_load %arg8[%get3A_797] {strides = array<i32>} : memref<2048xi32, #tpu.memory_space<vmem>>, vector<16xi32>,
      %gather3A_799 = tpu.vector_load_idx %arg10[%get3A_798] : memref<2048xi32, #tpu.memory_space<vmem>>[vector<16xi32>], vector<16xi32>,
      %gather3A_800 = tpu.vector_load_idx %arg11[%gather3A_799] : memref<2056xf32, #tpu.memory_space<vmem>>[vector<16xi32>], vector<16xf32>,
      %get3A_801 = arith.constant 544 : index
      %get3A_802 = tpu.vector_load %arg9[%get3A_801] {strides = array<i32>} : memref<2048xf32, #tpu.memory_space<vmem>>, vector<16xf32>,
      %mul3A_803 = arith.mulf %get3A_802, %gather3A_800 : vector<16xf32>
      %add3A_804 = arith.addf %add3A_796, %mul3A_803 : vector<16xf32>
      %get3A_805 = arith.constant 560 : index
      %get3A_806 = tpu.vector_load %arg8[%get3A_805] {strides = array<i32>} : memref<2048xi32, #tpu.memory_space<vmem>>, vector<16xi32>,
      %gather3A_807 = tpu.vector_load_idx %arg10[%get3A_806] : memref<2048xi32, #tpu.memory_space<vmem>>[vector<16xi32>], vector<16xi32>,
      %gather3A_808 = tpu.vector_load_idx %arg11[%gather3A_807] : memref<2056xf32, #tpu.memory_space<vmem>>[vector<16xi32>], vector<16xf32>,
      %get3A_809 = arith.constant 560 : index
      %get3A_810 = tpu.vector_load %arg9[%get3A_809] {strides = array<i32>} : memref<2048xf32, #tpu.memory_space<vmem>>, vector<16xf32>,
      %mul3A_811 = arith.mulf %get3A_810, %gather3A_808 : vector<16xf32>
      %add3A_812 = arith.addf %add3A_804, %mul3A_811 : vector<16xf32>
      %get3A_813 = arith.constant 576 : index
      %get3A_814 = tpu.vector_load %arg8[%get3A_813] {strides = array<i32>} : memref<2048xi32, #tpu.memory_space<vmem>>, vector<16xi32>,
      %gather3A_815 = tpu.vector_load_idx %arg10[%get3A_814] : memref<2048xi32, #tpu.memory_space<vmem>>[vector<16xi32>], vector<16xi32>,
      %gather3A_816 = tpu.vector_load_idx %arg11[%gather3A_815] : memref<2056xf32, #tpu.memory_space<vmem>>[vector<16xi32>], vector<16xf32>,
      %get3A_817 = arith.constant 576 : index
      %get3A_818 = tpu.vector_load %arg9[%get3A_817] {strides = array<i32>} : memref<2048xf32, #tpu.memory_space<vmem>>, vector<16xf32>,
      %mul3A_819 = arith.mulf %get3A_818, %gather3A_816 : vector<16xf32>
      %add3A_820 = arith.addf %add3A_812, %mul3A_819 : vector<16xf32>
      %get3A_821 = arith.constant 592 : index
      %get3A_822 = tpu.vector_load %arg8[%get3A_821] {strides = array<i32>} : memref<2048xi32, #tpu.memory_space<vmem>>, vector<16xi32>,
      %gather3A_823 = tpu.vector_load_idx %arg10[%get3A_822] : memref<2048xi32, #tpu.memory_space<vmem>>[vector<16xi32>], vector<16xi32>,
      %gather3A_824 = tpu.vector_load_idx %arg11[%gather3A_823] : memref<2056xf32, #tpu.memory_space<vmem>>[vector<16xi32>], vector<16xf32>,
      %get3A_825 = arith.constant 592 : index
      %get3A_826 = tpu.vector_load %arg9[%get3A_825] {strides = array<i32>} : memref<2048xf32, #tpu.memory_space<vmem>>, vector<16xf32>,
      %mul3A_827 = arith.mulf %get3A_826, %gather3A_824 : vector<16xf32>
      %add3A_828 = arith.addf %add3A_820, %mul3A_827 : vector<16xf32>
      %get3A_829 = arith.constant 608 : index
      %get3A_830 = tpu.vector_load %arg8[%get3A_829] {strides = array<i32>} : memref<2048xi32, #tpu.memory_space<vmem>>, vector<16xi32>,
      %gather3A_831 = tpu.vector_load_idx %arg10[%get3A_830] : memref<2048xi32, #tpu.memory_space<vmem>>[vector<16xi32>], vector<16xi32>,
      %gather3A_832 = tpu.vector_load_idx %arg11[%gather3A_831] : memref<2056xf32, #tpu.memory_space<vmem>>[vector<16xi32>], vector<16xf32>,
      %get3A_833 = arith.constant 608 : index
      %get3A_834 = tpu.vector_load %arg9[%get3A_833] {strides = array<i32>} : memref<2048xf32, #tpu.memory_space<vmem>>, vector<16xf32>,
      %mul3A_835 = arith.mulf %get3A_834, %gather3A_832 : vector<16xf32>
      %add3A_836 = arith.addf %add3A_828, %mul3A_835 : vector<16xf32>
      %get3A_837 = arith.constant 624 : index
      %get3A_838 = tpu.vector_load %arg8[%get3A_837] {strides = array<i32>} : memref<2048xi32, #tpu.memory_space<vmem>>, vector<16xi32>,
      %gather3A_839 = tpu.vector_load_idx %arg10[%get3A_838] : memref<2048xi32, #tpu.memory_space<vmem>>[vector<16xi32>], vector<16xi32>,
      %gather3A_840 = tpu.vector_load_idx %arg11[%gather3A_839] : memref<2056xf32, #tpu.memory_space<vmem>>[vector<16xi32>], vector<16xf32>,
      %get3A_841 = arith.constant 624 : index
      %get3A_842 = tpu.vector_load %arg9[%get3A_841] {strides = array<i32>} : memref<2048xf32, #tpu.memory_space<vmem>>, vector<16xf32>,
      %mul3A_843 = arith.mulf %get3A_842, %gather3A_840 : vector<16xf32>
      %add3A_844 = arith.addf %add3A_836, %mul3A_843 : vector<16xf32>
      %get3A_845 = arith.constant 640 : index
      %get3A_846 = tpu.vector_load %arg8[%get3A_845] {strides = array<i32>} : memref<2048xi32, #tpu.memory_space<vmem>>, vector<16xi32>,
      %gather3A_847 = tpu.vector_load_idx %arg10[%get3A_846] : memref<2048xi32, #tpu.memory_space<vmem>>[vector<16xi32>], vector<16xi32>,
      %gather3A_848 = tpu.vector_load_idx %arg11[%gather3A_847] : memref<2056xf32, #tpu.memory_space<vmem>>[vector<16xi32>], vector<16xf32>,
      %get3A_849 = arith.constant 640 : index
      %get3A_850 = tpu.vector_load %arg9[%get3A_849] {strides = array<i32>} : memref<2048xf32, #tpu.memory_space<vmem>>, vector<16xf32>,
      %mul3A_851 = arith.mulf %get3A_850, %gather3A_848 : vector<16xf32>
      %add3A_852 = arith.addf %add3A_844, %mul3A_851 : vector<16xf32>
      %get3A_853 = arith.constant 656 : index
      %get3A_854 = tpu.vector_load %arg8[%get3A_853] {strides = array<i32>} : memref<2048xi32, #tpu.memory_space<vmem>>, vector<16xi32>,
      %gather3A_855 = tpu.vector_load_idx %arg10[%get3A_854] : memref<2048xi32, #tpu.memory_space<vmem>>[vector<16xi32>], vector<16xi32>,
      %gather3A_856 = tpu.vector_load_idx %arg11[%gather3A_855] : memref<2056xf32, #tpu.memory_space<vmem>>[vector<16xi32>], vector<16xf32>,
      %get3A_857 = arith.constant 656 : index
      %get3A_858 = tpu.vector_load %arg9[%get3A_857] {strides = array<i32>} : memref<2048xf32, #tpu.memory_space<vmem>>, vector<16xf32>,
      %mul3A_859 = arith.mulf %get3A_858, %gather3A_856 : vector<16xf32>
      %add3A_860 = arith.addf %add3A_852, %mul3A_859 : vector<16xf32>
      %get3A_861 = arith.constant 672 : index
      %get3A_862 = tpu.vector_load %arg8[%get3A_861] {strides = array<i32>} : memref<2048xi32, #tpu.memory_space<vmem>>, vector<16xi32>,
      %gather3A_863 = tpu.vector_load_idx %arg10[%get3A_862] : memref<2048xi32, #tpu.memory_space<vmem>>[vector<16xi32>], vector<16xi32>,
      %gather3A_864 = tpu.vector_load_idx %arg11[%gather3A_863] : memref<2056xf32, #tpu.memory_space<vmem>>[vector<16xi32>], vector<16xf32>,
      %get3A_865 = arith.constant 672 : index
      %get3A_866 = tpu.vector_load %arg9[%get3A_865] {strides = array<i32>} : memref<2048xf32, #tpu.memory_space<vmem>>, vector<16xf32>,
      %mul3A_867 = arith.mulf %get3A_866, %gather3A_864 : vector<16xf32>
      %add3A_868 = arith.addf %add3A_860, %mul3A_867 : vector<16xf32>
      %get3A_869 = arith.constant 688 : index
      %get3A_870 = tpu.vector_load %arg8[%get3A_869] {strides = array<i32>} : memref<2048xi32, #tpu.memory_space<vmem>>, vector<16xi32>,
      %gather3A_871 = tpu.vector_load_idx %arg10[%get3A_870] : memref<2048xi32, #tpu.memory_space<vmem>>[vector<16xi32>], vector<16xi32>,
      %gather3A_872 = tpu.vector_load_idx %arg11[%gather3A_871] : memref<2056xf32, #tpu.memory_space<vmem>>[vector<16xi32>], vector<16xf32>,
      %get3A_873 = arith.constant 688 : index
      %get3A_874 = tpu.vector_load %arg9[%get3A_873] {strides = array<i32>} : memref<2048xf32, #tpu.memory_space<vmem>>, vector<16xf32>,
      %mul3A_875 = arith.mulf %get3A_874, %gather3A_872 : vector<16xf32>
      %add3A_876 = arith.addf %add3A_868, %mul3A_875 : vector<16xf32>
      %get3A_877 = arith.constant 704 : index
      %get3A_878 = tpu.vector_load %arg8[%get3A_877] {strides = array<i32>} : memref<2048xi32, #tpu.memory_space<vmem>>, vector<16xi32>,
      %gather3A_879 = tpu.vector_load_idx %arg10[%get3A_878] : memref<2048xi32, #tpu.memory_space<vmem>>[vector<16xi32>], vector<16xi32>,
      %gather3A_880 = tpu.vector_load_idx %arg11[%gather3A_879] : memref<2056xf32, #tpu.memory_space<vmem>>[vector<16xi32>], vector<16xf32>,
      %get3A_881 = arith.constant 704 : index
      %get3A_882 = tpu.vector_load %arg9[%get3A_881] {strides = array<i32>} : memref<2048xf32, #tpu.memory_space<vmem>>, vector<16xf32>,
      %mul3A_883 = arith.mulf %get3A_882, %gather3A_880 : vector<16xf32>
      %add3A_884 = arith.addf %add3A_876, %mul3A_883 : vector<16xf32>
      %get3A_885 = arith.constant 720 : index
      %get3A_886 = tpu.vector_load %arg8[%get3A_885] {strides = array<i32>} : memref<2048xi32, #tpu.memory_space<vmem>>, vector<16xi32>,
      %gather3A_887 = tpu.vector_load_idx %arg10[%get3A_886] : memref<2048xi32, #tpu.memory_space<vmem>>[vector<16xi32>], vector<16xi32>,
      %gather3A_888 = tpu.vector_load_idx %arg11[%gather3A_887] : memref<2056xf32, #tpu.memory_space<vmem>>[vector<16xi32>], vector<16xf32>,
      %get3A_889 = arith.constant 720 : index
      %get3A_890 = tpu.vector_load %arg9[%get3A_889] {strides = array<i32>} : memref<2048xf32, #tpu.memory_space<vmem>>, vector<16xf32>,
      %mul3A_891 = arith.mulf %get3A_890, %gather3A_888 : vector<16xf32>
      %add3A_892 = arith.addf %add3A_884, %mul3A_891 : vector<16xf32>
      %get3A_893 = arith.constant 736 : index
      %get3A_894 = tpu.vector_load %arg8[%get3A_893] {strides = array<i32>} : memref<2048xi32, #tpu.memory_space<vmem>>, vector<16xi32>,
      %gather3A_895 = tpu.vector_load_idx %arg10[%get3A_894] : memref<2048xi32, #tpu.memory_space<vmem>>[vector<16xi32>], vector<16xi32>,
      %gather3A_896 = tpu.vector_load_idx %arg11[%gather3A_895] : memref<2056xf32, #tpu.memory_space<vmem>>[vector<16xi32>], vector<16xf32>,
      %get3A_897 = arith.constant 736 : index
      %get3A_898 = tpu.vector_load %arg9[%get3A_897] {strides = array<i32>} : memref<2048xf32, #tpu.memory_space<vmem>>, vector<16xf32>,
      %mul3A_899 = arith.mulf %get3A_898, %gather3A_896 : vector<16xf32>
      %add3A_900 = arith.addf %add3A_892, %mul3A_899 : vector<16xf32>
      %get3A_901 = arith.constant 752 : index
      %get3A_902 = tpu.vector_load %arg8[%get3A_901] {strides = array<i32>} : memref<2048xi32, #tpu.memory_space<vmem>>, vector<16xi32>,
      %gather3A_903 = tpu.vector_load_idx %arg10[%get3A_902] : memref<2048xi32, #tpu.memory_space<vmem>>[vector<16xi32>], vector<16xi32>,
      %gather3A_904 = tpu.vector_load_idx %arg11[%gather3A_903] : memref<2056xf32, #tpu.memory_space<vmem>>[vector<16xi32>], vector<16xf32>,
      %get3A_905 = arith.constant 752 : index
      %get3A_906 = tpu.vector_load %arg9[%get3A_905] {strides = array<i32>} : memref<2048xf32, #tpu.memory_space<vmem>>, vector<16xf32>,
      %mul3A_907 = arith.mulf %get3A_906, %gather3A_904 : vector<16xf32>
      %add3A_908 = arith.addf %add3A_900, %mul3A_907 : vector<16xf32>
      %get3A_909 = arith.constant 768 : index
      %get3A_910 = tpu.vector_load %arg8[%get3A_909] {strides = array<i32>} : memref<2048xi32, #tpu.memory_space<vmem>>, vector<16xi32>,
      %gather3A_911 = tpu.vector_load_idx %arg10[%get3A_910] : memref<2048xi32, #tpu.memory_space<vmem>>[vector<16xi32>], vector<16xi32>,
      %gather3A_912 = tpu.vector_load_idx %arg11[%gather3A_911] : memref<2056xf32, #tpu.memory_space<vmem>>[vector<16xi32>], vector<16xf32>,
      %get3A_913 = arith.constant 768 : index
      %get3A_914 = tpu.vector_load %arg9[%get3A_913] {strides = array<i32>} : memref<2048xf32, #tpu.memory_space<vmem>>, vector<16xf32>,
      %mul3A_915 = arith.mulf %get3A_914, %gather3A_912 : vector<16xf32>
      %add3A_916 = arith.addf %add3A_908, %mul3A_915 : vector<16xf32>
      %get3A_917 = arith.constant 784 : index
      %get3A_918 = tpu.vector_load %arg8[%get3A_917] {strides = array<i32>} : memref<2048xi32, #tpu.memory_space<vmem>>, vector<16xi32>,
      %gather3A_919 = tpu.vector_load_idx %arg10[%get3A_918] : memref<2048xi32, #tpu.memory_space<vmem>>[vector<16xi32>], vector<16xi32>,
      %gather3A_920 = tpu.vector_load_idx %arg11[%gather3A_919] : memref<2056xf32, #tpu.memory_space<vmem>>[vector<16xi32>], vector<16xf32>,
      %get3A_921 = arith.constant 784 : index
      %get3A_922 = tpu.vector_load %arg9[%get3A_921] {strides = array<i32>} : memref<2048xf32, #tpu.memory_space<vmem>>, vector<16xf32>,
      %mul3A_923 = arith.mulf %get3A_922, %gather3A_920 : vector<16xf32>
      %add3A_924 = arith.addf %add3A_916, %mul3A_923 : vector<16xf32>
      %get3A_925 = arith.constant 800 : index
      %get3A_926 = tpu.vector_load %arg8[%get3A_925] {strides = array<i32>} : memref<2048xi32, #tpu.memory_space<vmem>>, vector<16xi32>,
      %gather3A_927 = tpu.vector_load_idx %arg10[%get3A_926] : memref<2048xi32, #tpu.memory_space<vmem>>[vector<16xi32>], vector<16xi32>,
      %gather3A_928 = tpu.vector_load_idx %arg11[%gather3A_927] : memref<2056xf32, #tpu.memory_space<vmem>>[vector<16xi32>], vector<16xf32>,
      %get3A_929 = arith.constant 800 : index
      %get3A_930 = tpu.vector_load %arg9[%get3A_929] {strides = array<i32>} : memref<2048xf32, #tpu.memory_space<vmem>>, vector<16xf32>,
      %mul3A_931 = arith.mulf %get3A_930, %gather3A_928 : vector<16xf32>
      %add3A_932 = arith.addf %add3A_924, %mul3A_931 : vector<16xf32>
      %get3A_933 = arith.constant 816 : index
      %get3A_934 = tpu.vector_load %arg8[%get3A_933] {strides = array<i32>} : memref<2048xi32, #tpu.memory_space<vmem>>, vector<16xi32>,
      %gather3A_935 = tpu.vector_load_idx %arg10[%get3A_934] : memref<2048xi32, #tpu.memory_space<vmem>>[vector<16xi32>], vector<16xi32>,
      %gather3A_936 = tpu.vector_load_idx %arg11[%gather3A_935] : memref<2056xf32, #tpu.memory_space<vmem>>[vector<16xi32>], vector<16xf32>,
      %get3A_937 = arith.constant 816 : index
      %get3A_938 = tpu.vector_load %arg9[%get3A_937] {strides = array<i32>} : memref<2048xf32, #tpu.memory_space<vmem>>, vector<16xf32>,
      %mul3A_939 = arith.mulf %get3A_938, %gather3A_936 : vector<16xf32>
      %add3A_940 = arith.addf %add3A_932, %mul3A_939 : vector<16xf32>
      %get3A_941 = arith.constant 832 : index
      %get3A_942 = tpu.vector_load %arg8[%get3A_941] {strides = array<i32>} : memref<2048xi32, #tpu.memory_space<vmem>>, vector<16xi32>,
      %gather3A_943 = tpu.vector_load_idx %arg10[%get3A_942] : memref<2048xi32, #tpu.memory_space<vmem>>[vector<16xi32>], vector<16xi32>,
      %gather3A_944 = tpu.vector_load_idx %arg11[%gather3A_943] : memref<2056xf32, #tpu.memory_space<vmem>>[vector<16xi32>], vector<16xf32>,
      %get3A_945 = arith.constant 832 : index
      %get3A_946 = tpu.vector_load %arg9[%get3A_945] {strides = array<i32>} : memref<2048xf32, #tpu.memory_space<vmem>>, vector<16xf32>,
      %mul3A_947 = arith.mulf %get3A_946, %gather3A_944 : vector<16xf32>
      %add3A_948 = arith.addf %add3A_940, %mul3A_947 : vector<16xf32>
      %get3A_949 = arith.constant 848 : index
      %get3A_950 = tpu.vector_load %arg8[%get3A_949] {strides = array<i32>} : memref<2048xi32, #tpu.memory_space<vmem>>, vector<16xi32>,
      %gather3A_951 = tpu.vector_load_idx %arg10[%get3A_950] : memref<2048xi32, #tpu.memory_space<vmem>>[vector<16xi32>], vector<16xi32>,
      %gather3A_952 = tpu.vector_load_idx %arg11[%gather3A_951] : memref<2056xf32, #tpu.memory_space<vmem>>[vector<16xi32>], vector<16xf32>,
      %get3A_953 = arith.constant 848 : index
      %get3A_954 = tpu.vector_load %arg9[%get3A_953] {strides = array<i32>} : memref<2048xf32, #tpu.memory_space<vmem>>, vector<16xf32>,
      %mul3A_955 = arith.mulf %get3A_954, %gather3A_952 : vector<16xf32>
      %add3A_956 = arith.addf %add3A_948, %mul3A_955 : vector<16xf32>
      %get3A_957 = arith.constant 864 : index
      %get3A_958 = tpu.vector_load %arg8[%get3A_957] {strides = array<i32>} : memref<2048xi32, #tpu.memory_space<vmem>>, vector<16xi32>,
      %gather3A_959 = tpu.vector_load_idx %arg10[%get3A_958] : memref<2048xi32, #tpu.memory_space<vmem>>[vector<16xi32>], vector<16xi32>,
      %gather3A_960 = tpu.vector_load_idx %arg11[%gather3A_959] : memref<2056xf32, #tpu.memory_space<vmem>>[vector<16xi32>], vector<16xf32>,
      %get3A_961 = arith.constant 864 : index
      %get3A_962 = tpu.vector_load %arg9[%get3A_961] {strides = array<i32>} : memref<2048xf32, #tpu.memory_space<vmem>>, vector<16xf32>,
      %mul3A_963 = arith.mulf %get3A_962, %gather3A_960 : vector<16xf32>
      %add3A_964 = arith.addf %add3A_956, %mul3A_963 : vector<16xf32>
      %get3A_965 = arith.constant 880 : index
      %get3A_966 = tpu.vector_load %arg8[%get3A_965] {strides = array<i32>} : memref<2048xi32, #tpu.memory_space<vmem>>, vector<16xi32>,
      %gather3A_967 = tpu.vector_load_idx %arg10[%get3A_966] : memref<2048xi32, #tpu.memory_space<vmem>>[vector<16xi32>], vector<16xi32>,
      %gather3A_968 = tpu.vector_load_idx %arg11[%gather3A_967] : memref<2056xf32, #tpu.memory_space<vmem>>[vector<16xi32>], vector<16xf32>,
      %get3A_969 = arith.constant 880 : index
      %get3A_970 = tpu.vector_load %arg9[%get3A_969] {strides = array<i32>} : memref<2048xf32, #tpu.memory_space<vmem>>, vector<16xf32>,
      %mul3A_971 = arith.mulf %get3A_970, %gather3A_968 : vector<16xf32>
      %add3A_972 = arith.addf %add3A_964, %mul3A_971 : vector<16xf32>
      %get3A_973 = arith.constant 896 : index
      %get3A_974 = tpu.vector_load %arg8[%get3A_973] {strides = array<i32>} : memref<2048xi32, #tpu.memory_space<vmem>>, vector<16xi32>,
      %gather3A_975 = tpu.vector_load_idx %arg10[%get3A_974] : memref<2048xi32, #tpu.memory_space<vmem>>[vector<16xi32>], vector<16xi32>,
      %gather3A_976 = tpu.vector_load_idx %arg11[%gather3A_975] : memref<2056xf32, #tpu.memory_space<vmem>>[vector<16xi32>], vector<16xf32>,
      %get3A_977 = arith.constant 896 : index
      %get3A_978 = tpu.vector_load %arg9[%get3A_977] {strides = array<i32>} : memref<2048xf32, #tpu.memory_space<vmem>>, vector<16xf32>,
      %mul3A_979 = arith.mulf %get3A_978, %gather3A_976 : vector<16xf32>
      %add3A_980 = arith.addf %add3A_972, %mul3A_979 : vector<16xf32>
      %get3A_981 = arith.constant 912 : index
      %get3A_982 = tpu.vector_load %arg8[%get3A_981] {strides = array<i32>} : memref<2048xi32, #tpu.memory_space<vmem>>, vector<16xi32>,
      %gather3A_983 = tpu.vector_load_idx %arg10[%get3A_982] : memref<2048xi32, #tpu.memory_space<vmem>>[vector<16xi32>], vector<16xi32>,
      %gather3A_984 = tpu.vector_load_idx %arg11[%gather3A_983] : memref<2056xf32, #tpu.memory_space<vmem>>[vector<16xi32>], vector<16xf32>,
      %get3A_985 = arith.constant 912 : index
      %get3A_986 = tpu.vector_load %arg9[%get3A_985] {strides = array<i32>} : memref<2048xf32, #tpu.memory_space<vmem>>, vector<16xf32>,
      %mul3A_987 = arith.mulf %get3A_986, %gather3A_984 : vector<16xf32>
      %add3A_988 = arith.addf %add3A_980, %mul3A_987 : vector<16xf32>
      %get3A_989 = arith.constant 928 : index
      %get3A_990 = tpu.vector_load %arg8[%get3A_989] {strides = array<i32>} : memref<2048xi32, #tpu.memory_space<vmem>>, vector<16xi32>,
      %gather3A_991 = tpu.vector_load_idx %arg10[%get3A_990] : memref<2048xi32, #tpu.memory_space<vmem>>[vector<16xi32>], vector<16xi32>,
      %gather3A_992 = tpu.vector_load_idx %arg11[%gather3A_991] : memref<2056xf32, #tpu.memory_space<vmem>>[vector<16xi32>], vector<16xf32>,
      %get3A_993 = arith.constant 928 : index
      %get3A_994 = tpu.vector_load %arg9[%get3A_993] {strides = array<i32>} : memref<2048xf32, #tpu.memory_space<vmem>>, vector<16xf32>,
      %mul3A_995 = arith.mulf %get3A_994, %gather3A_992 : vector<16xf32>
      %add3A_996 = arith.addf %add3A_988, %mul3A_995 : vector<16xf32>
      %get3A_997 = arith.constant 944 : index
      %get3A_998 = tpu.vector_load %arg8[%get3A_997] {strides = array<i32>} : memref<2048xi32, #tpu.memory_space<vmem>>, vector<16xi32>,
      %gather3A_999 = tpu.vector_load_idx %arg10[%get3A_998] : memref<2048xi32, #tpu.memory_space<vmem>>[vector<16xi32>], vector<16xi32>,
      %gather3A_1000 = tpu.vector_load_idx %arg11[%gather3A_999] : memref<2056xf32, #tpu.memory_space<vmem>>[vector<16xi32>], vector<16xf32>,
      %get3A_1001 = arith.constant 944 : index
      %get3A_1002 = tpu.vector_load %arg9[%get3A_1001] {strides = array<i32>} : memref<2048xf32, #tpu.memory_space<vmem>>, vector<16xf32>,
      %mul3A_1003 = arith.mulf %get3A_1002, %gather3A_1000 : vector<16xf32>
      %add3A_1004 = arith.addf %add3A_996, %mul3A_1003 : vector<16xf32>
      %get3A_1005 = arith.constant 960 : index
      %get3A_1006 = tpu.vector_load %arg8[%get3A_1005] {strides = array<i32>} : memref<2048xi32, #tpu.memory_space<vmem>>, vector<16xi32>,
      %gather3A_1007 = tpu.vector_load_idx %arg10[%get3A_1006] : memref<2048xi32, #tpu.memory_space<vmem>>[vector<16xi32>], vector<16xi32>,
      %gather3A_1008 = tpu.vector_load_idx %arg11[%gather3A_1007] : memref<2056xf32, #tpu.memory_space<vmem>>[vector<16xi32>], vector<16xf32>,
      %get3A_1009 = arith.constant 960 : index
      %get3A_1010 = tpu.vector_load %arg9[%get3A_1009] {strides = array<i32>} : memref<2048xf32, #tpu.memory_space<vmem>>, vector<16xf32>,
      %mul3A_1011 = arith.mulf %get3A_1010, %gather3A_1008 : vector<16xf32>
      %add3A_1012 = arith.addf %add3A_1004, %mul3A_1011 : vector<16xf32>
      %get3A_1013 = arith.constant 976 : index
      %get3A_1014 = tpu.vector_load %arg8[%get3A_1013] {strides = array<i32>} : memref<2048xi32, #tpu.memory_space<vmem>>, vector<16xi32>,
      %gather3A_1015 = tpu.vector_load_idx %arg10[%get3A_1014] : memref<2048xi32, #tpu.memory_space<vmem>>[vector<16xi32>], vector<16xi32>,
      %gather3A_1016 = tpu.vector_load_idx %arg11[%gather3A_1015] : memref<2056xf32, #tpu.memory_space<vmem>>[vector<16xi32>], vector<16xf32>,
      %get3A_1017 = arith.constant 976 : index
      %get3A_1018 = tpu.vector_load %arg9[%get3A_1017] {strides = array<i32>} : memref<2048xf32, #tpu.memory_space<vmem>>, vector<16xf32>,
      %mul3A_1019 = arith.mulf %get3A_1018, %gather3A_1016 : vector<16xf32>
      %add3A_1020 = arith.addf %add3A_1012, %mul3A_1019 : vector<16xf32>
      %get3A_1021 = arith.constant 992 : index
      %get3A_1022 = tpu.vector_load %arg8[%get3A_1021] {strides = array<i32>} : memref<2048xi32, #tpu.memory_space<vmem>>, vector<16xi32>,
      %gather3A_1023 = tpu.vector_load_idx %arg10[%get3A_1022] : memref<2048xi32, #tpu.memory_space<vmem>>[vector<16xi32>], vector<16xi32>,
      %gather3A_1024 = tpu.vector_load_idx %arg11[%gather3A_1023] : memref<2056xf32, #tpu.memory_space<vmem>>[vector<16xi32>], vector<16xf32>,
      %get3A_1025 = arith.constant 992 : index
      %get3A_1026 = tpu.vector_load %arg9[%get3A_1025] {strides = array<i32>} : memref<2048xf32, #tpu.memory_space<vmem>>, vector<16xf32>,
      %mul3A_1027 = arith.mulf %get3A_1026, %gather3A_1024 : vector<16xf32>
      %add3A_1028 = arith.addf %add3A_1020, %mul3A_1027 : vector<16xf32>
      %get3A_1029 = arith.constant 1008 : index
      %get3A_1030 = tpu.vector_load %arg8[%get3A_1029] {strides = array<i32>} : memref<2048xi32, #tpu.memory_space<vmem>>, vector<16xi32>,
      %gather3A_1031 = tpu.vector_load_idx %arg10[%get3A_1030] : memref<2048xi32, #tpu.memory_space<vmem>>[vector<16xi32>], vector<16xi32>,
      %gather3A_1032 = tpu.vector_load_idx %arg11[%gather3A_1031] : memref<2056xf32, #tpu.memory_space<vmem>>[vector<16xi32>], vector<16xf32>,
      %get3A_1033 = arith.constant 1008 : index
      %get3A_1034 = tpu.vector_load %arg9[%get3A_1033] {strides = array<i32>} : memref<2048xf32, #tpu.memory_space<vmem>>, vector<16xf32>,
      %mul3A_1035 = arith.mulf %get3A_1034, %gather3A_1032 : vector<16xf32>
      %add3A_1036 = arith.addf %add3A_1028, %mul3A_1035 : vector<16xf32>
      %get3A_1037 = arith.constant 1024 : index
      %get3A_1038 = tpu.vector_load %arg8[%get3A_1037] {strides = array<i32>} : memref<2048xi32, #tpu.memory_space<vmem>>, vector<16xi32>,
      %gather3A_1039 = tpu.vector_load_idx %arg10[%get3A_1038] : memref<2048xi32, #tpu.memory_space<vmem>>[vector<16xi32>], vector<16xi32>,
      %gather3A_1040 = tpu.vector_load_idx %arg11[%gather3A_1039] : memref<2056xf32, #tpu.memory_space<vmem>>[vector<16xi32>], vector<16xf32>,
      %get3A_1041 = arith.constant 1024 : index
      %get3A_1042 = tpu.vector_load %arg9[%get3A_1041] {strides = array<i32>} : memref<2048xf32, #tpu.memory_space<vmem>>, vector<16xf32>,
      %mul3A_1043 = arith.mulf %get3A_1042, %gather3A_1040 : vector<16xf32>
      %add3A_1044 = arith.addf %add3A_1036, %mul3A_1043 : vector<16xf32>
      %get3A_1045 = arith.constant 1040 : index
      %get3A_1046 = tpu.vector_load %arg8[%get3A_1045] {strides = array<i32>} : memref<2048xi32, #tpu.memory_space<vmem>>, vector<16xi32>,
      %gather3A_1047 = tpu.vector_load_idx %arg10[%get3A_1046] : memref<2048xi32, #tpu.memory_space<vmem>>[vector<16xi32>], vector<16xi32>,
      %gather3A_1048 = tpu.vector_load_idx %arg11[%gather3A_1047] : memref<2056xf32, #tpu.memory_space<vmem>>[vector<16xi32>], vector<16xf32>,
      %get3A_1049 = arith.constant 1040 : index
      %get3A_1050 = tpu.vector_load %arg9[%get3A_1049] {strides = array<i32>} : memref<2048xf32, #tpu.memory_space<vmem>>, vector<16xf32>,
      %mul3A_1051 = arith.mulf %get3A_1050, %gather3A_1048 : vector<16xf32>
      %add3A_1052 = arith.addf %add3A_1044, %mul3A_1051 : vector<16xf32>
      %get3A_1053 = arith.constant 1056 : index
      %get3A_1054 = tpu.vector_load %arg8[%get3A_1053] {strides = array<i32>} : memref<2048xi32, #tpu.memory_space<vmem>>, vector<16xi32>,
      %gather3A_1055 = tpu.vector_load_idx %arg10[%get3A_1054] : memref<2048xi32, #tpu.memory_space<vmem>>[vector<16xi32>], vector<16xi32>,
      %gather3A_1056 = tpu.vector_load_idx %arg11[%gather3A_1055] : memref<2056xf32, #tpu.memory_space<vmem>>[vector<16xi32>], vector<16xf32>,
      %get3A_1057 = arith.constant 1056 : index
      %get3A_1058 = tpu.vector_load %arg9[%get3A_1057] {strides = array<i32>} : memref<2048xf32, #tpu.memory_space<vmem>>, vector<16xf32>,
      %mul3A_1059 = arith.mulf %get3A_1058, %gather3A_1056 : vector<16xf32>
      %add3A_1060 = arith.addf %add3A_1052, %mul3A_1059 : vector<16xf32>
      %get3A_1061 = arith.constant 1072 : index
      %get3A_1062 = tpu.vector_load %arg8[%get3A_1061] {strides = array<i32>} : memref<2048xi32, #tpu.memory_space<vmem>>, vector<16xi32>,
      %gather3A_1063 = tpu.vector_load_idx %arg10[%get3A_1062] : memref<2048xi32, #tpu.memory_space<vmem>>[vector<16xi32>], vector<16xi32>,
      %gather3A_1064 = tpu.vector_load_idx %arg11[%gather3A_1063] : memref<2056xf32, #tpu.memory_space<vmem>>[vector<16xi32>], vector<16xf32>,
      %get3A_1065 = arith.constant 1072 : index
      %get3A_1066 = tpu.vector_load %arg9[%get3A_1065] {strides = array<i32>} : memref<2048xf32, #tpu.memory_space<vmem>>, vector<16xf32>,
      %mul3A_1067 = arith.mulf %get3A_1066, %gather3A_1064 : vector<16xf32>
      %add3A_1068 = arith.addf %add3A_1060, %mul3A_1067 : vector<16xf32>
      %get3A_1069 = arith.constant 1088 : index
      %get3A_1070 = tpu.vector_load %arg8[%get3A_1069] {strides = array<i32>} : memref<2048xi32, #tpu.memory_space<vmem>>, vector<16xi32>,
      %gather3A_1071 = tpu.vector_load_idx %arg10[%get3A_1070] : memref<2048xi32, #tpu.memory_space<vmem>>[vector<16xi32>], vector<16xi32>,
      %gather3A_1072 = tpu.vector_load_idx %arg11[%gather3A_1071] : memref<2056xf32, #tpu.memory_space<vmem>>[vector<16xi32>], vector<16xf32>,
      %get3A_1073 = arith.constant 1088 : index
      %get3A_1074 = tpu.vector_load %arg9[%get3A_1073] {strides = array<i32>} : memref<2048xf32, #tpu.memory_space<vmem>>, vector<16xf32>,
      %mul3A_1075 = arith.mulf %get3A_1074, %gather3A_1072 : vector<16xf32>
      %add3A_1076 = arith.addf %add3A_1068, %mul3A_1075 : vector<16xf32>
      %get3A_1077 = arith.constant 1104 : index
      %get3A_1078 = tpu.vector_load %arg8[%get3A_1077] {strides = array<i32>} : memref<2048xi32, #tpu.memory_space<vmem>>, vector<16xi32>,
      %gather3A_1079 = tpu.vector_load_idx %arg10[%get3A_1078] : memref<2048xi32, #tpu.memory_space<vmem>>[vector<16xi32>], vector<16xi32>,
      %gather3A_1080 = tpu.vector_load_idx %arg11[%gather3A_1079] : memref<2056xf32, #tpu.memory_space<vmem>>[vector<16xi32>], vector<16xf32>,
      %get3A_1081 = arith.constant 1104 : index
      %get3A_1082 = tpu.vector_load %arg9[%get3A_1081] {strides = array<i32>} : memref<2048xf32, #tpu.memory_space<vmem>>, vector<16xf32>,
      %mul3A_1083 = arith.mulf %get3A_1082, %gather3A_1080 : vector<16xf32>
      %add3A_1084 = arith.addf %add3A_1076, %mul3A_1083 : vector<16xf32>
      %get3A_1085 = arith.constant 1120 : index
      %get3A_1086 = tpu.vector_load %arg8[%get3A_1085] {strides = array<i32>} : memref<2048xi32, #tpu.memory_space<vmem>>, vector<16xi32>,
      %gather3A_1087 = tpu.vector_load_idx %arg10[%get3A_1086] : memref<2048xi32, #tpu.memory_space<vmem>>[vector<16xi32>], vector<16xi32>,
      %gather3A_1088 = tpu.vector_load_idx %arg11[%gather3A_1087] : memref<2056xf32, #tpu.memory_space<vmem>>[vector<16xi32>], vector<16xf32>,
      %get3A_1089 = arith.constant 1120 : index
      %get3A_1090 = tpu.vector_load %arg9[%get3A_1089] {strides = array<i32>} : memref<2048xf32, #tpu.memory_space<vmem>>, vector<16xf32>,
      %mul3A_1091 = arith.mulf %get3A_1090, %gather3A_1088 : vector<16xf32>
      %add3A_1092 = arith.addf %add3A_1084, %mul3A_1091 : vector<16xf32>
      %get3A_1093 = arith.constant 1136 : index
      %get3A_1094 = tpu.vector_load %arg8[%get3A_1093] {strides = array<i32>} : memref<2048xi32, #tpu.memory_space<vmem>>, vector<16xi32>,
      %gather3A_1095 = tpu.vector_load_idx %arg10[%get3A_1094] : memref<2048xi32, #tpu.memory_space<vmem>>[vector<16xi32>], vector<16xi32>,
      %gather3A_1096 = tpu.vector_load_idx %arg11[%gather3A_1095] : memref<2056xf32, #tpu.memory_space<vmem>>[vector<16xi32>], vector<16xf32>,
      %get3A_1097 = arith.constant 1136 : index
      %get3A_1098 = tpu.vector_load %arg9[%get3A_1097] {strides = array<i32>} : memref<2048xf32, #tpu.memory_space<vmem>>, vector<16xf32>,
      %mul3A_1099 = arith.mulf %get3A_1098, %gather3A_1096 : vector<16xf32>
      %add3A_1100 = arith.addf %add3A_1092, %mul3A_1099 : vector<16xf32>
      %get3A_1101 = arith.constant 1152 : index
      %get3A_1102 = tpu.vector_load %arg8[%get3A_1101] {strides = array<i32>} : memref<2048xi32, #tpu.memory_space<vmem>>, vector<16xi32>,
      %gather3A_1103 = tpu.vector_load_idx %arg10[%get3A_1102] : memref<2048xi32, #tpu.memory_space<vmem>>[vector<16xi32>], vector<16xi32>,
      %gather3A_1104 = tpu.vector_load_idx %arg11[%gather3A_1103] : memref<2056xf32, #tpu.memory_space<vmem>>[vector<16xi32>], vector<16xf32>,
      %get3A_1105 = arith.constant 1152 : index
      %get3A_1106 = tpu.vector_load %arg9[%get3A_1105] {strides = array<i32>} : memref<2048xf32, #tpu.memory_space<vmem>>, vector<16xf32>,
      %mul3A_1107 = arith.mulf %get3A_1106, %gather3A_1104 : vector<16xf32>
      %add3A_1108 = arith.addf %add3A_1100, %mul3A_1107 : vector<16xf32>
      %get3A_1109 = arith.constant 1168 : index
      %get3A_1110 = tpu.vector_load %arg8[%get3A_1109] {strides = array<i32>} : memref<2048xi32, #tpu.memory_space<vmem>>, vector<16xi32>,
      %gather3A_1111 = tpu.vector_load_idx %arg10[%get3A_1110] : memref<2048xi32, #tpu.memory_space<vmem>>[vector<16xi32>], vector<16xi32>,
      %gather3A_1112 = tpu.vector_load_idx %arg11[%gather3A_1111] : memref<2056xf32, #tpu.memory_space<vmem>>[vector<16xi32>], vector<16xf32>,
      %get3A_1113 = arith.constant 1168 : index
      %get3A_1114 = tpu.vector_load %arg9[%get3A_1113] {strides = array<i32>} : memref<2048xf32, #tpu.memory_space<vmem>>, vector<16xf32>,
      %mul3A_1115 = arith.mulf %get3A_1114, %gather3A_1112 : vector<16xf32>
      %add3A_1116 = arith.addf %add3A_1108, %mul3A_1115 : vector<16xf32>
      %get3A_1117 = arith.constant 1184 : index
      %get3A_1118 = tpu.vector_load %arg8[%get3A_1117] {strides = array<i32>} : memref<2048xi32, #tpu.memory_space<vmem>>, vector<16xi32>,
      %gather3A_1119 = tpu.vector_load_idx %arg10[%get3A_1118] : memref<2048xi32, #tpu.memory_space<vmem>>[vector<16xi32>], vector<16xi32>,
      %gather3A_1120 = tpu.vector_load_idx %arg11[%gather3A_1119] : memref<2056xf32, #tpu.memory_space<vmem>>[vector<16xi32>], vector<16xf32>,
      %get3A_1121 = arith.constant 1184 : index
      %get3A_1122 = tpu.vector_load %arg9[%get3A_1121] {strides = array<i32>} : memref<2048xf32, #tpu.memory_space<vmem>>, vector<16xf32>,
      %mul3A_1123 = arith.mulf %get3A_1122, %gather3A_1120 : vector<16xf32>
      %add3A_1124 = arith.addf %add3A_1116, %mul3A_1123 : vector<16xf32>
      %get3A_1125 = arith.constant 1200 : index
      %get3A_1126 = tpu.vector_load %arg8[%get3A_1125] {strides = array<i32>} : memref<2048xi32, #tpu.memory_space<vmem>>, vector<16xi32>,
      %gather3A_1127 = tpu.vector_load_idx %arg10[%get3A_1126] : memref<2048xi32, #tpu.memory_space<vmem>>[vector<16xi32>], vector<16xi32>,
      %gather3A_1128 = tpu.vector_load_idx %arg11[%gather3A_1127] : memref<2056xf32, #tpu.memory_space<vmem>>[vector<16xi32>], vector<16xf32>,
      %get3A_1129 = arith.constant 1200 : index
      %get3A_1130 = tpu.vector_load %arg9[%get3A_1129] {strides = array<i32>} : memref<2048xf32, #tpu.memory_space<vmem>>, vector<16xf32>,
      %mul3A_1131 = arith.mulf %get3A_1130, %gather3A_1128 : vector<16xf32>
      %add3A_1132 = arith.addf %add3A_1124, %mul3A_1131 : vector<16xf32>
      %get3A_1133 = arith.constant 1216 : index
      %get3A_1134 = tpu.vector_load %arg8[%get3A_1133] {strides = array<i32>} : memref<2048xi32, #tpu.memory_space<vmem>>, vector<16xi32>,
      %gather3A_1135 = tpu.vector_load_idx %arg10[%get3A_1134] : memref<2048xi32, #tpu.memory_space<vmem>>[vector<16xi32>], vector<16xi32>,
      %gather3A_1136 = tpu.vector_load_idx %arg11[%gather3A_1135] : memref<2056xf32, #tpu.memory_space<vmem>>[vector<16xi32>], vector<16xf32>,
      %get3A_1137 = arith.constant 1216 : index
      %get3A_1138 = tpu.vector_load %arg9[%get3A_1137] {strides = array<i32>} : memref<2048xf32, #tpu.memory_space<vmem>>, vector<16xf32>,
      %mul3A_1139 = arith.mulf %get3A_1138, %gather3A_1136 : vector<16xf32>
      %add3A_1140 = arith.addf %add3A_1132, %mul3A_1139 : vector<16xf32>
      %get3A_1141 = arith.constant 1232 : index
      %get3A_1142 = tpu.vector_load %arg8[%get3A_1141] {strides = array<i32>} : memref<2048xi32, #tpu.memory_space<vmem>>, vector<16xi32>,
      %gather3A_1143 = tpu.vector_load_idx %arg10[%get3A_1142] : memref<2048xi32, #tpu.memory_space<vmem>>[vector<16xi32>], vector<16xi32>,
      %gather3A_1144 = tpu.vector_load_idx %arg11[%gather3A_1143] : memref<2056xf32, #tpu.memory_space<vmem>>[vector<16xi32>], vector<16xf32>,
      %get3A_1145 = arith.constant 1232 : index
      %get3A_1146 = tpu.vector_load %arg9[%get3A_1145] {strides = array<i32>} : memref<2048xf32, #tpu.memory_space<vmem>>, vector<16xf32>,
      %mul3A_1147 = arith.mulf %get3A_1146, %gather3A_1144 : vector<16xf32>
      %add3A_1148 = arith.addf %add3A_1140, %mul3A_1147 : vector<16xf32>
      %get3A_1149 = arith.constant 1248 : index
      %get3A_1150 = tpu.vector_load %arg8[%get3A_1149] {strides = array<i32>} : memref<2048xi32, #tpu.memory_space<vmem>>, vector<16xi32>,
      %gather3A_1151 = tpu.vector_load_idx %arg10[%get3A_1150] : memref<2048xi32, #tpu.memory_space<vmem>>[vector<16xi32>], vector<16xi32>,
      %gather3A_1152 = tpu.vector_load_idx %arg11[%gather3A_1151] : memref<2056xf32, #tpu.memory_space<vmem>>[vector<16xi32>], vector<16xf32>,
      %get3A_1153 = arith.constant 1248 : index
      %get3A_1154 = tpu.vector_load %arg9[%get3A_1153] {strides = array<i32>} : memref<2048xf32, #tpu.memory_space<vmem>>, vector<16xf32>,
      %mul3A_1155 = arith.mulf %get3A_1154, %gather3A_1152 : vector<16xf32>
      %add3A_1156 = arith.addf %add3A_1148, %mul3A_1155 : vector<16xf32>
      %get3A_1157 = arith.constant 1264 : index
      %get3A_1158 = tpu.vector_load %arg8[%get3A_1157] {strides = array<i32>} : memref<2048xi32, #tpu.memory_space<vmem>>, vector<16xi32>,
      %gather3A_1159 = tpu.vector_load_idx %arg10[%get3A_1158] : memref<2048xi32, #tpu.memory_space<vmem>>[vector<16xi32>], vector<16xi32>,
      %gather3A_1160 = tpu.vector_load_idx %arg11[%gather3A_1159] : memref<2056xf32, #tpu.memory_space<vmem>>[vector<16xi32>], vector<16xf32>,
      %get3A_1161 = arith.constant 1264 : index
      %get3A_1162 = tpu.vector_load %arg9[%get3A_1161] {strides = array<i32>} : memref<2048xf32, #tpu.memory_space<vmem>>, vector<16xf32>,
      %mul3A_1163 = arith.mulf %get3A_1162, %gather3A_1160 : vector<16xf32>
      %add3A_1164 = arith.addf %add3A_1156, %mul3A_1163 : vector<16xf32>
      %get3A_1165 = arith.constant 1280 : index
      %get3A_1166 = tpu.vector_load %arg8[%get3A_1165] {strides = array<i32>} : memref<2048xi32, #tpu.memory_space<vmem>>, vector<16xi32>,
      %gather3A_1167 = tpu.vector_load_idx %arg10[%get3A_1166] : memref<2048xi32, #tpu.memory_space<vmem>>[vector<16xi32>], vector<16xi32>,
      %gather3A_1168 = tpu.vector_load_idx %arg11[%gather3A_1167] : memref<2056xf32, #tpu.memory_space<vmem>>[vector<16xi32>], vector<16xf32>,
      %get3A_1169 = arith.constant 1280 : index
      %get3A_1170 = tpu.vector_load %arg9[%get3A_1169] {strides = array<i32>} : memref<2048xf32, #tpu.memory_space<vmem>>, vector<16xf32>,
      %mul3A_1171 = arith.mulf %get3A_1170, %gather3A_1168 : vector<16xf32>
      %add3A_1172 = arith.addf %add3A_1164, %mul3A_1171 : vector<16xf32>
      %get3A_1173 = arith.constant 1296 : index
      %get3A_1174 = tpu.vector_load %arg8[%get3A_1173] {strides = array<i32>} : memref<2048xi32, #tpu.memory_space<vmem>>, vector<16xi32>,
      %gather3A_1175 = tpu.vector_load_idx %arg10[%get3A_1174] : memref<2048xi32, #tpu.memory_space<vmem>>[vector<16xi32>], vector<16xi32>,
      %gather3A_1176 = tpu.vector_load_idx %arg11[%gather3A_1175] : memref<2056xf32, #tpu.memory_space<vmem>>[vector<16xi32>], vector<16xf32>,
      %get3A_1177 = arith.constant 1296 : index
      %get3A_1178 = tpu.vector_load %arg9[%get3A_1177] {strides = array<i32>} : memref<2048xf32, #tpu.memory_space<vmem>>, vector<16xf32>,
      %mul3A_1179 = arith.mulf %get3A_1178, %gather3A_1176 : vector<16xf32>
      %add3A_1180 = arith.addf %add3A_1172, %mul3A_1179 : vector<16xf32>
      %get3A_1181 = arith.constant 1312 : index
      %get3A_1182 = tpu.vector_load %arg8[%get3A_1181] {strides = array<i32>} : memref<2048xi32, #tpu.memory_space<vmem>>, vector<16xi32>,
      %gather3A_1183 = tpu.vector_load_idx %arg10[%get3A_1182] : memref<2048xi32, #tpu.memory_space<vmem>>[vector<16xi32>], vector<16xi32>,
      %gather3A_1184 = tpu.vector_load_idx %arg11[%gather3A_1183] : memref<2056xf32, #tpu.memory_space<vmem>>[vector<16xi32>], vector<16xf32>,
      %get3A_1185 = arith.constant 1312 : index
      %get3A_1186 = tpu.vector_load %arg9[%get3A_1185] {strides = array<i32>} : memref<2048xf32, #tpu.memory_space<vmem>>, vector<16xf32>,
      %mul3A_1187 = arith.mulf %get3A_1186, %gather3A_1184 : vector<16xf32>
      %add3A_1188 = arith.addf %add3A_1180, %mul3A_1187 : vector<16xf32>
      %get3A_1189 = arith.constant 1328 : index
      %get3A_1190 = tpu.vector_load %arg8[%get3A_1189] {strides = array<i32>} : memref<2048xi32, #tpu.memory_space<vmem>>, vector<16xi32>,
      %gather3A_1191 = tpu.vector_load_idx %arg10[%get3A_1190] : memref<2048xi32, #tpu.memory_space<vmem>>[vector<16xi32>], vector<16xi32>,
      %gather3A_1192 = tpu.vector_load_idx %arg11[%gather3A_1191] : memref<2056xf32, #tpu.memory_space<vmem>>[vector<16xi32>], vector<16xf32>,
      %get3A_1193 = arith.constant 1328 : index
      %get3A_1194 = tpu.vector_load %arg9[%get3A_1193] {strides = array<i32>} : memref<2048xf32, #tpu.memory_space<vmem>>, vector<16xf32>,
      %mul3A_1195 = arith.mulf %get3A_1194, %gather3A_1192 : vector<16xf32>
      %add3A_1196 = arith.addf %add3A_1188, %mul3A_1195 : vector<16xf32>
      %get3A_1197 = arith.constant 1344 : index
      %get3A_1198 = tpu.vector_load %arg8[%get3A_1197] {strides = array<i32>} : memref<2048xi32, #tpu.memory_space<vmem>>, vector<16xi32>,
      %gather3A_1199 = tpu.vector_load_idx %arg10[%get3A_1198] : memref<2048xi32, #tpu.memory_space<vmem>>[vector<16xi32>], vector<16xi32>,
      %gather3A_1200 = tpu.vector_load_idx %arg11[%gather3A_1199] : memref<2056xf32, #tpu.memory_space<vmem>>[vector<16xi32>], vector<16xf32>,
      %get3A_1201 = arith.constant 1344 : index
      %get3A_1202 = tpu.vector_load %arg9[%get3A_1201] {strides = array<i32>} : memref<2048xf32, #tpu.memory_space<vmem>>, vector<16xf32>,
      %mul3A_1203 = arith.mulf %get3A_1202, %gather3A_1200 : vector<16xf32>
      %add3A_1204 = arith.addf %add3A_1196, %mul3A_1203 : vector<16xf32>
      %get3A_1205 = arith.constant 1360 : index
      %get3A_1206 = tpu.vector_load %arg8[%get3A_1205] {strides = array<i32>} : memref<2048xi32, #tpu.memory_space<vmem>>, vector<16xi32>,
      %gather3A_1207 = tpu.vector_load_idx %arg10[%get3A_1206] : memref<2048xi32, #tpu.memory_space<vmem>>[vector<16xi32>], vector<16xi32>,
      %gather3A_1208 = tpu.vector_load_idx %arg11[%gather3A_1207] : memref<2056xf32, #tpu.memory_space<vmem>>[vector<16xi32>], vector<16xf32>,
      %get3A_1209 = arith.constant 1360 : index
      %get3A_1210 = tpu.vector_load %arg9[%get3A_1209] {strides = array<i32>} : memref<2048xf32, #tpu.memory_space<vmem>>, vector<16xf32>,
      %mul3A_1211 = arith.mulf %get3A_1210, %gather3A_1208 : vector<16xf32>
      %add3A_1212 = arith.addf %add3A_1204, %mul3A_1211 : vector<16xf32>
      %get3A_1213 = arith.constant 1376 : index
      %get3A_1214 = tpu.vector_load %arg8[%get3A_1213] {strides = array<i32>} : memref<2048xi32, #tpu.memory_space<vmem>>, vector<16xi32>,
      %gather3A_1215 = tpu.vector_load_idx %arg10[%get3A_1214] : memref<2048xi32, #tpu.memory_space<vmem>>[vector<16xi32>], vector<16xi32>,
      %gather3A_1216 = tpu.vector_load_idx %arg11[%gather3A_1215] : memref<2056xf32, #tpu.memory_space<vmem>>[vector<16xi32>], vector<16xf32>,
      %get3A_1217 = arith.constant 1376 : index
      %get3A_1218 = tpu.vector_load %arg9[%get3A_1217] {strides = array<i32>} : memref<2048xf32, #tpu.memory_space<vmem>>, vector<16xf32>,
      %mul3A_1219 = arith.mulf %get3A_1218, %gather3A_1216 : vector<16xf32>
      %add3A_1220 = arith.addf %add3A_1212, %mul3A_1219 : vector<16xf32>
      %get3A_1221 = arith.constant 1392 : index
      %get3A_1222 = tpu.vector_load %arg8[%get3A_1221] {strides = array<i32>} : memref<2048xi32, #tpu.memory_space<vmem>>, vector<16xi32>,
      %gather3A_1223 = tpu.vector_load_idx %arg10[%get3A_1222] : memref<2048xi32, #tpu.memory_space<vmem>>[vector<16xi32>], vector<16xi32>,
      %gather3A_1224 = tpu.vector_load_idx %arg11[%gather3A_1223] : memref<2056xf32, #tpu.memory_space<vmem>>[vector<16xi32>], vector<16xf32>,
      %get3A_1225 = arith.constant 1392 : index
      %get3A_1226 = tpu.vector_load %arg9[%get3A_1225] {strides = array<i32>} : memref<2048xf32, #tpu.memory_space<vmem>>, vector<16xf32>,
      %mul3A_1227 = arith.mulf %get3A_1226, %gather3A_1224 : vector<16xf32>
      %add3A_1228 = arith.addf %add3A_1220, %mul3A_1227 : vector<16xf32>
      %get3A_1229 = arith.constant 1408 : index
      %get3A_1230 = tpu.vector_load %arg8[%get3A_1229] {strides = array<i32>} : memref<2048xi32, #tpu.memory_space<vmem>>, vector<16xi32>,
      %gather3A_1231 = tpu.vector_load_idx %arg10[%get3A_1230] : memref<2048xi32, #tpu.memory_space<vmem>>[vector<16xi32>], vector<16xi32>,
      %gather3A_1232 = tpu.vector_load_idx %arg11[%gather3A_1231] : memref<2056xf32, #tpu.memory_space<vmem>>[vector<16xi32>], vector<16xf32>,
      %get3A_1233 = arith.constant 1408 : index
      %get3A_1234 = tpu.vector_load %arg9[%get3A_1233] {strides = array<i32>} : memref<2048xf32, #tpu.memory_space<vmem>>, vector<16xf32>,
      %mul3A_1235 = arith.mulf %get3A_1234, %gather3A_1232 : vector<16xf32>
      %add3A_1236 = arith.addf %add3A_1228, %mul3A_1235 : vector<16xf32>
      %get3A_1237 = arith.constant 1424 : index
      %get3A_1238 = tpu.vector_load %arg8[%get3A_1237] {strides = array<i32>} : memref<2048xi32, #tpu.memory_space<vmem>>, vector<16xi32>,
      %gather3A_1239 = tpu.vector_load_idx %arg10[%get3A_1238] : memref<2048xi32, #tpu.memory_space<vmem>>[vector<16xi32>], vector<16xi32>,
      %gather3A_1240 = tpu.vector_load_idx %arg11[%gather3A_1239] : memref<2056xf32, #tpu.memory_space<vmem>>[vector<16xi32>], vector<16xf32>,
      %get3A_1241 = arith.constant 1424 : index
      %get3A_1242 = tpu.vector_load %arg9[%get3A_1241] {strides = array<i32>} : memref<2048xf32, #tpu.memory_space<vmem>>, vector<16xf32>,
      %mul3A_1243 = arith.mulf %get3A_1242, %gather3A_1240 : vector<16xf32>
      %add3A_1244 = arith.addf %add3A_1236, %mul3A_1243 : vector<16xf32>
      %get3A_1245 = arith.constant 1440 : index
      %get3A_1246 = tpu.vector_load %arg8[%get3A_1245] {strides = array<i32>} : memref<2048xi32, #tpu.memory_space<vmem>>, vector<16xi32>,
      %gather3A_1247 = tpu.vector_load_idx %arg10[%get3A_1246] : memref<2048xi32, #tpu.memory_space<vmem>>[vector<16xi32>], vector<16xi32>,
      %gather3A_1248 = tpu.vector_load_idx %arg11[%gather3A_1247] : memref<2056xf32, #tpu.memory_space<vmem>>[vector<16xi32>], vector<16xf32>,
      %get3A_1249 = arith.constant 1440 : index
      %get3A_1250 = tpu.vector_load %arg9[%get3A_1249] {strides = array<i32>} : memref<2048xf32, #tpu.memory_space<vmem>>, vector<16xf32>,
      %mul3A_1251 = arith.mulf %get3A_1250, %gather3A_1248 : vector<16xf32>
      %add3A_1252 = arith.addf %add3A_1244, %mul3A_1251 : vector<16xf32>
      %get3A_1253 = arith.constant 1456 : index
      %get3A_1254 = tpu.vector_load %arg8[%get3A_1253] {strides = array<i32>} : memref<2048xi32, #tpu.memory_space<vmem>>, vector<16xi32>,
      %gather3A_1255 = tpu.vector_load_idx %arg10[%get3A_1254] : memref<2048xi32, #tpu.memory_space<vmem>>[vector<16xi32>], vector<16xi32>,
      %gather3A_1256 = tpu.vector_load_idx %arg11[%gather3A_1255] : memref<2056xf32, #tpu.memory_space<vmem>>[vector<16xi32>], vector<16xf32>,
      %get3A_1257 = arith.constant 1456 : index
      %get3A_1258 = tpu.vector_load %arg9[%get3A_1257] {strides = array<i32>} : memref<2048xf32, #tpu.memory_space<vmem>>, vector<16xf32>,
      %mul3A_1259 = arith.mulf %get3A_1258, %gather3A_1256 : vector<16xf32>
      %add3A_1260 = arith.addf %add3A_1252, %mul3A_1259 : vector<16xf32>
      %get3A_1261 = arith.constant 1472 : index
      %get3A_1262 = tpu.vector_load %arg8[%get3A_1261] {strides = array<i32>} : memref<2048xi32, #tpu.memory_space<vmem>>, vector<16xi32>,
      %gather3A_1263 = tpu.vector_load_idx %arg10[%get3A_1262] : memref<2048xi32, #tpu.memory_space<vmem>>[vector<16xi32>], vector<16xi32>,
      %gather3A_1264 = tpu.vector_load_idx %arg11[%gather3A_1263] : memref<2056xf32, #tpu.memory_space<vmem>>[vector<16xi32>], vector<16xf32>,
      %get3A_1265 = arith.constant 1472 : index
      %get3A_1266 = tpu.vector_load %arg9[%get3A_1265] {strides = array<i32>} : memref<2048xf32, #tpu.memory_space<vmem>>, vector<16xf32>,
      %mul3A_1267 = arith.mulf %get3A_1266, %gather3A_1264 : vector<16xf32>
      %add3A_1268 = arith.addf %add3A_1260, %mul3A_1267 : vector<16xf32>
      %get3A_1269 = arith.constant 1488 : index
      %get3A_1270 = tpu.vector_load %arg8[%get3A_1269] {strides = array<i32>} : memref<2048xi32, #tpu.memory_space<vmem>>, vector<16xi32>,
      %gather3A_1271 = tpu.vector_load_idx %arg10[%get3A_1270] : memref<2048xi32, #tpu.memory_space<vmem>>[vector<16xi32>], vector<16xi32>,
      %gather3A_1272 = tpu.vector_load_idx %arg11[%gather3A_1271] : memref<2056xf32, #tpu.memory_space<vmem>>[vector<16xi32>], vector<16xf32>,
      %get3A_1273 = arith.constant 1488 : index
      %get3A_1274 = tpu.vector_load %arg9[%get3A_1273] {strides = array<i32>} : memref<2048xf32, #tpu.memory_space<vmem>>, vector<16xf32>,
      %mul3A_1275 = arith.mulf %get3A_1274, %gather3A_1272 : vector<16xf32>
      %add3A_1276 = arith.addf %add3A_1268, %mul3A_1275 : vector<16xf32>
      %get3A_1277 = arith.constant 1504 : index
      %get3A_1278 = tpu.vector_load %arg8[%get3A_1277] {strides = array<i32>} : memref<2048xi32, #tpu.memory_space<vmem>>, vector<16xi32>,
      %gather3A_1279 = tpu.vector_load_idx %arg10[%get3A_1278] : memref<2048xi32, #tpu.memory_space<vmem>>[vector<16xi32>], vector<16xi32>,
      %gather3A_1280 = tpu.vector_load_idx %arg11[%gather3A_1279] : memref<2056xf32, #tpu.memory_space<vmem>>[vector<16xi32>], vector<16xf32>,
      %get3A_1281 = arith.constant 1504 : index
      %get3A_1282 = tpu.vector_load %arg9[%get3A_1281] {strides = array<i32>} : memref<2048xf32, #tpu.memory_space<vmem>>, vector<16xf32>,
      %mul3A_1283 = arith.mulf %get3A_1282, %gather3A_1280 : vector<16xf32>
      %add3A_1284 = arith.addf %add3A_1276, %mul3A_1283 : vector<16xf32>
      %get3A_1285 = arith.constant 1520 : index
      %get3A_1286 = tpu.vector_load %arg8[%get3A_1285] {strides = array<i32>} : memref<2048xi32, #tpu.memory_space<vmem>>, vector<16xi32>,
      %gather3A_1287 = tpu.vector_load_idx %arg10[%get3A_1286] : memref<2048xi32, #tpu.memory_space<vmem>>[vector<16xi32>], vector<16xi32>,
      %gather3A_1288 = tpu.vector_load_idx %arg11[%gather3A_1287] : memref<2056xf32, #tpu.memory_space<vmem>>[vector<16xi32>], vector<16xf32>,
      %get3A_1289 = arith.constant 1520 : index
      %get3A_1290 = tpu.vector_load %arg9[%get3A_1289] {strides = array<i32>} : memref<2048xf32, #tpu.memory_space<vmem>>, vector<16xf32>,
      %mul3A_1291 = arith.mulf %get3A_1290, %gather3A_1288 : vector<16xf32>
      %add3A_1292 = arith.addf %add3A_1284, %mul3A_1291 : vector<16xf32>
      %get3A_1293 = arith.constant 1536 : index
      %get3A_1294 = tpu.vector_load %arg8[%get3A_1293] {strides = array<i32>} : memref<2048xi32, #tpu.memory_space<vmem>>, vector<16xi32>,
      %gather3A_1295 = tpu.vector_load_idx %arg10[%get3A_1294] : memref<2048xi32, #tpu.memory_space<vmem>>[vector<16xi32>], vector<16xi32>,
      %gather3A_1296 = tpu.vector_load_idx %arg11[%gather3A_1295] : memref<2056xf32, #tpu.memory_space<vmem>>[vector<16xi32>], vector<16xf32>,
      %get3A_1297 = arith.constant 1536 : index
      %get3A_1298 = tpu.vector_load %arg9[%get3A_1297] {strides = array<i32>} : memref<2048xf32, #tpu.memory_space<vmem>>, vector<16xf32>,
      %mul3A_1299 = arith.mulf %get3A_1298, %gather3A_1296 : vector<16xf32>
      %add3A_1300 = arith.addf %add3A_1292, %mul3A_1299 : vector<16xf32>
      %get3A_1301 = arith.constant 1552 : index
      %get3A_1302 = tpu.vector_load %arg8[%get3A_1301] {strides = array<i32>} : memref<2048xi32, #tpu.memory_space<vmem>>, vector<16xi32>,
      %gather3A_1303 = tpu.vector_load_idx %arg10[%get3A_1302] : memref<2048xi32, #tpu.memory_space<vmem>>[vector<16xi32>], vector<16xi32>,
      %gather3A_1304 = tpu.vector_load_idx %arg11[%gather3A_1303] : memref<2056xf32, #tpu.memory_space<vmem>>[vector<16xi32>], vector<16xf32>,
      %get3A_1305 = arith.constant 1552 : index
      %get3A_1306 = tpu.vector_load %arg9[%get3A_1305] {strides = array<i32>} : memref<2048xf32, #tpu.memory_space<vmem>>, vector<16xf32>,
      %mul3A_1307 = arith.mulf %get3A_1306, %gather3A_1304 : vector<16xf32>
      %add3A_1308 = arith.addf %add3A_1300, %mul3A_1307 : vector<16xf32>
      %get3A_1309 = arith.constant 1568 : index
      %get3A_1310 = tpu.vector_load %arg8[%get3A_1309] {strides = array<i32>} : memref<2048xi32, #tpu.memory_space<vmem>>, vector<16xi32>,
      %gather3A_1311 = tpu.vector_load_idx %arg10[%get3A_1310] : memref<2048xi32, #tpu.memory_space<vmem>>[vector<16xi32>], vector<16xi32>,
      %gather3A_1312 = tpu.vector_load_idx %arg11[%gather3A_1311] : memref<2056xf32, #tpu.memory_space<vmem>>[vector<16xi32>], vector<16xf32>,
      %get3A_1313 = arith.constant 1568 : index
      %get3A_1314 = tpu.vector_load %arg9[%get3A_1313] {strides = array<i32>} : memref<2048xf32, #tpu.memory_space<vmem>>, vector<16xf32>,
      %mul3A_1315 = arith.mulf %get3A_1314, %gather3A_1312 : vector<16xf32>
      %add3A_1316 = arith.addf %add3A_1308, %mul3A_1315 : vector<16xf32>
      %get3A_1317 = arith.constant 1584 : index
      %get3A_1318 = tpu.vector_load %arg8[%get3A_1317] {strides = array<i32>} : memref<2048xi32, #tpu.memory_space<vmem>>, vector<16xi32>,
      %gather3A_1319 = tpu.vector_load_idx %arg10[%get3A_1318] : memref<2048xi32, #tpu.memory_space<vmem>>[vector<16xi32>], vector<16xi32>,
      %gather3A_1320 = tpu.vector_load_idx %arg11[%gather3A_1319] : memref<2056xf32, #tpu.memory_space<vmem>>[vector<16xi32>], vector<16xf32>,
      %get3A_1321 = arith.constant 1584 : index
      %get3A_1322 = tpu.vector_load %arg9[%get3A_1321] {strides = array<i32>} : memref<2048xf32, #tpu.memory_space<vmem>>, vector<16xf32>,
      %mul3A_1323 = arith.mulf %get3A_1322, %gather3A_1320 : vector<16xf32>
      %add3A_1324 = arith.addf %add3A_1316, %mul3A_1323 : vector<16xf32>
      %get3A_1325 = arith.constant 1600 : index
      %get3A_1326 = tpu.vector_load %arg8[%get3A_1325] {strides = array<i32>} : memref<2048xi32, #tpu.memory_space<vmem>>, vector<16xi32>,
      %gather3A_1327 = tpu.vector_load_idx %arg10[%get3A_1326] : memref<2048xi32, #tpu.memory_space<vmem>>[vector<16xi32>], vector<16xi32>,
      %gather3A_1328 = tpu.vector_load_idx %arg11[%gather3A_1327] : memref<2056xf32, #tpu.memory_space<vmem>>[vector<16xi32>], vector<16xf32>,
      %get3A_1329 = arith.constant 1600 : index
      %get3A_1330 = tpu.vector_load %arg9[%get3A_1329] {strides = array<i32>} : memref<2048xf32, #tpu.memory_space<vmem>>, vector<16xf32>,
      %mul3A_1331 = arith.mulf %get3A_1330, %gather3A_1328 : vector<16xf32>
      %add3A_1332 = arith.addf %add3A_1324, %mul3A_1331 : vector<16xf32>
      %get3A_1333 = arith.constant 1616 : index
      %get3A_1334 = tpu.vector_load %arg8[%get3A_1333] {strides = array<i32>} : memref<2048xi32, #tpu.memory_space<vmem>>, vector<16xi32>,
      %gather3A_1335 = tpu.vector_load_idx %arg10[%get3A_1334] : memref<2048xi32, #tpu.memory_space<vmem>>[vector<16xi32>], vector<16xi32>,
      %gather3A_1336 = tpu.vector_load_idx %arg11[%gather3A_1335] : memref<2056xf32, #tpu.memory_space<vmem>>[vector<16xi32>], vector<16xf32>,
      %get3A_1337 = arith.constant 1616 : index
      %get3A_1338 = tpu.vector_load %arg9[%get3A_1337] {strides = array<i32>} : memref<2048xf32, #tpu.memory_space<vmem>>, vector<16xf32>,
      %mul3A_1339 = arith.mulf %get3A_1338, %gather3A_1336 : vector<16xf32>
      %add3A_1340 = arith.addf %add3A_1332, %mul3A_1339 : vector<16xf32>
      %get3A_1341 = arith.constant 1632 : index
      %get3A_1342 = tpu.vector_load %arg8[%get3A_1341] {strides = array<i32>} : memref<2048xi32, #tpu.memory_space<vmem>>, vector<16xi32>,
      %gather3A_1343 = tpu.vector_load_idx %arg10[%get3A_1342] : memref<2048xi32, #tpu.memory_space<vmem>>[vector<16xi32>], vector<16xi32>,
      %gather3A_1344 = tpu.vector_load_idx %arg11[%gather3A_1343] : memref<2056xf32, #tpu.memory_space<vmem>>[vector<16xi32>], vector<16xf32>,
      %get3A_1345 = arith.constant 1632 : index
      %get3A_1346 = tpu.vector_load %arg9[%get3A_1345] {strides = array<i32>} : memref<2048xf32, #tpu.memory_space<vmem>>, vector<16xf32>,
      %mul3A_1347 = arith.mulf %get3A_1346, %gather3A_1344 : vector<16xf32>
      %add3A_1348 = arith.addf %add3A_1340, %mul3A_1347 : vector<16xf32>
      %get3A_1349 = arith.constant 1648 : index
      %get3A_1350 = tpu.vector_load %arg8[%get3A_1349] {strides = array<i32>} : memref<2048xi32, #tpu.memory_space<vmem>>, vector<16xi32>,
      %gather3A_1351 = tpu.vector_load_idx %arg10[%get3A_1350] : memref<2048xi32, #tpu.memory_space<vmem>>[vector<16xi32>], vector<16xi32>,
      %gather3A_1352 = tpu.vector_load_idx %arg11[%gather3A_1351] : memref<2056xf32, #tpu.memory_space<vmem>>[vector<16xi32>], vector<16xf32>,
      %get3A_1353 = arith.constant 1648 : index
      %get3A_1354 = tpu.vector_load %arg9[%get3A_1353] {strides = array<i32>} : memref<2048xf32, #tpu.memory_space<vmem>>, vector<16xf32>,
      %mul3A_1355 = arith.mulf %get3A_1354, %gather3A_1352 : vector<16xf32>
      %add3A_1356 = arith.addf %add3A_1348, %mul3A_1355 : vector<16xf32>
      %get3A_1357 = arith.constant 1664 : index
      %get3A_1358 = tpu.vector_load %arg8[%get3A_1357] {strides = array<i32>} : memref<2048xi32, #tpu.memory_space<vmem>>, vector<16xi32>,
      %gather3A_1359 = tpu.vector_load_idx %arg10[%get3A_1358] : memref<2048xi32, #tpu.memory_space<vmem>>[vector<16xi32>], vector<16xi32>,
      %gather3A_1360 = tpu.vector_load_idx %arg11[%gather3A_1359] : memref<2056xf32, #tpu.memory_space<vmem>>[vector<16xi32>], vector<16xf32>,
      %get3A_1361 = arith.constant 1664 : index
      %get3A_1362 = tpu.vector_load %arg9[%get3A_1361] {strides = array<i32>} : memref<2048xf32, #tpu.memory_space<vmem>>, vector<16xf32>,
      %mul3A_1363 = arith.mulf %get3A_1362, %gather3A_1360 : vector<16xf32>
      %add3A_1364 = arith.addf %add3A_1356, %mul3A_1363 : vector<16xf32>
      %get3A_1365 = arith.constant 1680 : index
      %get3A_1366 = tpu.vector_load %arg8[%get3A_1365] {strides = array<i32>} : memref<2048xi32, #tpu.memory_space<vmem>>, vector<16xi32>,
      %gather3A_1367 = tpu.vector_load_idx %arg10[%get3A_1366] : memref<2048xi32, #tpu.memory_space<vmem>>[vector<16xi32>], vector<16xi32>,
      %gather3A_1368 = tpu.vector_load_idx %arg11[%gather3A_1367] : memref<2056xf32, #tpu.memory_space<vmem>>[vector<16xi32>], vector<16xf32>,
      %get3A_1369 = arith.constant 1680 : index
      %get3A_1370 = tpu.vector_load %arg9[%get3A_1369] {strides = array<i32>} : memref<2048xf32, #tpu.memory_space<vmem>>, vector<16xf32>,
      %mul3A_1371 = arith.mulf %get3A_1370, %gather3A_1368 : vector<16xf32>
      %add3A_1372 = arith.addf %add3A_1364, %mul3A_1371 : vector<16xf32>
      %get3A_1373 = arith.constant 1696 : index
      %get3A_1374 = tpu.vector_load %arg8[%get3A_1373] {strides = array<i32>} : memref<2048xi32, #tpu.memory_space<vmem>>, vector<16xi32>,
      %gather3A_1375 = tpu.vector_load_idx %arg10[%get3A_1374] : memref<2048xi32, #tpu.memory_space<vmem>>[vector<16xi32>], vector<16xi32>,
      %gather3A_1376 = tpu.vector_load_idx %arg11[%gather3A_1375] : memref<2056xf32, #tpu.memory_space<vmem>>[vector<16xi32>], vector<16xf32>,
      %get3A_1377 = arith.constant 1696 : index
      %get3A_1378 = tpu.vector_load %arg9[%get3A_1377] {strides = array<i32>} : memref<2048xf32, #tpu.memory_space<vmem>>, vector<16xf32>,
      %mul3A_1379 = arith.mulf %get3A_1378, %gather3A_1376 : vector<16xf32>
      %add3A_1380 = arith.addf %add3A_1372, %mul3A_1379 : vector<16xf32>
      %get3A_1381 = arith.constant 1712 : index
      %get3A_1382 = tpu.vector_load %arg8[%get3A_1381] {strides = array<i32>} : memref<2048xi32, #tpu.memory_space<vmem>>, vector<16xi32>,
      %gather3A_1383 = tpu.vector_load_idx %arg10[%get3A_1382] : memref<2048xi32, #tpu.memory_space<vmem>>[vector<16xi32>], vector<16xi32>,
      %gather3A_1384 = tpu.vector_load_idx %arg11[%gather3A_1383] : memref<2056xf32, #tpu.memory_space<vmem>>[vector<16xi32>], vector<16xf32>,
      %get3A_1385 = arith.constant 1712 : index
      %get3A_1386 = tpu.vector_load %arg9[%get3A_1385] {strides = array<i32>} : memref<2048xf32, #tpu.memory_space<vmem>>, vector<16xf32>,
      %mul3A_1387 = arith.mulf %get3A_1386, %gather3A_1384 : vector<16xf32>
      %add3A_1388 = arith.addf %add3A_1380, %mul3A_1387 : vector<16xf32>
      %get3A_1389 = arith.constant 1728 : index
      %get3A_1390 = tpu.vector_load %arg8[%get3A_1389] {strides = array<i32>} : memref<2048xi32, #tpu.memory_space<vmem>>, vector<16xi32>,
      %gather3A_1391 = tpu.vector_load_idx %arg10[%get3A_1390] : memref<2048xi32, #tpu.memory_space<vmem>>[vector<16xi32>], vector<16xi32>,
      %gather3A_1392 = tpu.vector_load_idx %arg11[%gather3A_1391] : memref<2056xf32, #tpu.memory_space<vmem>>[vector<16xi32>], vector<16xf32>,
      %get3A_1393 = arith.constant 1728 : index
      %get3A_1394 = tpu.vector_load %arg9[%get3A_1393] {strides = array<i32>} : memref<2048xf32, #tpu.memory_space<vmem>>, vector<16xf32>,
      %mul3A_1395 = arith.mulf %get3A_1394, %gather3A_1392 : vector<16xf32>
      %add3A_1396 = arith.addf %add3A_1388, %mul3A_1395 : vector<16xf32>
      %get3A_1397 = arith.constant 1744 : index
      %get3A_1398 = tpu.vector_load %arg8[%get3A_1397] {strides = array<i32>} : memref<2048xi32, #tpu.memory_space<vmem>>, vector<16xi32>,
      %gather3A_1399 = tpu.vector_load_idx %arg10[%get3A_1398] : memref<2048xi32, #tpu.memory_space<vmem>>[vector<16xi32>], vector<16xi32>,
      %gather3A_1400 = tpu.vector_load_idx %arg11[%gather3A_1399] : memref<2056xf32, #tpu.memory_space<vmem>>[vector<16xi32>], vector<16xf32>,
      %get3A_1401 = arith.constant 1744 : index
      %get3A_1402 = tpu.vector_load %arg9[%get3A_1401] {strides = array<i32>} : memref<2048xf32, #tpu.memory_space<vmem>>, vector<16xf32>,
      %mul3A_1403 = arith.mulf %get3A_1402, %gather3A_1400 : vector<16xf32>
      %add3A_1404 = arith.addf %add3A_1396, %mul3A_1403 : vector<16xf32>
      %get3A_1405 = arith.constant 1760 : index
      %get3A_1406 = tpu.vector_load %arg8[%get3A_1405] {strides = array<i32>} : memref<2048xi32, #tpu.memory_space<vmem>>, vector<16xi32>,
      %gather3A_1407 = tpu.vector_load_idx %arg10[%get3A_1406] : memref<2048xi32, #tpu.memory_space<vmem>>[vector<16xi32>], vector<16xi32>,
      %gather3A_1408 = tpu.vector_load_idx %arg11[%gather3A_1407] : memref<2056xf32, #tpu.memory_space<vmem>>[vector<16xi32>], vector<16xf32>,
      %get3A_1409 = arith.constant 1760 : index
      %get3A_1410 = tpu.vector_load %arg9[%get3A_1409] {strides = array<i32>} : memref<2048xf32, #tpu.memory_space<vmem>>, vector<16xf32>,
      %mul3A_1411 = arith.mulf %get3A_1410, %gather3A_1408 : vector<16xf32>
      %add3A_1412 = arith.addf %add3A_1404, %mul3A_1411 : vector<16xf32>
      %get3A_1413 = arith.constant 1776 : index
      %get3A_1414 = tpu.vector_load %arg8[%get3A_1413] {strides = array<i32>} : memref<2048xi32, #tpu.memory_space<vmem>>, vector<16xi32>,
      %gather3A_1415 = tpu.vector_load_idx %arg10[%get3A_1414] : memref<2048xi32, #tpu.memory_space<vmem>>[vector<16xi32>], vector<16xi32>,
      %gather3A_1416 = tpu.vector_load_idx %arg11[%gather3A_1415] : memref<2056xf32, #tpu.memory_space<vmem>>[vector<16xi32>], vector<16xf32>,
      %get3A_1417 = arith.constant 1776 : index
      %get3A_1418 = tpu.vector_load %arg9[%get3A_1417] {strides = array<i32>} : memref<2048xf32, #tpu.memory_space<vmem>>, vector<16xf32>,
      %mul3A_1419 = arith.mulf %get3A_1418, %gather3A_1416 : vector<16xf32>
      %add3A_1420 = arith.addf %add3A_1412, %mul3A_1419 : vector<16xf32>
      %get3A_1421 = arith.constant 1792 : index
      %get3A_1422 = tpu.vector_load %arg8[%get3A_1421] {strides = array<i32>} : memref<2048xi32, #tpu.memory_space<vmem>>, vector<16xi32>,
      %gather3A_1423 = tpu.vector_load_idx %arg10[%get3A_1422] : memref<2048xi32, #tpu.memory_space<vmem>>[vector<16xi32>], vector<16xi32>,
      %gather3A_1424 = tpu.vector_load_idx %arg11[%gather3A_1423] : memref<2056xf32, #tpu.memory_space<vmem>>[vector<16xi32>], vector<16xf32>,
      %get3A_1425 = arith.constant 1792 : index
      %get3A_1426 = tpu.vector_load %arg9[%get3A_1425] {strides = array<i32>} : memref<2048xf32, #tpu.memory_space<vmem>>, vector<16xf32>,
      %mul3A_1427 = arith.mulf %get3A_1426, %gather3A_1424 : vector<16xf32>
      %add3A_1428 = arith.addf %add3A_1420, %mul3A_1427 : vector<16xf32>
      %get3A_1429 = arith.constant 1808 : index
      %get3A_1430 = tpu.vector_load %arg8[%get3A_1429] {strides = array<i32>} : memref<2048xi32, #tpu.memory_space<vmem>>, vector<16xi32>,
      %gather3A_1431 = tpu.vector_load_idx %arg10[%get3A_1430] : memref<2048xi32, #tpu.memory_space<vmem>>[vector<16xi32>], vector<16xi32>,
      %gather3A_1432 = tpu.vector_load_idx %arg11[%gather3A_1431] : memref<2056xf32, #tpu.memory_space<vmem>>[vector<16xi32>], vector<16xf32>,
      %get3A_1433 = arith.constant 1808 : index
      %get3A_1434 = tpu.vector_load %arg9[%get3A_1433] {strides = array<i32>} : memref<2048xf32, #tpu.memory_space<vmem>>, vector<16xf32>,
      %mul3A_1435 = arith.mulf %get3A_1434, %gather3A_1432 : vector<16xf32>
      %add3A_1436 = arith.addf %add3A_1428, %mul3A_1435 : vector<16xf32>
      %get3A_1437 = arith.constant 1824 : index
      %get3A_1438 = tpu.vector_load %arg8[%get3A_1437] {strides = array<i32>} : memref<2048xi32, #tpu.memory_space<vmem>>, vector<16xi32>,
      %gather3A_1439 = tpu.vector_load_idx %arg10[%get3A_1438] : memref<2048xi32, #tpu.memory_space<vmem>>[vector<16xi32>], vector<16xi32>,
      %gather3A_1440 = tpu.vector_load_idx %arg11[%gather3A_1439] : memref<2056xf32, #tpu.memory_space<vmem>>[vector<16xi32>], vector<16xf32>,
      %get3A_1441 = arith.constant 1824 : index
      %get3A_1442 = tpu.vector_load %arg9[%get3A_1441] {strides = array<i32>} : memref<2048xf32, #tpu.memory_space<vmem>>, vector<16xf32>,
      %mul3A_1443 = arith.mulf %get3A_1442, %gather3A_1440 : vector<16xf32>
      %add3A_1444 = arith.addf %add3A_1436, %mul3A_1443 : vector<16xf32>
      %get3A_1445 = arith.constant 1840 : index
      %get3A_1446 = tpu.vector_load %arg8[%get3A_1445] {strides = array<i32>} : memref<2048xi32, #tpu.memory_space<vmem>>, vector<16xi32>,
      %gather3A_1447 = tpu.vector_load_idx %arg10[%get3A_1446] : memref<2048xi32, #tpu.memory_space<vmem>>[vector<16xi32>], vector<16xi32>,
      %gather3A_1448 = tpu.vector_load_idx %arg11[%gather3A_1447] : memref<2056xf32, #tpu.memory_space<vmem>>[vector<16xi32>], vector<16xf32>,
      %get3A_1449 = arith.constant 1840 : index
      %get3A_1450 = tpu.vector_load %arg9[%get3A_1449] {strides = array<i32>} : memref<2048xf32, #tpu.memory_space<vmem>>, vector<16xf32>,
      %mul3A_1451 = arith.mulf %get3A_1450, %gather3A_1448 : vector<16xf32>
      %add3A_1452 = arith.addf %add3A_1444, %mul3A_1451 : vector<16xf32>
      %get3A_1453 = arith.constant 1856 : index
      %get3A_1454 = tpu.vector_load %arg8[%get3A_1453] {strides = array<i32>} : memref<2048xi32, #tpu.memory_space<vmem>>, vector<16xi32>,
      %gather3A_1455 = tpu.vector_load_idx %arg10[%get3A_1454] : memref<2048xi32, #tpu.memory_space<vmem>>[vector<16xi32>], vector<16xi32>,
      %gather3A_1456 = tpu.vector_load_idx %arg11[%gather3A_1455] : memref<2056xf32, #tpu.memory_space<vmem>>[vector<16xi32>], vector<16xf32>,
      %get3A_1457 = arith.constant 1856 : index
      %get3A_1458 = tpu.vector_load %arg9[%get3A_1457] {strides = array<i32>} : memref<2048xf32, #tpu.memory_space<vmem>>, vector<16xf32>,
      %mul3A_1459 = arith.mulf %get3A_1458, %gather3A_1456 : vector<16xf32>
      %add3A_1460 = arith.addf %add3A_1452, %mul3A_1459 : vector<16xf32>
      %get3A_1461 = arith.constant 1872 : index
      %get3A_1462 = tpu.vector_load %arg8[%get3A_1461] {strides = array<i32>} : memref<2048xi32, #tpu.memory_space<vmem>>, vector<16xi32>,
      %gather3A_1463 = tpu.vector_load_idx %arg10[%get3A_1462] : memref<2048xi32, #tpu.memory_space<vmem>>[vector<16xi32>], vector<16xi32>,
      %gather3A_1464 = tpu.vector_load_idx %arg11[%gather3A_1463] : memref<2056xf32, #tpu.memory_space<vmem>>[vector<16xi32>], vector<16xf32>,
      %get3A_1465 = arith.constant 1872 : index
      %get3A_1466 = tpu.vector_load %arg9[%get3A_1465] {strides = array<i32>} : memref<2048xf32, #tpu.memory_space<vmem>>, vector<16xf32>,
      %mul3A_1467 = arith.mulf %get3A_1466, %gather3A_1464 : vector<16xf32>
      %add3A_1468 = arith.addf %add3A_1460, %mul3A_1467 : vector<16xf32>
      %get3A_1469 = arith.constant 1888 : index
      %get3A_1470 = tpu.vector_load %arg8[%get3A_1469] {strides = array<i32>} : memref<2048xi32, #tpu.memory_space<vmem>>, vector<16xi32>,
      %gather3A_1471 = tpu.vector_load_idx %arg10[%get3A_1470] : memref<2048xi32, #tpu.memory_space<vmem>>[vector<16xi32>], vector<16xi32>,
      %gather3A_1472 = tpu.vector_load_idx %arg11[%gather3A_1471] : memref<2056xf32, #tpu.memory_space<vmem>>[vector<16xi32>], vector<16xf32>,
      %get3A_1473 = arith.constant 1888 : index
      %get3A_1474 = tpu.vector_load %arg9[%get3A_1473] {strides = array<i32>} : memref<2048xf32, #tpu.memory_space<vmem>>, vector<16xf32>,
      %mul3A_1475 = arith.mulf %get3A_1474, %gather3A_1472 : vector<16xf32>
      %add3A_1476 = arith.addf %add3A_1468, %mul3A_1475 : vector<16xf32>
      %get3A_1477 = arith.constant 1904 : index
      %get3A_1478 = tpu.vector_load %arg8[%get3A_1477] {strides = array<i32>} : memref<2048xi32, #tpu.memory_space<vmem>>, vector<16xi32>,
      %gather3A_1479 = tpu.vector_load_idx %arg10[%get3A_1478] : memref<2048xi32, #tpu.memory_space<vmem>>[vector<16xi32>], vector<16xi32>,
      %gather3A_1480 = tpu.vector_load_idx %arg11[%gather3A_1479] : memref<2056xf32, #tpu.memory_space<vmem>>[vector<16xi32>], vector<16xf32>,
      %get3A_1481 = arith.constant 1904 : index
      %get3A_1482 = tpu.vector_load %arg9[%get3A_1481] {strides = array<i32>} : memref<2048xf32, #tpu.memory_space<vmem>>, vector<16xf32>,
      %mul3A_1483 = arith.mulf %get3A_1482, %gather3A_1480 : vector<16xf32>
      %add3A_1484 = arith.addf %add3A_1476, %mul3A_1483 : vector<16xf32>
      %get3A_1485 = arith.constant 1920 : index
      %get3A_1486 = tpu.vector_load %arg8[%get3A_1485] {strides = array<i32>} : memref<2048xi32, #tpu.memory_space<vmem>>, vector<16xi32>,
      %gather3A_1487 = tpu.vector_load_idx %arg10[%get3A_1486] : memref<2048xi32, #tpu.memory_space<vmem>>[vector<16xi32>], vector<16xi32>,
      %gather3A_1488 = tpu.vector_load_idx %arg11[%gather3A_1487] : memref<2056xf32, #tpu.memory_space<vmem>>[vector<16xi32>], vector<16xf32>,
      %get3A_1489 = arith.constant 1920 : index
      %get3A_1490 = tpu.vector_load %arg9[%get3A_1489] {strides = array<i32>} : memref<2048xf32, #tpu.memory_space<vmem>>, vector<16xf32>,
      %mul3A_1491 = arith.mulf %get3A_1490, %gather3A_1488 : vector<16xf32>
      %add3A_1492 = arith.addf %add3A_1484, %mul3A_1491 : vector<16xf32>
      %get3A_1493 = arith.constant 1936 : index
      %get3A_1494 = tpu.vector_load %arg8[%get3A_1493] {strides = array<i32>} : memref<2048xi32, #tpu.memory_space<vmem>>, vector<16xi32>,
      %gather3A_1495 = tpu.vector_load_idx %arg10[%get3A_1494] : memref<2048xi32, #tpu.memory_space<vmem>>[vector<16xi32>], vector<16xi32>,
      %gather3A_1496 = tpu.vector_load_idx %arg11[%gather3A_1495] : memref<2056xf32, #tpu.memory_space<vmem>>[vector<16xi32>], vector<16xf32>,
      %get3A_1497 = arith.constant 1936 : index
      %get3A_1498 = tpu.vector_load %arg9[%get3A_1497] {strides = array<i32>} : memref<2048xf32, #tpu.memory_space<vmem>>, vector<16xf32>,
      %mul3A_1499 = arith.mulf %get3A_1498, %gather3A_1496 : vector<16xf32>
      %add3A_1500 = arith.addf %add3A_1492, %mul3A_1499 : vector<16xf32>
      %get3A_1501 = arith.constant 1952 : index
      %get3A_1502 = tpu.vector_load %arg8[%get3A_1501] {strides = array<i32>} : memref<2048xi32, #tpu.memory_space<vmem>>, vector<16xi32>,
      %gather3A_1503 = tpu.vector_load_idx %arg10[%get3A_1502] : memref<2048xi32, #tpu.memory_space<vmem>>[vector<16xi32>], vector<16xi32>,
      %gather3A_1504 = tpu.vector_load_idx %arg11[%gather3A_1503] : memref<2056xf32, #tpu.memory_space<vmem>>[vector<16xi32>], vector<16xf32>,
      %get3A_1505 = arith.constant 1952 : index
      %get3A_1506 = tpu.vector_load %arg9[%get3A_1505] {strides = array<i32>} : memref<2048xf32, #tpu.memory_space<vmem>>, vector<16xf32>,
      %mul3A_1507 = arith.mulf %get3A_1506, %gather3A_1504 : vector<16xf32>
      %add3A_1508 = arith.addf %add3A_1500, %mul3A_1507 : vector<16xf32>
      %get3A_1509 = arith.constant 1968 : index
      %get3A_1510 = tpu.vector_load %arg8[%get3A_1509] {strides = array<i32>} : memref<2048xi32, #tpu.memory_space<vmem>>, vector<16xi32>,
      %gather3A_1511 = tpu.vector_load_idx %arg10[%get3A_1510] : memref<2048xi32, #tpu.memory_space<vmem>>[vector<16xi32>], vector<16xi32>,
      %gather3A_1512 = tpu.vector_load_idx %arg11[%gather3A_1511] : memref<2056xf32, #tpu.memory_space<vmem>>[vector<16xi32>], vector<16xf32>,
      %get3A_1513 = arith.constant 1968 : index
      %get3A_1514 = tpu.vector_load %arg9[%get3A_1513] {strides = array<i32>} : memref<2048xf32, #tpu.memory_space<vmem>>, vector<16xf32>,
      %mul3A_1515 = arith.mulf %get3A_1514, %gather3A_1512 : vector<16xf32>
      %add3A_1516 = arith.addf %add3A_1508, %mul3A_1515 : vector<16xf32>
      %get3A_1517 = arith.constant 1984 : index
      %get3A_1518 = tpu.vector_load %arg8[%get3A_1517] {strides = array<i32>} : memref<2048xi32, #tpu.memory_space<vmem>>, vector<16xi32>,
      %gather3A_1519 = tpu.vector_load_idx %arg10[%get3A_1518] : memref<2048xi32, #tpu.memory_space<vmem>>[vector<16xi32>], vector<16xi32>,
      %gather3A_1520 = tpu.vector_load_idx %arg11[%gather3A_1519] : memref<2056xf32, #tpu.memory_space<vmem>>[vector<16xi32>], vector<16xf32>,
      %get3A_1521 = arith.constant 1984 : index
      %get3A_1522 = tpu.vector_load %arg9[%get3A_1521] {strides = array<i32>} : memref<2048xf32, #tpu.memory_space<vmem>>, vector<16xf32>,
      %mul3A_1523 = arith.mulf %get3A_1522, %gather3A_1520 : vector<16xf32>
      %add3A_1524 = arith.addf %add3A_1516, %mul3A_1523 : vector<16xf32>
      %get3A_1525 = arith.constant 2000 : index
      %get3A_1526 = tpu.vector_load %arg8[%get3A_1525] {strides = array<i32>} : memref<2048xi32, #tpu.memory_space<vmem>>, vector<16xi32>,
      %gather3A_1527 = tpu.vector_load_idx %arg10[%get3A_1526] : memref<2048xi32, #tpu.memory_space<vmem>>[vector<16xi32>], vector<16xi32>,
      %gather3A_1528 = tpu.vector_load_idx %arg11[%gather3A_1527] : memref<2056xf32, #tpu.memory_space<vmem>>[vector<16xi32>], vector<16xf32>,
      %get3A_1529 = arith.constant 2000 : index
      %get3A_1530 = tpu.vector_load %arg9[%get3A_1529] {strides = array<i32>} : memref<2048xf32, #tpu.memory_space<vmem>>, vector<16xf32>,
      %mul3A_1531 = arith.mulf %get3A_1530, %gather3A_1528 : vector<16xf32>
      %add3A_1532 = arith.addf %add3A_1524, %mul3A_1531 : vector<16xf32>
      %get3A_1533 = arith.constant 2016 : index
      %get3A_1534 = tpu.vector_load %arg8[%get3A_1533] {strides = array<i32>} : memref<2048xi32, #tpu.memory_space<vmem>>, vector<16xi32>,
      %gather3A_1535 = tpu.vector_load_idx %arg10[%get3A_1534] : memref<2048xi32, #tpu.memory_space<vmem>>[vector<16xi32>], vector<16xi32>,
      %gather3A_1536 = tpu.vector_load_idx %arg11[%gather3A_1535] : memref<2056xf32, #tpu.memory_space<vmem>>[vector<16xi32>], vector<16xf32>,
      %get3A_1537 = arith.constant 2016 : index
      %get3A_1538 = tpu.vector_load %arg9[%get3A_1537] {strides = array<i32>} : memref<2048xf32, #tpu.memory_space<vmem>>, vector<16xf32>,
      %mul3A_1539 = arith.mulf %get3A_1538, %gather3A_1536 : vector<16xf32>
      %add3A_1540 = arith.addf %add3A_1532, %mul3A_1539 : vector<16xf32>
      %get3A_1541 = arith.constant 2032 : index
      %get3A_1542 = tpu.vector_load %arg8[%get3A_1541] {strides = array<i32>} : memref<2048xi32, #tpu.memory_space<vmem>>, vector<16xi32>,
      %gather3A_1543 = tpu.vector_load_idx %arg10[%get3A_1542] : memref<2048xi32, #tpu.memory_space<vmem>>[vector<16xi32>], vector<16xi32>,
      %gather3A_1544 = tpu.vector_load_idx %arg11[%gather3A_1543] : memref<2056xf32, #tpu.memory_space<vmem>>[vector<16xi32>], vector<16xf32>,
      %get3A_1545 = arith.constant 2032 : index
      %get3A_1546 = tpu.vector_load %arg9[%get3A_1545] {strides = array<i32>} : memref<2048xf32, #tpu.memory_space<vmem>>, vector<16xf32>,
      %mul3A_1547 = arith.mulf %get3A_1546, %gather3A_1544 : vector<16xf32>
      %add3A_1548 = arith.addf %add3A_1540, %mul3A_1547 : vector<16xf32>
      %swap3A_1549 = arith.constant 0 : index
      %swap3A_1550 = tpu.vector_load %arg12[%swap3A_1549] {strides = array<i32>} : memref<16xf32, #tpu.memory_space<vmem>>, vector<16xf32>,
      tpu.vector_store %arg12[%swap3A_1549], %add3A_1548 {strides = array<i32>} : memref<16xf32, #tpu.memory_space<vmem>>, vector<16xf32>,
      %mul3A_1551 = arith.constant 2 : i32
      %mul3A_1552 = arith.muli %arg1, %mul3A_1551 : i32
      %add3A_1553 = arith.addi %mul3A_1552, %arg0 : i32
      %mul3A_1554 = arith.constant 16 : i32
      %mul3A_1555 = arith.muli %add3A_1553, %mul3A_1554 : i32
      "tpu.region"() ({
        %run_scoped3A = tpu.sem_alloc : memref<!tpu.dma_semaphore, #tpu.memory_space<semaphore_mem>>
        %dma_start3A = tpu.memref_slice %arg7[%mul3A_1555] : memref<256xf32, #tpu.memory_space<hbm>> -> memref<16xf32, #tpu.memory_space<hbm>>
        %dma_start3A_1556 = tpu.memref_slice %arg7[%mul3A_1555] : memref<256xf32, #tpu.memory_space<hbm>> -> memref<16xf32, #tpu.memory_space<hbm>>
        tpu.enqueue_dma source(%arg12 : memref<16xf32, #tpu.memory_space<vmem>>) target(%dma_start3A_1556 : memref<16xf32, #tpu.memory_space<hbm>>) target_semaphore(%run_scoped3A : memref<!tpu.dma_semaphore, #tpu.memory_space<semaphore_mem>>)
        %dma_wait3A = tpu.memref_slice %arg7[%mul3A_1555] : memref<256xf32, #tpu.memory_space<hbm>> -> memref<16xf32, #tpu.memory_space<hbm>>
        %dma_wait3A_1557 = tpu.memref_slice %arg7[%mul3A_1555] : memref<256xf32, #tpu.memory_space<hbm>> -> memref<16xf32, #tpu.memory_space<hbm>>
        tpu.wait_dma2 semaphore(%run_scoped3A : memref<!tpu.dma_semaphore, #tpu.memory_space<semaphore_mem>>) src(%arg12 : memref<16xf32, #tpu.memory_space<vmem>>) dst(%dma_wait3A_1557 : memref<16xf32, #tpu.memory_space<hbm>>)
        tpu.yield
      }) : () -> ()
    } else {
    }
    return
  }
}

module attributes {stable_mosaic.version = 14 : i64} {
  func.func @_dist_kernel(%arg0: i32, %arg1: memref<1x2048x8xf32, #tpu.memory_space<vmem>>, %arg2: memref<1x8x2048xf32, #tpu.memory_space<vmem>>, %arg3: memref<1x2048x1xf32, #tpu.memory_space<vmem>>, %arg4: memref<1x2048x1xi32, #tpu.memory_space<vmem>>, %arg5: memref<1x1x2048xf32, #tpu.memory_space<vmem>>, %arg6: memref<1x1x2048xi32, #tpu.memory_space<vmem>>) attributes {dimension_semantics = [#tpu.dimension_semantics<parallel>], iteration_bounds = array<i64: 8>, scalar_prefetch = 0 : i64, scratch_operands = 0 : i64, tpu.core_type = #tpu.core_type<tc>, window_params = [{transform_indices = @transform_0, window_bounds = array<i64: 1, 2048, 8>}, {transform_indices = @transform_1, window_bounds = array<i64: 1, 8, 2048>}, {transform_indices = @transform_2, window_bounds = array<i64: 1, 2048, 1>}, {transform_indices = @transform_3, window_bounds = array<i64: 1, 2048, 1>}, {transform_indices = @transform_4, window_bounds = array<i64: 1, 1, 2048>}, {transform_indices = @transform_5, window_bounds = array<i64: 1, 1, 2048>}]} {
    %get3A = arith.constant 0 : index
    %get3A_0 = arith.constant 0 : index
    %get3A_1 = arith.constant 0 : index
    %get3A_2 = vector.load %arg1[%get3A, %get3A_0, %get3A_1] : memref<1x2048x8xf32, #tpu.memory_space<vmem>>, vector<1x2048x8xf32>
    %get3A_3 = vector.shape_cast %get3A_2 : vector<1x2048x8xf32> to vector<2048x8xf32>
    %get3A_4 = arith.constant 0 : index
    %get3A_5 = arith.constant 0 : index
    %get3A_6 = arith.constant 0 : index
    %get3A_7 = vector.load %arg2[%get3A_4, %get3A_5, %get3A_6] : memref<1x8x2048xf32, #tpu.memory_space<vmem>>, vector<1x8x2048xf32>
    %get3A_8 = vector.shape_cast %get3A_7 : vector<1x8x2048xf32> to vector<8x2048xf32>
    %slice3A = vector.extract_strided_slice %get3A_8 {offsets = [0, 0], sizes = [1, 2048], strides = [1, 1]} : vector<8x2048xf32> to vector<1x2048xf32>
    %slice3A_9 = vector.extract_strided_slice %get3A_8 {offsets = [1, 0], sizes = [1, 2048], strides = [1, 1]} : vector<8x2048xf32> to vector<1x2048xf32>
    %slice3A_10 = vector.extract_strided_slice %get3A_8 {offsets = [2, 0], sizes = [1, 2048], strides = [1, 1]} : vector<8x2048xf32> to vector<1x2048xf32>
    %iota3A = tpu.iota {dimensions = array<i32: 1>} : vector<512x2048xi32>
    %iota3A_11 = tpu.iota {dimensions = array<i32: 0>} : vector<512x2048xi32>
    %broadcast_in_dim3A = arith.constant 0x7F800000 : f32
    %broadcast_in_dim3A_12 = vector.broadcast %broadcast_in_dim3A : f32 to vector<1x2048xf32>
    %broadcast_in_dim3A_13 = arith.constant 0 : i32
    %broadcast_in_dim3A_14 = vector.broadcast %broadcast_in_dim3A_13 : i32 to vector<1x2048xi32>
    %slice3A_15 = vector.extract_strided_slice %get3A_3 {offsets = [0, 0], sizes = [512, 1], strides = [1, 1]} : vector<2048x8xf32> to vector<512x1xf32>
    %slice3A_16 = vector.extract_strided_slice %get3A_3 {offsets = [0, 1], sizes = [512, 1], strides = [1, 1]} : vector<2048x8xf32> to vector<512x1xf32>
    %slice3A_17 = vector.extract_strided_slice %get3A_3 {offsets = [0, 2], sizes = [512, 1], strides = [1, 1]} : vector<2048x8xf32> to vector<512x1xf32>
    %sub3A = vector.broadcast %slice3A_15 : vector<512x1xf32> to vector<512x2048xf32>
    %sub3A_18 = vector.broadcast %slice3A : vector<1x2048xf32> to vector<512x2048xf32>
    %sub3A_19 = arith.subf %sub3A, %sub3A_18 : vector<512x2048xf32>
    %integer_pow3A = arith.mulf %sub3A_19, %sub3A_19 : vector<512x2048xf32>
    %sub3A_20 = vector.broadcast %slice3A_16 : vector<512x1xf32> to vector<512x2048xf32>
    %sub3A_21 = vector.broadcast %slice3A_9 : vector<1x2048xf32> to vector<512x2048xf32>
    %sub3A_22 = arith.subf %sub3A_20, %sub3A_21 : vector<512x2048xf32>
    %integer_pow3A_23 = arith.mulf %sub3A_22, %sub3A_22 : vector<512x2048xf32>
    %add3A = arith.addf %integer_pow3A, %integer_pow3A_23 : vector<512x2048xf32>
    %sub3A_24 = vector.broadcast %slice3A_17 : vector<512x1xf32> to vector<512x2048xf32>
    %sub3A_25 = vector.broadcast %slice3A_10 : vector<1x2048xf32> to vector<512x2048xf32>
    %sub3A_26 = arith.subf %sub3A_24, %sub3A_25 : vector<512x2048xf32>
    %integer_pow3A_27 = arith.mulf %sub3A_26, %sub3A_26 : vector<512x2048xf32>
    %add3A_28 = arith.addf %add3A, %integer_pow3A_27 : vector<512x2048xf32>
    %reduce_min3A = arith.constant dense<0x7F800000> : vector<512xf32>
    %reduce_min3A_29 = vector.multi_reduction <minimumf>, %add3A_28, %reduce_min3A [1] : vector<512x2048xf32> to vector<512xf32>
    %broadcast_in_dim3A_30 = vector.shape_cast %reduce_min3A_29 : vector<512xf32> to vector<512x1xf32>
    %eq3A = vector.broadcast %broadcast_in_dim3A_30 : vector<512x1xf32> to vector<512x2048xf32>
    %eq3A_31 = arith.cmpf oeq, %add3A_28, %eq3A : vector<512x2048xf32>
    %jit3A = arith.constant 1073741824 : i32
    %broadcast_in_dim3A_32 = vector.broadcast %jit3A : i32 to vector<512x2048xi32>
    %select_n3A = arith.select %eq3A_31, %iota3A, %broadcast_in_dim3A_32 : vector<512x2048xi1>, vector<512x2048xi32>
    %reduce_min3A_33 = arith.constant dense<2147483647> : vector<512xi32>
    %reduce_min3A_34 = vector.multi_reduction <minsi>, %select_n3A, %reduce_min3A_33 [1] : vector<512x2048xi32> to vector<512xi32>
    %broadcast_in_dim3A_35 = vector.shape_cast %reduce_min3A_34 : vector<512xi32> to vector<512x1xi32>
    %mul3A = arith.constant -5.000000e+01 : f32
    %mul3A_36 = vector.broadcast %mul3A : f32 to vector<512x1xf32>
    %mul3A_37 = arith.mulf %mul3A_36, %broadcast_in_dim3A_30 : vector<512x1xf32>
    %exp3A = math.exp %mul3A_37 : vector<512x1xf32>
    %swap3A = arith.constant 0 : index
    %swap3A_38 = arith.constant 0 : index
    %swap3A_39 = arith.constant 0 : index
    %swap3A_40 = vector.load %arg3[%swap3A, %swap3A_38, %swap3A_39] : memref<1x2048x1xf32, #tpu.memory_space<vmem>>, vector<1x512x1xf32>
    %swap3A_41 = vector.shape_cast %swap3A_40 : vector<1x512x1xf32> to vector<512x1xf32>
    %swap3A_42 = vector.shape_cast %exp3A : vector<512x1xf32> to vector<1x512x1xf32>
    tpu.vector_store %arg3[%swap3A, %swap3A_38, %swap3A_39], %swap3A_42 {strides = array<i32>} : memref<1x2048x1xf32, #tpu.memory_space<vmem>>, vector<1x512x1xf32>,
    %swap3A_43 = arith.constant 0 : index
    %swap3A_44 = arith.constant 0 : index
    %swap3A_45 = arith.constant 0 : index
    %swap3A_46 = vector.load %arg4[%swap3A_43, %swap3A_44, %swap3A_45] : memref<1x2048x1xi32, #tpu.memory_space<vmem>>, vector<1x512x1xi32>
    %swap3A_47 = vector.shape_cast %swap3A_46 : vector<1x512x1xi32> to vector<512x1xi32>
    %swap3A_48 = vector.shape_cast %broadcast_in_dim3A_35 : vector<512x1xi32> to vector<1x512x1xi32>
    tpu.vector_store %arg4[%swap3A_43, %swap3A_44, %swap3A_45], %swap3A_48 {strides = array<i32>} : memref<1x2048x1xi32, #tpu.memory_space<vmem>>, vector<1x512x1xi32>,
    %reduce_min3A_49 = arith.constant dense<0x7F800000> : vector<2048xf32>
    %reduce_min3A_50 = vector.multi_reduction <minimumf>, %add3A_28, %reduce_min3A_49 [0] : vector<512x2048xf32> to vector<2048xf32>
    %broadcast_in_dim3A_51 = vector.shape_cast %reduce_min3A_50 : vector<2048xf32> to vector<1x2048xf32>
    %eq3A_52 = vector.broadcast %broadcast_in_dim3A_51 : vector<1x2048xf32> to vector<512x2048xf32>
    %eq3A_53 = arith.cmpf oeq, %add3A_28, %eq3A_52 : vector<512x2048xf32>
    %add3A_54 = arith.constant 0 : i32
    %add3A_55 = vector.broadcast %add3A_54 : i32 to vector<512x2048xi32>
    %add3A_56 = arith.addi %iota3A_11, %add3A_55 : vector<512x2048xi32>
    %jit3A_57 = arith.constant 1073741824 : i32
    %broadcast_in_dim3A_58 = vector.broadcast %jit3A_57 : i32 to vector<512x2048xi32>
    %select_n3A_59 = arith.select %eq3A_53, %add3A_56, %broadcast_in_dim3A_58 : vector<512x2048xi1>, vector<512x2048xi32>
    %reduce_min3A_60 = arith.constant dense<2147483647> : vector<2048xi32>
    %reduce_min3A_61 = vector.multi_reduction <minsi>, %select_n3A_59, %reduce_min3A_60 [0] : vector<512x2048xi32> to vector<2048xi32>
    %broadcast_in_dim3A_62 = vector.shape_cast %reduce_min3A_61 : vector<2048xi32> to vector<1x2048xi32>
    %lt3A = arith.cmpf olt, %broadcast_in_dim3A_51, %broadcast_in_dim3A_12 : vector<1x2048xf32>
    %select_n3A_63 = arith.select %lt3A, %broadcast_in_dim3A_51, %broadcast_in_dim3A_12 : vector<1x2048xi1>, vector<1x2048xf32>
    %select_n3A_64 = arith.select %lt3A, %broadcast_in_dim3A_62, %broadcast_in_dim3A_14 : vector<1x2048xi1>, vector<1x2048xi32>
    %slice3A_65 = vector.extract_strided_slice %get3A_3 {offsets = [512, 0], sizes = [512, 1], strides = [1, 1]} : vector<2048x8xf32> to vector<512x1xf32>
    %slice3A_66 = vector.extract_strided_slice %get3A_3 {offsets = [512, 1], sizes = [512, 1], strides = [1, 1]} : vector<2048x8xf32> to vector<512x1xf32>
    %slice3A_67 = vector.extract_strided_slice %get3A_3 {offsets = [512, 2], sizes = [512, 1], strides = [1, 1]} : vector<2048x8xf32> to vector<512x1xf32>
    %sub3A_68 = vector.broadcast %slice3A_65 : vector<512x1xf32> to vector<512x2048xf32>
    %sub3A_69 = vector.broadcast %slice3A : vector<1x2048xf32> to vector<512x2048xf32>
    %sub3A_70 = arith.subf %sub3A_68, %sub3A_69 : vector<512x2048xf32>
    %integer_pow3A_71 = arith.mulf %sub3A_70, %sub3A_70 : vector<512x2048xf32>
    %sub3A_72 = vector.broadcast %slice3A_66 : vector<512x1xf32> to vector<512x2048xf32>
    %sub3A_73 = vector.broadcast %slice3A_9 : vector<1x2048xf32> to vector<512x2048xf32>
    %sub3A_74 = arith.subf %sub3A_72, %sub3A_73 : vector<512x2048xf32>
    %integer_pow3A_75 = arith.mulf %sub3A_74, %sub3A_74 : vector<512x2048xf32>
    %add3A_76 = arith.addf %integer_pow3A_71, %integer_pow3A_75 : vector<512x2048xf32>
    %sub3A_77 = vector.broadcast %slice3A_67 : vector<512x1xf32> to vector<512x2048xf32>
    %sub3A_78 = vector.broadcast %slice3A_10 : vector<1x2048xf32> to vector<512x2048xf32>
    %sub3A_79 = arith.subf %sub3A_77, %sub3A_78 : vector<512x2048xf32>
    %integer_pow3A_80 = arith.mulf %sub3A_79, %sub3A_79 : vector<512x2048xf32>
    %add3A_81 = arith.addf %add3A_76, %integer_pow3A_80 : vector<512x2048xf32>
    %reduce_min3A_82 = arith.constant dense<0x7F800000> : vector<512xf32>
    %reduce_min3A_83 = vector.multi_reduction <minimumf>, %add3A_81, %reduce_min3A_82 [1] : vector<512x2048xf32> to vector<512xf32>
    %broadcast_in_dim3A_84 = vector.shape_cast %reduce_min3A_83 : vector<512xf32> to vector<512x1xf32>
    %eq3A_85 = vector.broadcast %broadcast_in_dim3A_84 : vector<512x1xf32> to vector<512x2048xf32>
    %eq3A_86 = arith.cmpf oeq, %add3A_81, %eq3A_85 : vector<512x2048xf32>
    %jit3A_87 = arith.constant 1073741824 : i32
    %broadcast_in_dim3A_88 = vector.broadcast %jit3A_87 : i32 to vector<512x2048xi32>
    %select_n3A_89 = arith.select %eq3A_86, %iota3A, %broadcast_in_dim3A_88 : vector<512x2048xi1>, vector<512x2048xi32>
    %reduce_min3A_90 = arith.constant dense<2147483647> : vector<512xi32>
    %reduce_min3A_91 = vector.multi_reduction <minsi>, %select_n3A_89, %reduce_min3A_90 [1] : vector<512x2048xi32> to vector<512xi32>
    %broadcast_in_dim3A_92 = vector.shape_cast %reduce_min3A_91 : vector<512xi32> to vector<512x1xi32>
    %mul3A_93 = arith.constant -5.000000e+01 : f32
    %mul3A_94 = vector.broadcast %mul3A_93 : f32 to vector<512x1xf32>
    %mul3A_95 = arith.mulf %mul3A_94, %broadcast_in_dim3A_84 : vector<512x1xf32>
    %exp3A_96 = math.exp %mul3A_95 : vector<512x1xf32>
    %swap3A_97 = arith.constant 0 : index
    %swap3A_98 = arith.constant 512 : index
    %swap3A_99 = arith.constant 0 : index
    %swap3A_100 = vector.load %arg3[%swap3A_97, %swap3A_98, %swap3A_99] : memref<1x2048x1xf32, #tpu.memory_space<vmem>>, vector<1x512x1xf32>
    %swap3A_101 = vector.shape_cast %swap3A_100 : vector<1x512x1xf32> to vector<512x1xf32>
    %swap3A_102 = vector.shape_cast %exp3A_96 : vector<512x1xf32> to vector<1x512x1xf32>
    tpu.vector_store %arg3[%swap3A_97, %swap3A_98, %swap3A_99], %swap3A_102 {strides = array<i32>} : memref<1x2048x1xf32, #tpu.memory_space<vmem>>, vector<1x512x1xf32>,
    %swap3A_103 = arith.constant 0 : index
    %swap3A_104 = arith.constant 512 : index
    %swap3A_105 = arith.constant 0 : index
    %swap3A_106 = vector.load %arg4[%swap3A_103, %swap3A_104, %swap3A_105] : memref<1x2048x1xi32, #tpu.memory_space<vmem>>, vector<1x512x1xi32>
    %swap3A_107 = vector.shape_cast %swap3A_106 : vector<1x512x1xi32> to vector<512x1xi32>
    %swap3A_108 = vector.shape_cast %broadcast_in_dim3A_92 : vector<512x1xi32> to vector<1x512x1xi32>
    tpu.vector_store %arg4[%swap3A_103, %swap3A_104, %swap3A_105], %swap3A_108 {strides = array<i32>} : memref<1x2048x1xi32, #tpu.memory_space<vmem>>, vector<1x512x1xi32>,
    %reduce_min3A_109 = arith.constant dense<0x7F800000> : vector<2048xf32>
    %reduce_min3A_110 = vector.multi_reduction <minimumf>, %add3A_81, %reduce_min3A_109 [0] : vector<512x2048xf32> to vector<2048xf32>
    %broadcast_in_dim3A_111 = vector.shape_cast %reduce_min3A_110 : vector<2048xf32> to vector<1x2048xf32>
    %eq3A_112 = vector.broadcast %broadcast_in_dim3A_111 : vector<1x2048xf32> to vector<512x2048xf32>
    %eq3A_113 = arith.cmpf oeq, %add3A_81, %eq3A_112 : vector<512x2048xf32>
    %add3A_114 = arith.constant 512 : i32
    %add3A_115 = vector.broadcast %add3A_114 : i32 to vector<512x2048xi32>
    %add3A_116 = arith.addi %iota3A_11, %add3A_115 : vector<512x2048xi32>
    %jit3A_117 = arith.constant 1073741824 : i32
    %broadcast_in_dim3A_118 = vector.broadcast %jit3A_117 : i32 to vector<512x2048xi32>
    %select_n3A_119 = arith.select %eq3A_113, %add3A_116, %broadcast_in_dim3A_118 : vector<512x2048xi1>, vector<512x2048xi32>
    %reduce_min3A_120 = arith.constant dense<2147483647> : vector<2048xi32>
    %reduce_min3A_121 = vector.multi_reduction <minsi>, %select_n3A_119, %reduce_min3A_120 [0] : vector<512x2048xi32> to vector<2048xi32>
    %broadcast_in_dim3A_122 = vector.shape_cast %reduce_min3A_121 : vector<2048xi32> to vector<1x2048xi32>
    %lt3A_123 = arith.cmpf olt, %broadcast_in_dim3A_111, %select_n3A_63 : vector<1x2048xf32>
    %select_n3A_124 = arith.select %lt3A_123, %broadcast_in_dim3A_111, %select_n3A_63 : vector<1x2048xi1>, vector<1x2048xf32>
    %select_n3A_125 = arith.select %lt3A_123, %broadcast_in_dim3A_122, %select_n3A_64 : vector<1x2048xi1>, vector<1x2048xi32>
    %slice3A_126 = vector.extract_strided_slice %get3A_3 {offsets = [1024, 0], sizes = [512, 1], strides = [1, 1]} : vector<2048x8xf32> to vector<512x1xf32>
    %slice3A_127 = vector.extract_strided_slice %get3A_3 {offsets = [1024, 1], sizes = [512, 1], strides = [1, 1]} : vector<2048x8xf32> to vector<512x1xf32>
    %slice3A_128 = vector.extract_strided_slice %get3A_3 {offsets = [1024, 2], sizes = [512, 1], strides = [1, 1]} : vector<2048x8xf32> to vector<512x1xf32>
    %sub3A_129 = vector.broadcast %slice3A_126 : vector<512x1xf32> to vector<512x2048xf32>
    %sub3A_130 = vector.broadcast %slice3A : vector<1x2048xf32> to vector<512x2048xf32>
    %sub3A_131 = arith.subf %sub3A_129, %sub3A_130 : vector<512x2048xf32>
    %integer_pow3A_132 = arith.mulf %sub3A_131, %sub3A_131 : vector<512x2048xf32>
    %sub3A_133 = vector.broadcast %slice3A_127 : vector<512x1xf32> to vector<512x2048xf32>
    %sub3A_134 = vector.broadcast %slice3A_9 : vector<1x2048xf32> to vector<512x2048xf32>
    %sub3A_135 = arith.subf %sub3A_133, %sub3A_134 : vector<512x2048xf32>
    %integer_pow3A_136 = arith.mulf %sub3A_135, %sub3A_135 : vector<512x2048xf32>
    %add3A_137 = arith.addf %integer_pow3A_132, %integer_pow3A_136 : vector<512x2048xf32>
    %sub3A_138 = vector.broadcast %slice3A_128 : vector<512x1xf32> to vector<512x2048xf32>
    %sub3A_139 = vector.broadcast %slice3A_10 : vector<1x2048xf32> to vector<512x2048xf32>
    %sub3A_140 = arith.subf %sub3A_138, %sub3A_139 : vector<512x2048xf32>
    %integer_pow3A_141 = arith.mulf %sub3A_140, %sub3A_140 : vector<512x2048xf32>
    %add3A_142 = arith.addf %add3A_137, %integer_pow3A_141 : vector<512x2048xf32>
    %reduce_min3A_143 = arith.constant dense<0x7F800000> : vector<512xf32>
    %reduce_min3A_144 = vector.multi_reduction <minimumf>, %add3A_142, %reduce_min3A_143 [1] : vector<512x2048xf32> to vector<512xf32>
    %broadcast_in_dim3A_145 = vector.shape_cast %reduce_min3A_144 : vector<512xf32> to vector<512x1xf32>
    %eq3A_146 = vector.broadcast %broadcast_in_dim3A_145 : vector<512x1xf32> to vector<512x2048xf32>
    %eq3A_147 = arith.cmpf oeq, %add3A_142, %eq3A_146 : vector<512x2048xf32>
    %jit3A_148 = arith.constant 1073741824 : i32
    %broadcast_in_dim3A_149 = vector.broadcast %jit3A_148 : i32 to vector<512x2048xi32>
    %select_n3A_150 = arith.select %eq3A_147, %iota3A, %broadcast_in_dim3A_149 : vector<512x2048xi1>, vector<512x2048xi32>
    %reduce_min3A_151 = arith.constant dense<2147483647> : vector<512xi32>
    %reduce_min3A_152 = vector.multi_reduction <minsi>, %select_n3A_150, %reduce_min3A_151 [1] : vector<512x2048xi32> to vector<512xi32>
    %broadcast_in_dim3A_153 = vector.shape_cast %reduce_min3A_152 : vector<512xi32> to vector<512x1xi32>
    %mul3A_154 = arith.constant -5.000000e+01 : f32
    %mul3A_155 = vector.broadcast %mul3A_154 : f32 to vector<512x1xf32>
    %mul3A_156 = arith.mulf %mul3A_155, %broadcast_in_dim3A_145 : vector<512x1xf32>
    %exp3A_157 = math.exp %mul3A_156 : vector<512x1xf32>
    %swap3A_158 = arith.constant 0 : index
    %swap3A_159 = arith.constant 1024 : index
    %swap3A_160 = arith.constant 0 : index
    %swap3A_161 = vector.load %arg3[%swap3A_158, %swap3A_159, %swap3A_160] : memref<1x2048x1xf32, #tpu.memory_space<vmem>>, vector<1x512x1xf32>
    %swap3A_162 = vector.shape_cast %swap3A_161 : vector<1x512x1xf32> to vector<512x1xf32>
    %swap3A_163 = vector.shape_cast %exp3A_157 : vector<512x1xf32> to vector<1x512x1xf32>
    tpu.vector_store %arg3[%swap3A_158, %swap3A_159, %swap3A_160], %swap3A_163 {strides = array<i32>} : memref<1x2048x1xf32, #tpu.memory_space<vmem>>, vector<1x512x1xf32>,
    %swap3A_164 = arith.constant 0 : index
    %swap3A_165 = arith.constant 1024 : index
    %swap3A_166 = arith.constant 0 : index
    %swap3A_167 = vector.load %arg4[%swap3A_164, %swap3A_165, %swap3A_166] : memref<1x2048x1xi32, #tpu.memory_space<vmem>>, vector<1x512x1xi32>
    %swap3A_168 = vector.shape_cast %swap3A_167 : vector<1x512x1xi32> to vector<512x1xi32>
    %swap3A_169 = vector.shape_cast %broadcast_in_dim3A_153 : vector<512x1xi32> to vector<1x512x1xi32>
    tpu.vector_store %arg4[%swap3A_164, %swap3A_165, %swap3A_166], %swap3A_169 {strides = array<i32>} : memref<1x2048x1xi32, #tpu.memory_space<vmem>>, vector<1x512x1xi32>,
    %reduce_min3A_170 = arith.constant dense<0x7F800000> : vector<2048xf32>
    %reduce_min3A_171 = vector.multi_reduction <minimumf>, %add3A_142, %reduce_min3A_170 [0] : vector<512x2048xf32> to vector<2048xf32>
    %broadcast_in_dim3A_172 = vector.shape_cast %reduce_min3A_171 : vector<2048xf32> to vector<1x2048xf32>
    %eq3A_173 = vector.broadcast %broadcast_in_dim3A_172 : vector<1x2048xf32> to vector<512x2048xf32>
    %eq3A_174 = arith.cmpf oeq, %add3A_142, %eq3A_173 : vector<512x2048xf32>
    %add3A_175 = arith.constant 1024 : i32
    %add3A_176 = vector.broadcast %add3A_175 : i32 to vector<512x2048xi32>
    %add3A_177 = arith.addi %iota3A_11, %add3A_176 : vector<512x2048xi32>
    %jit3A_178 = arith.constant 1073741824 : i32
    %broadcast_in_dim3A_179 = vector.broadcast %jit3A_178 : i32 to vector<512x2048xi32>
    %select_n3A_180 = arith.select %eq3A_174, %add3A_177, %broadcast_in_dim3A_179 : vector<512x2048xi1>, vector<512x2048xi32>
    %reduce_min3A_181 = arith.constant dense<2147483647> : vector<2048xi32>
    %reduce_min3A_182 = vector.multi_reduction <minsi>, %select_n3A_180, %reduce_min3A_181 [0] : vector<512x2048xi32> to vector<2048xi32>
    %broadcast_in_dim3A_183 = vector.shape_cast %reduce_min3A_182 : vector<2048xi32> to vector<1x2048xi32>
    %lt3A_184 = arith.cmpf olt, %broadcast_in_dim3A_172, %select_n3A_124 : vector<1x2048xf32>
    %select_n3A_185 = arith.select %lt3A_184, %broadcast_in_dim3A_172, %select_n3A_124 : vector<1x2048xi1>, vector<1x2048xf32>
    %select_n3A_186 = arith.select %lt3A_184, %broadcast_in_dim3A_183, %select_n3A_125 : vector<1x2048xi1>, vector<1x2048xi32>
    %slice3A_187 = vector.extract_strided_slice %get3A_3 {offsets = [1536, 0], sizes = [512, 1], strides = [1, 1]} : vector<2048x8xf32> to vector<512x1xf32>
    %slice3A_188 = vector.extract_strided_slice %get3A_3 {offsets = [1536, 1], sizes = [512, 1], strides = [1, 1]} : vector<2048x8xf32> to vector<512x1xf32>
    %slice3A_189 = vector.extract_strided_slice %get3A_3 {offsets = [1536, 2], sizes = [512, 1], strides = [1, 1]} : vector<2048x8xf32> to vector<512x1xf32>
    %sub3A_190 = vector.broadcast %slice3A_187 : vector<512x1xf32> to vector<512x2048xf32>
    %sub3A_191 = vector.broadcast %slice3A : vector<1x2048xf32> to vector<512x2048xf32>
    %sub3A_192 = arith.subf %sub3A_190, %sub3A_191 : vector<512x2048xf32>
    %integer_pow3A_193 = arith.mulf %sub3A_192, %sub3A_192 : vector<512x2048xf32>
    %sub3A_194 = vector.broadcast %slice3A_188 : vector<512x1xf32> to vector<512x2048xf32>
    %sub3A_195 = vector.broadcast %slice3A_9 : vector<1x2048xf32> to vector<512x2048xf32>
    %sub3A_196 = arith.subf %sub3A_194, %sub3A_195 : vector<512x2048xf32>
    %integer_pow3A_197 = arith.mulf %sub3A_196, %sub3A_196 : vector<512x2048xf32>
    %add3A_198 = arith.addf %integer_pow3A_193, %integer_pow3A_197 : vector<512x2048xf32>
    %sub3A_199 = vector.broadcast %slice3A_189 : vector<512x1xf32> to vector<512x2048xf32>
    %sub3A_200 = vector.broadcast %slice3A_10 : vector<1x2048xf32> to vector<512x2048xf32>
    %sub3A_201 = arith.subf %sub3A_199, %sub3A_200 : vector<512x2048xf32>
    %integer_pow3A_202 = arith.mulf %sub3A_201, %sub3A_201 : vector<512x2048xf32>
    %add3A_203 = arith.addf %add3A_198, %integer_pow3A_202 : vector<512x2048xf32>
    %reduce_min3A_204 = arith.constant dense<0x7F800000> : vector<512xf32>
    %reduce_min3A_205 = vector.multi_reduction <minimumf>, %add3A_203, %reduce_min3A_204 [1] : vector<512x2048xf32> to vector<512xf32>
    %broadcast_in_dim3A_206 = vector.shape_cast %reduce_min3A_205 : vector<512xf32> to vector<512x1xf32>
    %eq3A_207 = vector.broadcast %broadcast_in_dim3A_206 : vector<512x1xf32> to vector<512x2048xf32>
    %eq3A_208 = arith.cmpf oeq, %add3A_203, %eq3A_207 : vector<512x2048xf32>
    %jit3A_209 = arith.constant 1073741824 : i32
    %broadcast_in_dim3A_210 = vector.broadcast %jit3A_209 : i32 to vector<512x2048xi32>
    %select_n3A_211 = arith.select %eq3A_208, %iota3A, %broadcast_in_dim3A_210 : vector<512x2048xi1>, vector<512x2048xi32>
    %reduce_min3A_212 = arith.constant dense<2147483647> : vector<512xi32>
    %reduce_min3A_213 = vector.multi_reduction <minsi>, %select_n3A_211, %reduce_min3A_212 [1] : vector<512x2048xi32> to vector<512xi32>
    %broadcast_in_dim3A_214 = vector.shape_cast %reduce_min3A_213 : vector<512xi32> to vector<512x1xi32>
    %mul3A_215 = arith.constant -5.000000e+01 : f32
    %mul3A_216 = vector.broadcast %mul3A_215 : f32 to vector<512x1xf32>
    %mul3A_217 = arith.mulf %mul3A_216, %broadcast_in_dim3A_206 : vector<512x1xf32>
    %exp3A_218 = math.exp %mul3A_217 : vector<512x1xf32>
    %swap3A_219 = arith.constant 0 : index
    %swap3A_220 = arith.constant 1536 : index
    %swap3A_221 = arith.constant 0 : index
    %swap3A_222 = vector.load %arg3[%swap3A_219, %swap3A_220, %swap3A_221] : memref<1x2048x1xf32, #tpu.memory_space<vmem>>, vector<1x512x1xf32>
    %swap3A_223 = vector.shape_cast %swap3A_222 : vector<1x512x1xf32> to vector<512x1xf32>
    %swap3A_224 = vector.shape_cast %exp3A_218 : vector<512x1xf32> to vector<1x512x1xf32>
    tpu.vector_store %arg3[%swap3A_219, %swap3A_220, %swap3A_221], %swap3A_224 {strides = array<i32>} : memref<1x2048x1xf32, #tpu.memory_space<vmem>>, vector<1x512x1xf32>,
    %swap3A_225 = arith.constant 0 : index
    %swap3A_226 = arith.constant 1536 : index
    %swap3A_227 = arith.constant 0 : index
    %swap3A_228 = vector.load %arg4[%swap3A_225, %swap3A_226, %swap3A_227] : memref<1x2048x1xi32, #tpu.memory_space<vmem>>, vector<1x512x1xi32>
    %swap3A_229 = vector.shape_cast %swap3A_228 : vector<1x512x1xi32> to vector<512x1xi32>
    %swap3A_230 = vector.shape_cast %broadcast_in_dim3A_214 : vector<512x1xi32> to vector<1x512x1xi32>
    tpu.vector_store %arg4[%swap3A_225, %swap3A_226, %swap3A_227], %swap3A_230 {strides = array<i32>} : memref<1x2048x1xi32, #tpu.memory_space<vmem>>, vector<1x512x1xi32>,
    %reduce_min3A_231 = arith.constant dense<0x7F800000> : vector<2048xf32>
    %reduce_min3A_232 = vector.multi_reduction <minimumf>, %add3A_203, %reduce_min3A_231 [0] : vector<512x2048xf32> to vector<2048xf32>
    %broadcast_in_dim3A_233 = vector.shape_cast %reduce_min3A_232 : vector<2048xf32> to vector<1x2048xf32>
    %eq3A_234 = vector.broadcast %broadcast_in_dim3A_233 : vector<1x2048xf32> to vector<512x2048xf32>
    %eq3A_235 = arith.cmpf oeq, %add3A_203, %eq3A_234 : vector<512x2048xf32>
    %add3A_236 = arith.constant 1536 : i32
    %add3A_237 = vector.broadcast %add3A_236 : i32 to vector<512x2048xi32>
    %add3A_238 = arith.addi %iota3A_11, %add3A_237 : vector<512x2048xi32>
    %jit3A_239 = arith.constant 1073741824 : i32
    %broadcast_in_dim3A_240 = vector.broadcast %jit3A_239 : i32 to vector<512x2048xi32>
    %select_n3A_241 = arith.select %eq3A_235, %add3A_238, %broadcast_in_dim3A_240 : vector<512x2048xi1>, vector<512x2048xi32>
    %reduce_min3A_242 = arith.constant dense<2147483647> : vector<2048xi32>
    %reduce_min3A_243 = vector.multi_reduction <minsi>, %select_n3A_241, %reduce_min3A_242 [0] : vector<512x2048xi32> to vector<2048xi32>
    %broadcast_in_dim3A_244 = vector.shape_cast %reduce_min3A_243 : vector<2048xi32> to vector<1x2048xi32>
    %lt3A_245 = arith.cmpf olt, %broadcast_in_dim3A_233, %select_n3A_185 : vector<1x2048xf32>
    %select_n3A_246 = arith.select %lt3A_245, %broadcast_in_dim3A_233, %select_n3A_185 : vector<1x2048xi1>, vector<1x2048xf32>
    %select_n3A_247 = arith.select %lt3A_245, %broadcast_in_dim3A_244, %select_n3A_186 : vector<1x2048xi1>, vector<1x2048xi32>
    %mul3A_248 = arith.constant -5.000000e+01 : f32
    %mul3A_249 = vector.broadcast %mul3A_248 : f32 to vector<1x2048xf32>
    %mul3A_250 = arith.mulf %mul3A_249, %select_n3A_246 : vector<1x2048xf32>
    %exp3A_251 = math.exp %mul3A_250 : vector<1x2048xf32>
    %swap3A_252 = arith.constant 0 : index
    %swap3A_253 = arith.constant 0 : index
    %swap3A_254 = arith.constant 0 : index
    %swap3A_255 = vector.load %arg5[%swap3A_252, %swap3A_253, %swap3A_254] : memref<1x1x2048xf32, #tpu.memory_space<vmem>>, vector<1x1x2048xf32>
    %swap3A_256 = vector.shape_cast %swap3A_255 : vector<1x1x2048xf32> to vector<1x2048xf32>
    %swap3A_257 = vector.shape_cast %exp3A_251 : vector<1x2048xf32> to vector<1x1x2048xf32>
    tpu.vector_store %arg5[%swap3A_252, %swap3A_253, %swap3A_254], %swap3A_257 {strides = array<i32>} : memref<1x1x2048xf32, #tpu.memory_space<vmem>>, vector<1x1x2048xf32>,
    %swap3A_258 = arith.constant 0 : index
    %swap3A_259 = arith.constant 0 : index
    %swap3A_260 = arith.constant 0 : index
    %swap3A_261 = vector.load %arg6[%swap3A_258, %swap3A_259, %swap3A_260] : memref<1x1x2048xi32, #tpu.memory_space<vmem>>, vector<1x1x2048xi32>
    %swap3A_262 = vector.shape_cast %swap3A_261 : vector<1x1x2048xi32> to vector<1x2048xi32>
    %swap3A_263 = vector.shape_cast %select_n3A_247 : vector<1x2048xi32> to vector<1x1x2048xi32>
    tpu.vector_store %arg6[%swap3A_258, %swap3A_259, %swap3A_260], %swap3A_263 {strides = array<i32>} : memref<1x1x2048xi32, #tpu.memory_space<vmem>>, vector<1x1x2048xi32>,
    return
  }
  func.func @transform_0(%arg0: i32) -> (i32, i32, i32) {
    %c0_i32 = arith.constant 0 : i32
    %c0_i32_0 = arith.constant 0 : i32
    %c0_i32_1 = arith.constant 0 : i32
    return %arg0, %c0_i32, %c0_i32_0 : i32, i32, i32
  }
  func.func @transform_1(%arg0: i32) -> (i32, i32, i32) {
    %c0_i32 = arith.constant 0 : i32
    %c0_i32_0 = arith.constant 0 : i32
    %c0_i32_1 = arith.constant 0 : i32
    return %arg0, %c0_i32, %c0_i32_0 : i32, i32, i32
  }
  func.func @transform_2(%arg0: i32) -> (i32, i32, i32) {
    %c0_i32 = arith.constant 0 : i32
    %c0_i32_0 = arith.constant 0 : i32
    %c0_i32_1 = arith.constant 0 : i32
    return %arg0, %c0_i32, %c0_i32_0 : i32, i32, i32
  }
  func.func @transform_3(%arg0: i32) -> (i32, i32, i32) {
    %c0_i32 = arith.constant 0 : i32
    %c0_i32_0 = arith.constant 0 : i32
    %c0_i32_1 = arith.constant 0 : i32
    return %arg0, %c0_i32, %c0_i32_0 : i32, i32, i32
  }
  func.func @transform_4(%arg0: i32) -> (i32, i32, i32) {
    %c0_i32 = arith.constant 0 : i32
    %c0_i32_0 = arith.constant 0 : i32
    %c0_i32_1 = arith.constant 0 : i32
    return %arg0, %c0_i32, %c0_i32_0 : i32, i32, i32
  }
  func.func @transform_5(%arg0: i32) -> (i32, i32, i32) {
    %c0_i32 = arith.constant 0 : i32
    %c0_i32_0 = arith.constant 0 : i32
    %c0_i32_1 = arith.constant 0 : i32
    return %arg0, %c0_i32, %c0_i32_0 : i32, i32, i32
  }
}

</mosaic_0001>

<sc_bundles>
// kernel: kernel.4.cloned.1.call-start
scs
__scs_entry_jumppad:
0x0: {  	(pc) =	sbr.rel $0x88, $3  }
0x1: {  	(tag) =	ssettag $0x0;
	lr =	simm.s32 $0x1  }
0x2: {  	[smem:$0x3F9F] =	sst lr;
	_ =	strace $0xD0000000  }
0x3: {  	_ = 	snop  }
0x4: {  	_ = 	snop  }
0x5: {  	_ = 	snop  }
0x6: {  	_ = 	snop  }
0x7: {  	_ = 	snop  }
__scs_overlays_trampoline_lowered:
0x8: {  	[smem:$0x3FAE] =	sst s0  }
0x9: {  	[smem:$0x3FAF] =	sst s1  }
0xa: {  	[smem:$0x3FB0] =	sst s2  }
0xb: {  	[smem:$0x3FB1] =	sst s3  }
0xc: {  	[smem:$0x3FB2] =	sst s4  }
0xd: {  	[smem:$0x3FB3] =	sst s5  }
0xe: {  	[smem:$0x3FB4] =	sst s6  }
0xf: {  	[smem:$0x3FB5] =	sst s7  }
0x10: {  	[smem:$0x3FB6] =	sst s8  }
0x11: {  	[smem:$0x3FB7] =	sst s9;
	s0 =	simm.s32 @!p0 $0x0  }
0x12: {  	s1 =	sld [smem:$0x3F9D];
	s0 =	simm.s32 @p0 $0x1  }
0x13: {  	[smem:$0x3FB8] =	sst s0;
	s0 =	simm.s32 @!p1 $0x0  }
0x14: {  	s2 =	sld [smem:$0x3F9C];
	s0 =	simm.s32 @p1 $0x1  }
0x15: {  	[smem:$0x3FB9] =	sst s0;
	s0 =	simm.s32 @!p2 $0x0  }
0x16: {  	s3 =	sld [smem:$0x3FDB];
	s0 =	simm.s32 @p2 $0x1  }
0x17: {  	s4 =	simm.s32 $0x1BF5;
	[smem:$0x3FBB] =	sst s0  }
0x18: {  	s0 =	sld [smem:$0x3F9E];
	_ =	swait.ge [sflag:s4], $0x0  }
0x19: {  	s7 =	sld [smem:$0x3F9F]  }
0x1a: {  	s8 =	sadd.s32 $0xFFFFE003, lr  }
0x1b: {  	s9 =	sadd.s32 $0xFFFFFEF7, lr;
	s5 =	simm.s32 $0xFFFFFFFF;
	p2 =	slt.u32 s8, $0xFFFFF086  }
0x1c: {  	p1 =	slt.u32 s9, $0xF7A;
	s5 =	simm.s32 @!p2 $0x0  }
0x1d: {  	s5 =	simm.s32 @p1 $0x1;
	p0 =	seq.s32 s7, s2  }
0x1e: {  	s7 =	smul.u32 @!p0 $0xF7A, s2;
	p2 =	seq.s32 @!p0 s5, $0x0  }
0x1f: {  	s9 =	smul.u32 $0xF7A, s1;
	s8 =	simm.s32 @!p0 $0x1BF5;
	p2 =	por !p2, p0  }
0x20: {  	[sflag:s8] =	ssyncset.s32 @!p0 $0xFFFFF086;
	s6 =	sadd.s32 @!p0 s3, s7;
	s7 =	simm.s32 @!p0 $0x108  }
0x21: {  	s3 =	sadd.s32 s3, s9;
	s6 =	sadd.s32 @!p0 $0x88, s6;
	s7 =	simm.s32 @p2 $0x1082  }
0x22: {  	[simem:s7], [sflag:s8] =	dma.local @!p0 [hbm:s6], $0xF7A  }
0x23: {  	s9 =	sor.u32 $0xD0000000, s2;
	s6 =	simm.s32 $0x108;
	_ =	swait.ge @!p0 [sflag:s8], $0x0  }
0x24: {  	s3 =	sadd.s32 $0x88, s3;
	s6 =	simm.s32 @!p1 $0x1082;
	[sflag:s4] =	ssyncset.s32 $0xFFFFF086  }
0x25: {  	[simem:s6], [sflag:s4] =	dma.local [hbm:s3], $0xF7A  }
0x26: {  	[smem:$0x3F9F] =	sst s1;
	(tag) =	ssettag s2;
	_ =	strace s9  }
0x27: {  	s1 =	sld [smem:$0x3FAF]  }
0x28: {  	s2 =	sld [smem:$0x3FB0]  }
0x29: {  	s4 =	sld [smem:$0x3FB2]  }
0x2a: {  	p0 =	seq.s32 s5, $0x0;
	s5 =	sld [smem:$0x3FB3]  }
0x2b: {  	s6 =	sld [smem:$0x3FB4]  }
0x2c: {  	s7 =	sld [smem:$0x3FB5]  }
0x2d: {  	s3 =	simm.s32 $0x108;
	s8 =	sld [smem:$0x3FB6]  }
0x2e: {  	s3 =	simm.s32 @!p0 $0x1082;
	s9 =	sld [smem:$0x3FB7]  }
0x2f: {  	lr =	sadd.s32 s0, s3;
	s0 =	sld [smem:$0x3FAE]  }
0x30: {  	s3 =	sld [smem:$0x3FB1]  }
0x31: {  	[smem:$0x3FBA] =	sst s10  }
0x32: {  	s10 =	sld [smem:$0x3FB8];
	_ =	sdelay $0x3  }
0x33: {  	p0 =	seq.s32 s10, $0x1;
	s10 =	sld [smem:$0x3FBA];
	_ =	sdelay $0x3  }
0x34: {  	[smem:$0x3FBA] =	sst s10  }
0x35: {  	s10 =	sld [smem:$0x3FB9];
	_ =	sdelay $0x3  }
0x36: {  	p1 =	seq.s32 s10, $0x1;
	s10 =	sld [smem:$0x3FBA];
	_ =	sdelay $0x3  }
0x37: {  	[smem:$0x3FBA] =	sst s10  }
0x38: {  	s10 =	sld [smem:$0x3FBB]  }
0x39: {  	_ = 	snop;
	(pc) =	sbr.ind lr, $3  }
0x3a: {  	_ = 	snop  }
0x3b: {  	_ = 	snop  }
0x3c: {  	p2 =	seq.s32 s10, $0x1;
	s10 =	sld [smem:$0x3FBA]  }
0x3d: {  	_ =	shalt  }
0x3e: {  	_ =	shalt  }
0x3f: {  	_ =	shalt  }
0x40: {  	_ =	shalt  }
0x41: {  	_ =	shalt  }
0x42: {  	_ =	shalt  }
0x43: {  	_ =	shalt  }
0x44: {  	_ =	shalt  }
0x45: {  	_ =	shalt  }
0x46: {  	_ =	shalt  }
0x47: {  	_ =	shalt  }
0x48: {  	_ =	shalt  }
0x49: {  	_ =	shalt  }
0x4a: {  	_ =	shalt  }
0x4b: {  	_ =	shalt  }
0x4c: {  	_ =	shalt  }
0x4d: {  	_ =	shalt  }
0x4e: {  	_ =	shalt  }
0x4f: {  	_ =	shalt  }
0x50: {  	_ =	shalt  }
0x51: {  	_ =	shalt  }
0x52: {  	_ =	shalt  }
0x53: {  	_ =	shalt  }
0x54: {  	_ =	shalt  }
0x55: {  	_ =	shalt  }
0x56: {  	_ =	shalt  }
0x57: {  	_ =	shalt  }
0x58: {  	_ =	shalt  }
0x59: {  	_ =	shalt  }
0x5a: {  	_ =	shalt  }
0x5b: {  	_ =	shalt  }
0x5c: {  	_ =	shalt  }
0x5d: {  	_ =	shalt  }
0x5e: {  	_ =	shalt  }
0x5f: {  	_ =	shalt  }
0x60: {  	_ =	shalt  }
0x61: {  	_ =	shalt  }
0x62: {  	_ =	shalt  }
0x63: {  	_ =	shalt  }
0x64: {  	_ =	shalt  }
0x65: {  	_ =	shalt  }
0x66: {  	_ =	shalt  }
0x67: {  	_ =	shalt  }
0x68: {  	_ =	shalt  }
0x69: {  	_ =	shalt  }
0x6a: {  	_ =	shalt  }
0x6b: {  	_ =	shalt  }
0x6c: {  	_ =	shalt  }
0x6d: {  	_ =	shalt  }
0x6e: {  	_ =	shalt  }
0x6f: {  	_ =	shalt  }
0x70: {  	_ =	shalt  }
0x71: {  	_ =	shalt  }
0x72: {  	_ =	shalt  }
0x73: {  	_ =	shalt  }
0x74: {  	_ =	shalt  }
0x75: {  	_ =	shalt  }
0x76: {  	_ =	shalt  }
0x77: {  	_ =	shalt  }
0x78: {  	_ =	shalt  }
0x79: {  	_ =	shalt  }
0x7a: {  	_ =	shalt  }
0x7b: {  	_ =	shalt  }
0x7c: {  	_ =	shalt  }
0x7d: {  	_ =	shalt  }
0x7e: {  	_ =	shalt  }
0x7f: {  	_ =	shalt  }
0x80: {  	_ =	shalt  }
0x81: {  	_ =	shalt  }
0x82: {  	_ =	shalt  }
0x83: {  	_ =	shalt  }
0x84: {  	_ =	shalt  }
0x85: {  	_ =	shalt  }
0x86: {  	_ =	shalt  }
0x87: {  	_ =	shalt  }
.Lfunc_end0:
.L_simem_size_0:
called_computation_lowered:
.L_overlay_start_0:
0x88: {  	s2 =	sld [smem:$0x3FD9]  }
0x89: {  	s3 =	sld [smem:$0x3FFE];
	_ =	sdelay $0x1  }
0x8a: {  	s1 =	srdreg.scid  }
0x8b: {  	s0 =	sand.u32 $0x1, s1  }
0x8c: {  	s16 =	sshll.u32 s0, $0xA;
	s2 =	sadd.s32 s3, s2  }
0x8d: {  	s2 =	sadd.s32 s2, s16  }
0x8e: {  	[smem:$0x3FC6] =	sst s2  }
0x8f: {  	_ = 	snop  }
0x90: {  	(tm) =	ssettm $0x1  }
0x91: {  	s17 =	sld [smem:$0x3FFB];
	_ =	sdelay $0x3  }
0x92: {  	_ =	strace s17  }
0x93: {  	s2 =	sld [smem:$0x3FFC];
	_ =	sdelay $0x3  }
0x94: {  	_ =	strace s2  }
0x95: {  	s2 =	sld [smem:$0x3FFD];
	_ =	sdelay $0x3  }
0x96: {  	_ =	strace s2  }
0x97: {  	_ =	strace $0x8FFFFFFF  }
0x98: {  	s18 =	sld [smem:$0x3FDB];
	_ =	sdelay $0x1  }
0x99: {  	s19 =	simm.s32 $_scs_section_size  }
0x9a: {  	s4 =	simm.s32 $_size__tile_overlayer_lowered;
	s5 =	simm.s32 $_tile_overlayer_lowered  }
0x9b: {  	s22 =	simm.s32 $0x1BFF;
	s21 =	sshll.u32 s5, $0x1;
	s2 =	sadd.s32 s19, s18  }
0x9c: {  	s6 =	simm.s32 $0x0;
	s20 =	sshll.u32 s4, $0x1;
	s4 =	sadd.s32 s21, s2  }
0x9d: {  	[timem:s6], [sflag:s22] =	dma.local [hbm:s4], s20  }
0x9e: {  	_ =	swait.ge [sflag:s22], s20  }
0x9f: {  	s3 =	ssub.s32 $0x0, s20;
	[sflag:s22] =	ssyncset.done $0x0  }
0xa0: {  	[sflag:s22] =	ssyncadd.s32 s3;
	_ =	sdelay $0x1  }
0xa1: {  	s23 =	simm.s32 $0x1B8B  }
0xa2: {  	_ =	swait.ge [sflag:s23], $0x1  }
0xa3: {  	[sflag:s23] =	ssyncset.done $0x0  }
0xa4: {  	s25 =	simm.s32 $0x1B8E;
	s24 =	sld [smem:$0x3FFE];
	[sflag:s23] =	ssyncadd.s32 $0xFFFFFFFF  }
0xa5: {  	s26 =	simm.s32 $execute0_lowered;
	[smem:$0x3FD2] =	sst s25  }
0xa6: {  	s4 =	sshll.u32 s26, $0x1;
	_ =	strace $0x80000046;
	[dreg:$0x1] =	wrdreg $0xFFFFFFFF  }
0xa7: {  	s28 =	simm.s32 $_size_execute0_lowered;
	s2 =	sadd.s32 s2, s4;
	[dreg:$0x0] =	wrdreg $0x0  }
0xa8: {  	s4 =	sshll.u32 s28, $0x1;
	[dreg:$0x2] =	wrdreg s2  }
0xa9: {  	[dreg:$0x3] =	wrdreg s4  }
0xaa: {  	[dreg:$0x4] =	wrdreg $0xC0  }
0xab: {  	_ =	task [dreg:s6], $0x5FFFF  }
0xac: {  	[dreg:$0x1] =	wrdreg $0xFFFFFFFF  }
0xad: {  	[dreg:$0x0] =	wrdreg $0x60  }
0xae: {  	[dreg:$0x2] =	wrdreg s24  }
0xaf: {  	[dreg:$0x3] =	wrdreg $0x9  }
0xb0: {  	_ =	task.clear_ibuf [dreg:s6], $0x4FFFF;
	_ =	strace $0x90000046  }
0xb1: {  	s29 =	simm.s32 $0x9;
	_ =	strace $0x80000048  }
0xb2: {  	_ =	swait.ge [sflag:s29], $0x1  }
0xb3: {  	[sflag:s29] =	ssyncadd.s32 $0xFFFFFFFF  }
0xb4: {  	_ =	strace $0x90000048  }
0xb5: {  	_ =	sfence  }
0xb6: {  	s30 =	sld [smem:$0x0];
	_ =	sdelay $0x2  }
0xb7: {  	s31 =	sshll.u32 s1, $0xD;
	s1 =	sshrl.u32 s1, $0x2  }
0xb8: {  	s3 =	sand.u32 $0x4000, s31;
	s1 =	sadd.s32 s1, s30  }
0xb9: {  	s0 =	sor.u32 s3, s0;
	s1 =	sshll.u32 s1, $0x11  }
0xba: {  	s0 =	sor.u32 s1, s0  }
0xbb: {  	s0 =	sadd.s32 $0x8F2B, s0  }
0xbc: {  	[sflag:s0] =	ssyncadd.remote.s32 $0x1  }
0xbd: {  	_ =	sfence.sel $0xFFFF  }
0xbe: {  	[dreg:$0x0] =	wrdreg $0xFFFFFFFF;
	(pc) =	sbr.abs _section_cstart, $3  }
0xbf: {  	[dreg:$0x1] =	wrdreg $0xFFFFFFFF  }
0xc0: {  	_ =	task.clear_ibuf [dreg:s6], $0x2FFFF;
	_ =	strace $0x9FFFFFFF  }
0xc1: {  	(tm) =	ssettm $0x7FFFFFFF  }
tec
execute0_lowered:
.L_overlay_start_1:
0x0: {  	(tag) =	ssettag $0x1  }
0x1: {  	s1 =	stileid.u32  }
0x2: {  	p0 =	sgt.u32 s1, $0x7  }
.Ltmp0:
0x3: {  	_ = 	snop;
	(pc) =	sbr.rel @p0 .LBB2_3-.Ltmp0, $4  }
0x4: {  	_ = 	snop  }
0x5: {  	s2 =	rddreg [dreg:$0x0];
	s3 =	simm.s32 $0x0  }
0x6: {  	[smem:$0x7FF] =	sst s3  }
0x7: {  	s0 =	rddreg [dreg:$0x1];
	_ =	strace $0x80000047  }
0x8: {  	s4 =	srdreg.scid;
	s6 =	sadd.s32 $0x1200, s2  }
0x9: {  	s7 =	sadd.s32 $0x1A00, s2;
	s8 =	sadd.s32 $0xA00, s2;
	s9 =	sshll.u32 s1, $0x2  }
0xa: {  	s10 =	sadd.s32 $0x200, s2;
	s11 =	sshll.u32 s1, $0x8;
	s5 =	sand.u32 $0x1, s4  }
0xb: {  	s12 =	simm.s32 $0x2080;
	s4 =	sshll.u32 s5, $0x1;
	s30 =	ssub.s32 $0x2, s5  }
0xc: {  	p0 =	seq.s32 s5, $0x1;
	s4 =	sadd.s32 s4, s2;
	s31 =	sshrl.u32 s30, $0x1  }
0xd: {  	s6 =	smov.u32 @p0 s8;
	s7 =	smov.u32 @p0 s10;
	s8 =	simm.s32 $0x1  }
0xe: {  	s10 =	simm.s32 $0x1800;
	s4 =	sadd.s32 s9, s4;
	s5 =	ssub.s32 s30, s31  }
0xf: {  	s6 =	sadd.s32 s6, s11;
	s7 =	sadd.s32 s7, s11;
	s9 =	simm.s32 $0x800  }
0x10: {  	v48 =	vimm.s32 $0x0;
	v1 =	vimm.s32 $0x1;
	s11 =	simm.s32 $0x1000;
	s4 =	sadd.s32 $0x2200, s4;
	s5 =	smax.u32 s5, $0x1  }
.LBB2_2:
0x11: {  	[tilespmem:s3], [sflag:$0x1] =	stream.linear.gather [hbm4b:s6+s3], $0x800, $0x38;
	[tilespmem:$0x2100] =	vst v63  }
0x12: {  	_ =	swait.ge [sflag:s8], $0x800  }
0x13: {  	[sflag:s8] =	ssyncset.done $0x0  }
0x14: {  	[sflag:s8] =	ssyncadd.s32 $0xFFFFF800  }
0x15: {  	[tilespmem:s9], [sflag:$0x1] =	stream.linear.gather [hbm4b:s7+s3], $0x800, $0x38;
	[tilespmem:$0x2100] =	vst v63  }
0x16: {  	_ =	swait.ge [sflag:s8], $0x800  }
0x17: {  	[sflag:s8] =	ssyncset.done $0x0  }
0x18: {  	[sflag:s8] =	ssyncadd.s32 $0xFFFFF800  }
0x19: {  	[tilespmem:s10], [sflag:$0x1] =	stream.linear.gather [hbm4b:s2+s3], $0x880, $0x38;
	[tilespmem:$0x2100] =	vst v63  }
0x1a: {  	_ =	swait.ge [sflag:s8], $0x880  }
0x1b: {  	[sflag:s8] =	ssyncset.done $0x0  }
0x1c: {  	[sflag:s8] =	ssyncadd.s32 $0xFFFFF780  }
0x1d: {  	[tilespmem:$0x1000] =	vst v48  }
0x1e: {  	[tilespmem:$0x1010] =	vst v48  }
0x1f: {  	[tilespmem:$0x1020] =	vst v48  }
0x20: {  	[tilespmem:$0x1030] =	vst v48  }
0x21: {  	[tilespmem:$0x1040] =	vst v48  }
0x22: {  	[tilespmem:$0x1050] =	vst v48  }
0x23: {  	[tilespmem:$0x1060] =	vst v48  }
0x24: {  	[tilespmem:$0x1070] =	vst v48  }
0x25: {  	[tilespmem:$0x1080] =	vst v48  }
0x26: {  	[tilespmem:$0x1090] =	vst v48  }
0x27: {  	[tilespmem:$0x10A0] =	vst v48  }
0x28: {  	[tilespmem:$0x10B0] =	vst v48  }
0x29: {  	[tilespmem:$0x10C0] =	vst v48  }
0x2a: {  	[tilespmem:$0x10D0] =	vst v48  }
0x2b: {  	[tilespmem:$0x10E0] =	vst v48  }
0x2c: {  	[tilespmem:$0x10F0] =	vst v48  }
0x2d: {  	[tilespmem:$0x1100] =	vst v48  }
0x2e: {  	[tilespmem:$0x1110] =	vst v48  }
0x2f: {  	[tilespmem:$0x1120] =	vst v48  }
0x30: {  	[tilespmem:$0x1130] =	vst v48  }
0x31: {  	[tilespmem:$0x1140] =	vst v48  }
0x32: {  	[tilespmem:$0x1150] =	vst v48  }
0x33: {  	[tilespmem:$0x1160] =	vst v48  }
0x34: {  	[tilespmem:$0x1170] =	vst v48  }
0x35: {  	[tilespmem:$0x1180] =	vst v48  }
0x36: {  	[tilespmem:$0x1190] =	vst v48  }
0x37: {  	[tilespmem:$0x11A0] =	vst v48  }
0x38: {  	[tilespmem:$0x11B0] =	vst v48  }
0x39: {  	[tilespmem:$0x11C0] =	vst v48  }
0x3a: {  	[tilespmem:$0x11D0] =	vst v48  }
0x3b: {  	[tilespmem:$0x11E0] =	vst v48  }
0x3c: {  	[tilespmem:$0x11F0] =	vst v48  }
0x3d: {  	[tilespmem:$0x1200] =	vst v48  }
0x3e: {  	[tilespmem:$0x1210] =	vst v48  }
0x3f: {  	[tilespmem:$0x1220] =	vst v48  }
0x40: {  	[tilespmem:$0x1230] =	vst v48  }
0x41: {  	[tilespmem:$0x1240] =	vst v48  }
0x42: {  	[tilespmem:$0x1250] =	vst v48  }
0x43: {  	[tilespmem:$0x1260] =	vst v48  }
0x44: {  	[tilespmem:$0x1270] =	vst v48  }
0x45: {  	[tilespmem:$0x1280] =	vst v48  }
0x46: {  	[tilespmem:$0x1290] =	vst v48  }
0x47: {  	[tilespmem:$0x12A0] =	vst v48  }
0x48: {  	[tilespmem:$0x12B0] =	vst v48  }
0x49: {  	[tilespmem:$0x12C0] =	vst v48  }
0x4a: {  	[tilespmem:$0x12D0] =	vst v48  }
0x4b: {  	[tilespmem:$0x12E0] =	vst v48  }
0x4c: {  	[tilespmem:$0x12F0] =	vst v48  }
0x4d: {  	[tilespmem:$0x1300] =	vst v48  }
0x4e: {  	[tilespmem:$0x1310] =	vst v48  }
0x4f: {  	[tilespmem:$0x1320] =	vst v48  }
0x50: {  	[tilespmem:$0x1330] =	vst v48  }
0x51: {  	[tilespmem:$0x1340] =	vst v48  }
0x52: {  	[tilespmem:$0x1350] =	vst v48  }
0x53: {  	[tilespmem:$0x1360] =	vst v48  }
0x54: {  	[tilespmem:$0x1370] =	vst v48  }
0x55: {  	[tilespmem:$0x1380] =	vst v48  }
0x56: {  	[tilespmem:$0x1390] =	vst v48  }
0x57: {  	[tilespmem:$0x13A0] =	vst v48  }
0x58: {  	[tilespmem:$0x13B0] =	vst v48  }
0x59: {  	[tilespmem:$0x13C0] =	vst v48  }
0x5a: {  	[tilespmem:$0x13D0] =	vst v48  }
0x5b: {  	[tilespmem:$0x13E0] =	vst v48  }
0x5c: {  	[tilespmem:$0x13F0] =	vst v48  }
0x5d: {  	[tilespmem:$0x1400] =	vst v48  }
0x5e: {  	[tilespmem:$0x1410] =	vst v48  }
0x5f: {  	[tilespmem:$0x1420] =	vst v48  }
0x60: {  	[tilespmem:$0x1430] =	vst v48  }
0x61: {  	[tilespmem:$0x1440] =	vst v48  }
0x62: {  	[tilespmem:$0x1450] =	vst v48  }
0x63: {  	[tilespmem:$0x1460] =	vst v48  }
0x64: {  	[tilespmem:$0x1470] =	vst v48  }
0x65: {  	[tilespmem:$0x1480] =	vst v48  }
0x66: {  	[tilespmem:$0x1490] =	vst v48  }
0x67: {  	[tilespmem:$0x14A0] =	vst v48  }
0x68: {  	[tilespmem:$0x14B0] =	vst v48  }
0x69: {  	[tilespmem:$0x14C0] =	vst v48  }
0x6a: {  	[tilespmem:$0x14D0] =	vst v48  }
0x6b: {  	[tilespmem:$0x14E0] =	vst v48  }
0x6c: {  	[tilespmem:$0x14F0] =	vst v48  }
0x6d: {  	[tilespmem:$0x1500] =	vst v48  }
0x6e: {  	[tilespmem:$0x1510] =	vst v48  }
0x6f: {  	[tilespmem:$0x1520] =	vst v48  }
0x70: {  	[tilespmem:$0x1530] =	vst v48  }
0x71: {  	[tilespmem:$0x1540] =	vst v48  }
0x72: {  	[tilespmem:$0x1550] =	vst v48  }
0x73: {  	[tilespmem:$0x1560] =	vst v48  }
0x74: {  	[tilespmem:$0x1570] =	vst v48  }
0x75: {  	[tilespmem:$0x1580] =	vst v48  }
0x76: {  	[tilespmem:$0x1590] =	vst v48  }
0x77: {  	[tilespmem:$0x15A0] =	vst v48  }
0x78: {  	[tilespmem:$0x15B0] =	vst v48  }
0x79: {  	[tilespmem:$0x15C0] =	vst v48  }
0x7a: {  	[tilespmem:$0x15D0] =	vst v48  }
0x7b: {  	[tilespmem:$0x15E0] =	vst v48  }
0x7c: {  	[tilespmem:$0x15F0] =	vst v48  }
0x7d: {  	[tilespmem:$0x1600] =	vst v48  }
0x7e: {  	[tilespmem:$0x1610] =	vst v48  }
0x7f: {  	[tilespmem:$0x1620] =	vst v48  }
0x80: {  	[tilespmem:$0x1630] =	vst v48  }
0x81: {  	[tilespmem:$0x1640] =	vst v48  }
0x82: {  	[tilespmem:$0x1650] =	vst v48  }
0x83: {  	[tilespmem:$0x1660] =	vst v48  }
0x84: {  	[tilespmem:$0x1670] =	vst v48  }
0x85: {  	[tilespmem:$0x1680] =	vst v48  }
0x86: {  	[tilespmem:$0x1690] =	vst v48  }
0x87: {  	[tilespmem:$0x16A0] =	vst v48  }
0x88: {  	[tilespmem:$0x16B0] =	vst v48  }
0x89: {  	[tilespmem:$0x16C0] =	vst v48  }
0x8a: {  	[tilespmem:$0x16D0] =	vst v48  }
0x8b: {  	[tilespmem:$0x16E0] =	vst v48  }
0x8c: {  	[tilespmem:$0x16F0] =	vst v48  }
0x8d: {  	[tilespmem:$0x1700] =	vst v48  }
0x8e: {  	[tilespmem:$0x1710] =	vst v48  }
0x8f: {  	[tilespmem:$0x1720] =	vst v48  }
0x90: {  	[tilespmem:$0x1730] =	vst v48  }
0x91: {  	[tilespmem:$0x1740] =	vst v48  }
0x92: {  	[tilespmem:$0x1750] =	vst v48  }
0x93: {  	[tilespmem:$0x1760] =	vst v48  }
0x94: {  	[tilespmem:$0x1770] =	vst v48  }
0x95: {  	[tilespmem:$0x1780] =	vst v48;
	v2 =	vld [tilespmem:$0x0]  }
0x96: {  	[tilespmem:$0x1790] =	vst v48  }
0x97: {  	[tilespmem:$0x17A0] =	vst v48  }
0x98: {  	[tilespmem:$0x17B0] =	vst v48  }
0x99: {  	[tilespmem:$0x17C0] =	vst v48  }
0x9a: {  	[tilespmem:$0x17D0] =	vst v48  }
0x9b: {  	[tilespmem:$0x17E0] =	vst v48  }
0x9c: {  	[tilespmem:$0x17F0] =	vst v48  }
0x9d: {  	[tilespmem:v2+s11+$0x0] =	vst.idx.add.s32.msk $0xffff, v1  }
0x9e: {  	v2 =	vld [tilespmem:$0x10];
	_ =	sdelay $0x7  }
0x9f: {  	[tilespmem:v2+s11+$0x0] =	vst.idx.add.s32.msk $0xffff, v1  }
0xa0: {  	v2 =	vld [tilespmem:$0x20];
	_ =	sdelay $0x7  }
0xa1: {  	[tilespmem:v2+s11+$0x0] =	vst.idx.add.s32.msk $0xffff, v1  }
0xa2: {  	v2 =	vld [tilespmem:$0x30];
	_ =	sdelay $0x7  }
0xa3: {  	[tilespmem:v2+s11+$0x0] =	vst.idx.add.s32.msk $0xffff, v1  }
0xa4: {  	v2 =	vld [tilespmem:$0x40];
	_ =	sdelay $0x7  }
0xa5: {  	[tilespmem:v2+s11+$0x0] =	vst.idx.add.s32.msk $0xffff, v1  }
0xa6: {  	v2 =	vld [tilespmem:$0x50];
	_ =	sdelay $0x7  }
0xa7: {  	[tilespmem:v2+s11+$0x0] =	vst.idx.add.s32.msk $0xffff, v1  }
0xa8: {  	v2 =	vld [tilespmem:$0x60];
	_ =	sdelay $0x7  }
0xa9: {  	[tilespmem:v2+s11+$0x0] =	vst.idx.add.s32.msk $0xffff, v1  }
0xaa: {  	v2 =	vld [tilespmem:$0x70];
	_ =	sdelay $0x7  }
0xab: {  	[tilespmem:v2+s11+$0x0] =	vst.idx.add.s32.msk $0xffff, v1  }
0xac: {  	v2 =	vld [tilespmem:$0x80];
	_ =	sdelay $0x7  }
0xad: {  	[tilespmem:v2+s11+$0x0] =	vst.idx.add.s32.msk $0xffff, v1  }
0xae: {  	v2 =	vld [tilespmem:$0x90];
	_ =	sdelay $0x7  }
0xaf: {  	[tilespmem:v2+s11+$0x0] =	vst.idx.add.s32.msk $0xffff, v1  }
0xb0: {  	v2 =	vld [tilespmem:$0xA0];
	_ =	sdelay $0x7  }
0xb1: {  	[tilespmem:v2+s11+$0x0] =	vst.idx.add.s32.msk $0xffff, v1  }
0xb2: {  	v2 =	vld [tilespmem:$0xB0];
	_ =	sdelay $0x7  }
0xb3: {  	[tilespmem:v2+s11+$0x0] =	vst.idx.add.s32.msk $0xffff, v1  }
0xb4: {  	v2 =	vld [tilespmem:$0xC0];
	_ =	sdelay $0x7  }
0xb5: {  	[tilespmem:v2+s11+$0x0] =	vst.idx.add.s32.msk $0xffff, v1  }
0xb6: {  	v2 =	vld [tilespmem:$0xD0];
	_ =	sdelay $0x7  }
0xb7: {  	[tilespmem:v2+s11+$0x0] =	vst.idx.add.s32.msk $0xffff, v1  }
0xb8: {  	v2 =	vld [tilespmem:$0xE0];
	_ =	sdelay $0x7  }
0xb9: {  	[tilespmem:v2+s11+$0x0] =	vst.idx.add.s32.msk $0xffff, v1  }
0xba: {  	v2 =	vld [tilespmem:$0xF0];
	_ =	sdelay $0x7  }
0xbb: {  	[tilespmem:v2+s11+$0x0] =	vst.idx.add.s32.msk $0xffff, v1  }
0xbc: {  	v2 =	vld [tilespmem:$0x100];
	_ =	sdelay $0x7  }
0xbd: {  	[tilespmem:v2+s11+$0x0] =	vst.idx.add.s32.msk $0xffff, v1  }
0xbe: {  	v2 =	vld [tilespmem:$0x110];
	_ =	sdelay $0x7  }
0xbf: {  	[tilespmem:v2+s11+$0x0] =	vst.idx.add.s32.msk $0xffff, v1  }
0xc0: {  	v2 =	vld [tilespmem:$0x120];
	_ =	sdelay $0x7  }
0xc1: {  	[tilespmem:v2+s11+$0x0] =	vst.idx.add.s32.msk $0xffff, v1  }
0xc2: {  	v2 =	vld [tilespmem:$0x130];
	_ =	sdelay $0x7  }
0xc3: {  	[tilespmem:v2+s11+$0x0] =	vst.idx.add.s32.msk $0xffff, v1  }
0xc4: {  	v2 =	vld [tilespmem:$0x140];
	_ =	sdelay $0x7  }
0xc5: {  	[tilespmem:v2+s11+$0x0] =	vst.idx.add.s32.msk $0xffff, v1  }
0xc6: {  	v2 =	vld [tilespmem:$0x150];
	_ =	sdelay $0x7  }
0xc7: {  	[tilespmem:v2+s11+$0x0] =	vst.idx.add.s32.msk $0xffff, v1  }
0xc8: {  	v2 =	vld [tilespmem:$0x160];
	_ =	sdelay $0x7  }
0xc9: {  	[tilespmem:v2+s11+$0x0] =	vst.idx.add.s32.msk $0xffff, v1  }
0xca: {  	v2 =	vld [tilespmem:$0x170];
	_ =	sdelay $0x7  }
0xcb: {  	[tilespmem:v2+s11+$0x0] =	vst.idx.add.s32.msk $0xffff, v1  }
0xcc: {  	v2 =	vld [tilespmem:$0x180];
	_ =	sdelay $0x7  }
0xcd: {  	[tilespmem:v2+s11+$0x0] =	vst.idx.add.s32.msk $0xffff, v1  }
0xce: {  	v2 =	vld [tilespmem:$0x190];
	_ =	sdelay $0x7  }
0xcf: {  	[tilespmem:v2+s11+$0x0] =	vst.idx.add.s32.msk $0xffff, v1  }
0xd0: {  	v2 =	vld [tilespmem:$0x1A0];
	_ =	sdelay $0x7  }
0xd1: {  	[tilespmem:v2+s11+$0x0] =	vst.idx.add.s32.msk $0xffff, v1  }
0xd2: {  	v2 =	vld [tilespmem:$0x1B0];
	_ =	sdelay $0x7  }
0xd3: {  	[tilespmem:v2+s11+$0x0] =	vst.idx.add.s32.msk $0xffff, v1  }
0xd4: {  	v2 =	vld [tilespmem:$0x1C0];
	_ =	sdelay $0x7  }
0xd5: {  	[tilespmem:v2+s11+$0x0] =	vst.idx.add.s32.msk $0xffff, v1  }
0xd6: {  	v2 =	vld [tilespmem:$0x1D0];
	_ =	sdelay $0x7  }
0xd7: {  	[tilespmem:v2+s11+$0x0] =	vst.idx.add.s32.msk $0xffff, v1  }
0xd8: {  	v2 =	vld [tilespmem:$0x1E0];
	_ =	sdelay $0x7  }
0xd9: {  	[tilespmem:v2+s11+$0x0] =	vst.idx.add.s32.msk $0xffff, v1  }
0xda: {  	v2 =	vld [tilespmem:$0x1F0];
	_ =	sdelay $0x7  }
0xdb: {  	[tilespmem:v2+s11+$0x0] =	vst.idx.add.s32.msk $0xffff, v1  }
0xdc: {  	v2 =	vld [tilespmem:$0x200];
	_ =	sdelay $0x7  }
0xdd: {  	[tilespmem:v2+s11+$0x0] =	vst.idx.add.s32.msk $0xffff, v1  }
0xde: {  	v2 =	vld [tilespmem:$0x210];
	_ =	sdelay $0x7  }
0xdf: {  	[tilespmem:v2+s11+$0x0] =	vst.idx.add.s32.msk $0xffff, v1  }
0xe0: {  	v2 =	vld [tilespmem:$0x220];
	_ =	sdelay $0x7  }
0xe1: {  	[tilespmem:v2+s11+$0x0] =	vst.idx.add.s32.msk $0xffff, v1  }
0xe2: {  	v2 =	vld [tilespmem:$0x230];
	_ =	sdelay $0x7  }
0xe3: {  	[tilespmem:v2+s11+$0x0] =	vst.idx.add.s32.msk $0xffff, v1  }
0xe4: {  	v2 =	vld [tilespmem:$0x240];
	_ =	sdelay $0x7  }
0xe5: {  	[tilespmem:v2+s11+$0x0] =	vst.idx.add.s32.msk $0xffff, v1  }
0xe6: {  	v2 =	vld [tilespmem:$0x250];
	_ =	sdelay $0x7  }
0xe7: {  	[tilespmem:v2+s11+$0x0] =	vst.idx.add.s32.msk $0xffff, v1  }
0xe8: {  	v2 =	vld [tilespmem:$0x260];
	_ =	sdelay $0x7  }
0xe9: {  	[tilespmem:v2+s11+$0x0] =	vst.idx.add.s32.msk $0xffff, v1  }
0xea: {  	v2 =	vld [tilespmem:$0x270];
	_ =	sdelay $0x7  }
0xeb: {  	[tilespmem:v2+s11+$0x0] =	vst.idx.add.s32.msk $0xffff, v1  }
0xec: {  	v2 =	vld [tilespmem:$0x280];
	_ =	sdelay $0x7  }
0xed: {  	[tilespmem:v2+s11+$0x0] =	vst.idx.add.s32.msk $0xffff, v1  }
0xee: {  	v2 =	vld [tilespmem:$0x290];
	_ =	sdelay $0x7  }
0xef: {  	[tilespmem:v2+s11+$0x0] =	vst.idx.add.s32.msk $0xffff, v1  }
0xf0: {  	v2 =	vld [tilespmem:$0x2A0];
	_ =	sdelay $0x7  }
0xf1: {  	[tilespmem:v2+s11+$0x0] =	vst.idx.add.s32.msk $0xffff, v1  }
0xf2: {  	v2 =	vld [tilespmem:$0x2B0];
	_ =	sdelay $0x7  }
0xf3: {  	[tilespmem:v2+s11+$0x0] =	vst.idx.add.s32.msk $0xffff, v1  }
0xf4: {  	v2 =	vld [tilespmem:$0x2C0];
	_ =	sdelay $0x7  }
0xf5: {  	[tilespmem:v2+s11+$0x0] =	vst.idx.add.s32.msk $0xffff, v1  }
0xf6: {  	v2 =	vld [tilespmem:$0x2D0];
	_ =	sdelay $0x7  }
0xf7: {  	[tilespmem:v2+s11+$0x0] =	vst.idx.add.s32.msk $0xffff, v1  }
0xf8: {  	v2 =	vld [tilespmem:$0x2E0];
	_ =	sdelay $0x7  }
0xf9: {  	[tilespmem:v2+s11+$0x0] =	vst.idx.add.s32.msk $0xffff, v1  }
0xfa: {  	v2 =	vld [tilespmem:$0x2F0];
	_ =	sdelay $0x7  }
0xfb: {  	[tilespmem:v2+s11+$0x0] =	vst.idx.add.s32.msk $0xffff, v1  }
0xfc: {  	v2 =	vld [tilespmem:$0x300];
	_ =	sdelay $0x7  }
0xfd: {  	[tilespmem:v2+s11+$0x0] =	vst.idx.add.s32.msk $0xffff, v1  }
0xfe: {  	v2 =	vld [tilespmem:$0x310];
	_ =	sdelay $0x7  }
0xff: {  	[tilespmem:v2+s11+$0x0] =	vst.idx.add.s32.msk $0xffff, v1  }
0x100: {  	v2 =	vld [tilespmem:$0x320];
	_ =	sdelay $0x7  }
0x101: {  	[tilespmem:v2+s11+$0x0] =	vst.idx.add.s32.msk $0xffff, v1  }
0x102: {  	v2 =	vld [tilespmem:$0x330];
	_ =	sdelay $0x7  }
0x103: {  	[tilespmem:v2+s11+$0x0] =	vst.idx.add.s32.msk $0xffff, v1  }
0x104: {  	v2 =	vld [tilespmem:$0x340];
	_ =	sdelay $0x7  }
0x105: {  	[tilespmem:v2+s11+$0x0] =	vst.idx.add.s32.msk $0xffff, v1  }
0x106: {  	v2 =	vld [tilespmem:$0x350];
	_ =	sdelay $0x7  }
0x107: {  	[tilespmem:v2+s11+$0x0] =	vst.idx.add.s32.msk $0xffff, v1  }
0x108: {  	v2 =	vld [tilespmem:$0x360];
	_ =	sdelay $0x7  }
0x109: {  	[tilespmem:v2+s11+$0x0] =	vst.idx.add.s32.msk $0xffff, v1  }
0x10a: {  	v2 =	vld [tilespmem:$0x370];
	_ =	sdelay $0x7  }
0x10b: {  	[tilespmem:v2+s11+$0x0] =	vst.idx.add.s32.msk $0xffff, v1  }
0x10c: {  	v2 =	vld [tilespmem:$0x380];
	_ =	sdelay $0x7  }
0x10d: {  	[tilespmem:v2+s11+$0x0] =	vst.idx.add.s32.msk $0xffff, v1  }
0x10e: {  	v2 =	vld [tilespmem:$0x390];
	_ =	sdelay $0x7  }
0x10f: {  	[tilespmem:v2+s11+$0x0] =	vst.idx.add.s32.msk $0xffff, v1  }
0x110: {  	v2 =	vld [tilespmem:$0x3A0];
	_ =	sdelay $0x7  }
0x111: {  	[tilespmem:v2+s11+$0x0] =	vst.idx.add.s32.msk $0xffff, v1  }
0x112: {  	v2 =	vld [tilespmem:$0x3B0];
	_ =	sdelay $0x7  }
0x113: {  	[tilespmem:v2+s11+$0x0] =	vst.idx.add.s32.msk $0xffff, v1  }
0x114: {  	v2 =	vld [tilespmem:$0x3C0];
	_ =	sdelay $0x7  }
0x115: {  	[tilespmem:v2+s11+$0x0] =	vst.idx.add.s32.msk $0xffff, v1  }
0x116: {  	v2 =	vld [tilespmem:$0x3D0];
	_ =	sdelay $0x7  }
0x117: {  	[tilespmem:v2+s11+$0x0] =	vst.idx.add.s32.msk $0xffff, v1  }
0x118: {  	v2 =	vld [tilespmem:$0x3E0];
	_ =	sdelay $0x7  }
0x119: {  	[tilespmem:v2+s11+$0x0] =	vst.idx.add.s32.msk $0xffff, v1  }
0x11a: {  	v2 =	vld [tilespmem:$0x3F0];
	_ =	sdelay $0x7  }
0x11b: {  	[tilespmem:v2+s11+$0x0] =	vst.idx.add.s32.msk $0xffff, v1  }
0x11c: {  	v2 =	vld [tilespmem:$0x400];
	_ =	sdelay $0x7  }
0x11d: {  	[tilespmem:v2+s11+$0x0] =	vst.idx.add.s32.msk $0xffff, v1  }
0x11e: {  	v2 =	vld [tilespmem:$0x410];
	_ =	sdelay $0x7  }
0x11f: {  	[tilespmem:v2+s11+$0x0] =	vst.idx.add.s32.msk $0xffff, v1  }
0x120: {  	v2 =	vld [tilespmem:$0x420];
	_ =	sdelay $0x7  }
0x121: {  	[tilespmem:v2+s11+$0x0] =	vst.idx.add.s32.msk $0xffff, v1  }
0x122: {  	v2 =	vld [tilespmem:$0x430];
	_ =	sdelay $0x7  }
0x123: {  	[tilespmem:v2+s11+$0x0] =	vst.idx.add.s32.msk $0xffff, v1  }
0x124: {  	v2 =	vld [tilespmem:$0x440];
	_ =	sdelay $0x7  }
0x125: {  	[tilespmem:v2+s11+$0x0] =	vst.idx.add.s32.msk $0xffff, v1  }
0x126: {  	v2 =	vld [tilespmem:$0x450];
	_ =	sdelay $0x7  }
0x127: {  	[tilespmem:v2+s11+$0x0] =	vst.idx.add.s32.msk $0xffff, v1  }
0x128: {  	v2 =	vld [tilespmem:$0x460];
	_ =	sdelay $0x7  }
0x129: {  	[tilespmem:v2+s11+$0x0] =	vst.idx.add.s32.msk $0xffff, v1  }
0x12a: {  	v2 =	vld [tilespmem:$0x470];
	_ =	sdelay $0x7  }
0x12b: {  	[tilespmem:v2+s11+$0x0] =	vst.idx.add.s32.msk $0xffff, v1  }
0x12c: {  	v2 =	vld [tilespmem:$0x480];
	_ =	sdelay $0x7  }
0x12d: {  	[tilespmem:v2+s11+$0x0] =	vst.idx.add.s32.msk $0xffff, v1  }
0x12e: {  	v2 =	vld [tilespmem:$0x490];
	_ =	sdelay $0x7  }
0x12f: {  	[tilespmem:v2+s11+$0x0] =	vst.idx.add.s32.msk $0xffff, v1  }
0x130: {  	v2 =	vld [tilespmem:$0x4A0];
	_ =	sdelay $0x7  }
0x131: {  	[tilespmem:v2+s11+$0x0] =	vst.idx.add.s32.msk $0xffff, v1  }
0x132: {  	v2 =	vld [tilespmem:$0x4B0];
	_ =	sdelay $0x7  }
0x133: {  	[tilespmem:v2+s11+$0x0] =	vst.idx.add.s32.msk $0xffff, v1  }
0x134: {  	v2 =	vld [tilespmem:$0x4C0];
	_ =	sdelay $0x7  }
0x135: {  	[tilespmem:v2+s11+$0x0] =	vst.idx.add.s32.msk $0xffff, v1  }
0x136: {  	v2 =	vld [tilespmem:$0x4D0];
	_ =	sdelay $0x7  }
0x137: {  	[tilespmem:v2+s11+$0x0] =	vst.idx.add.s32.msk $0xffff, v1  }
0x138: {  	v2 =	vld [tilespmem:$0x4E0];
	_ =	sdelay $0x7  }
0x139: {  	[tilespmem:v2+s11+$0x0] =	vst.idx.add.s32.msk $0xffff, v1  }
0x13a: {  	v2 =	vld [tilespmem:$0x4F0];
	_ =	sdelay $0x7  }
0x13b: {  	[tilespmem:v2+s11+$0x0] =	vst.idx.add.s32.msk $0xffff, v1  }
0x13c: {  	v2 =	vld [tilespmem:$0x500];
	_ =	sdelay $0x7  }
0x13d: {  	[tilespmem:v2+s11+$0x0] =	vst.idx.add.s32.msk $0xffff, v1  }
0x13e: {  	v2 =	vld [tilespmem:$0x510];
	_ =	sdelay $0x7  }
0x13f: {  	[tilespmem:v2+s11+$0x0] =	vst.idx.add.s32.msk $0xffff, v1  }
0x140: {  	v2 =	vld [tilespmem:$0x520];
	_ =	sdelay $0x7  }
0x141: {  	[tilespmem:v2+s11+$0x0] =	vst.idx.add.s32.msk $0xffff, v1  }
0x142: {  	v2 =	vld [tilespmem:$0x530];
	_ =	sdelay $0x7  }
0x143: {  	[tilespmem:v2+s11+$0x0] =	vst.idx.add.s32.msk $0xffff, v1  }
0x144: {  	v2 =	vld [tilespmem:$0x540];
	_ =	sdelay $0x7  }
0x145: {  	[tilespmem:v2+s11+$0x0] =	vst.idx.add.s32.msk $0xffff, v1  }
0x146: {  	v2 =	vld [tilespmem:$0x550];
	_ =	sdelay $0x7  }
0x147: {  	[tilespmem:v2+s11+$0x0] =	vst.idx.add.s32.msk $0xffff, v1  }
0x148: {  	v2 =	vld [tilespmem:$0x560];
	_ =	sdelay $0x7  }
0x149: {  	[tilespmem:v2+s11+$0x0] =	vst.idx.add.s32.msk $0xffff, v1  }
0x14a: {  	v2 =	vld [tilespmem:$0x570];
	_ =	sdelay $0x7  }
0x14b: {  	[tilespmem:v2+s11+$0x0] =	vst.idx.add.s32.msk $0xffff, v1  }
0x14c: {  	v2 =	vld [tilespmem:$0x580];
	_ =	sdelay $0x7  }
0x14d: {  	[tilespmem:v2+s11+$0x0] =	vst.idx.add.s32.msk $0xffff, v1  }
0x14e: {  	v2 =	vld [tilespmem:$0x590];
	_ =	sdelay $0x7  }
0x14f: {  	[tilespmem:v2+s11+$0x0] =	vst.idx.add.s32.msk $0xffff, v1  }
0x150: {  	v2 =	vld [tilespmem:$0x5A0];
	_ =	sdelay $0x7  }
0x151: {  	[tilespmem:v2+s11+$0x0] =	vst.idx.add.s32.msk $0xffff, v1  }
0x152: {  	v2 =	vld [tilespmem:$0x5B0];
	_ =	sdelay $0x7  }
0x153: {  	[tilespmem:v2+s11+$0x0] =	vst.idx.add.s32.msk $0xffff, v1  }
0x154: {  	v2 =	vld [tilespmem:$0x5C0];
	_ =	sdelay $0x7  }
0x155: {  	[tilespmem:v2+s11+$0x0] =	vst.idx.add.s32.msk $0xffff, v1  }
0x156: {  	v2 =	vld [tilespmem:$0x5D0];
	_ =	sdelay $0x7  }
0x157: {  	[tilespmem:v2+s11+$0x0] =	vst.idx.add.s32.msk $0xffff, v1  }
0x158: {  	v2 =	vld [tilespmem:$0x5E0];
	_ =	sdelay $0x7  }
0x159: {  	[tilespmem:v2+s11+$0x0] =	vst.idx.add.s32.msk $0xffff, v1  }
0x15a: {  	v2 =	vld [tilespmem:$0x5F0];
	_ =	sdelay $0x7  }
0x15b: {  	[tilespmem:v2+s11+$0x0] =	vst.idx.add.s32.msk $0xffff, v1  }
0x15c: {  	v2 =	vld [tilespmem:$0x600];
	_ =	sdelay $0x7  }
0x15d: {  	[tilespmem:v2+s11+$0x0] =	vst.idx.add.s32.msk $0xffff, v1  }
0x15e: {  	v2 =	vld [tilespmem:$0x610];
	_ =	sdelay $0x7  }
0x15f: {  	[tilespmem:v2+s11+$0x0] =	vst.idx.add.s32.msk $0xffff, v1  }
0x160: {  	v2 =	vld [tilespmem:$0x620];
	_ =	sdelay $0x7  }
0x161: {  	[tilespmem:v2+s11+$0x0] =	vst.idx.add.s32.msk $0xffff, v1  }
0x162: {  	v2 =	vld [tilespmem:$0x630];
	_ =	sdelay $0x7  }
0x163: {  	[tilespmem:v2+s11+$0x0] =	vst.idx.add.s32.msk $0xffff, v1  }
0x164: {  	v2 =	vld [tilespmem:$0x640];
	_ =	sdelay $0x7  }
0x165: {  	[tilespmem:v2+s11+$0x0] =	vst.idx.add.s32.msk $0xffff, v1  }
0x166: {  	v2 =	vld [tilespmem:$0x650];
	_ =	sdelay $0x7  }
0x167: {  	[tilespmem:v2+s11+$0x0] =	vst.idx.add.s32.msk $0xffff, v1  }
0x168: {  	v2 =	vld [tilespmem:$0x660];
	_ =	sdelay $0x7  }
0x169: {  	[tilespmem:v2+s11+$0x0] =	vst.idx.add.s32.msk $0xffff, v1  }
0x16a: {  	v2 =	vld [tilespmem:$0x670];
	_ =	sdelay $0x7  }
0x16b: {  	[tilespmem:v2+s11+$0x0] =	vst.idx.add.s32.msk $0xffff, v1  }
0x16c: {  	v2 =	vld [tilespmem:$0x680];
	_ =	sdelay $0x7  }
0x16d: {  	[tilespmem:v2+s11+$0x0] =	vst.idx.add.s32.msk $0xffff, v1  }
0x16e: {  	v2 =	vld [tilespmem:$0x690];
	_ =	sdelay $0x7  }
0x16f: {  	[tilespmem:v2+s11+$0x0] =	vst.idx.add.s32.msk $0xffff, v1  }
0x170: {  	v2 =	vld [tilespmem:$0x6A0];
	_ =	sdelay $0x7  }
0x171: {  	[tilespmem:v2+s11+$0x0] =	vst.idx.add.s32.msk $0xffff, v1  }
0x172: {  	v2 =	vld [tilespmem:$0x6B0];
	_ =	sdelay $0x7  }
0x173: {  	[tilespmem:v2+s11+$0x0] =	vst.idx.add.s32.msk $0xffff, v1  }
0x174: {  	v2 =	vld [tilespmem:$0x6C0];
	_ =	sdelay $0x7  }
0x175: {  	[tilespmem:v2+s11+$0x0] =	vst.idx.add.s32.msk $0xffff, v1  }
0x176: {  	v2 =	vld [tilespmem:$0x6D0];
	_ =	sdelay $0x7  }
0x177: {  	[tilespmem:v2+s11+$0x0] =	vst.idx.add.s32.msk $0xffff, v1  }
0x178: {  	v2 =	vld [tilespmem:$0x6E0];
	_ =	sdelay $0x7  }
0x179: {  	[tilespmem:v2+s11+$0x0] =	vst.idx.add.s32.msk $0xffff, v1  }
0x17a: {  	v2 =	vld [tilespmem:$0x6F0];
	_ =	sdelay $0x7  }
0x17b: {  	[tilespmem:v2+s11+$0x0] =	vst.idx.add.s32.msk $0xffff, v1  }
0x17c: {  	v2 =	vld [tilespmem:$0x700];
	_ =	sdelay $0x7  }
0x17d: {  	[tilespmem:v2+s11+$0x0] =	vst.idx.add.s32.msk $0xffff, v1  }
0x17e: {  	v2 =	vld [tilespmem:$0x710];
	_ =	sdelay $0x7  }
0x17f: {  	[tilespmem:v2+s11+$0x0] =	vst.idx.add.s32.msk $0xffff, v1  }
0x180: {  	v2 =	vld [tilespmem:$0x720];
	_ =	sdelay $0x7  }
0x181: {  	[tilespmem:v2+s11+$0x0] =	vst.idx.add.s32.msk $0xffff, v1  }
0x182: {  	v2 =	vld [tilespmem:$0x730];
	_ =	sdelay $0x7  }
0x183: {  	[tilespmem:v2+s11+$0x0] =	vst.idx.add.s32.msk $0xffff, v1  }
0x184: {  	v2 =	vld [tilespmem:$0x740];
	_ =	sdelay $0x7  }
0x185: {  	[tilespmem:v2+s11+$0x0] =	vst.idx.add.s32.msk $0xffff, v1  }
0x186: {  	v2 =	vld [tilespmem:$0x750];
	_ =	sdelay $0x7  }
0x187: {  	[tilespmem:v2+s11+$0x0] =	vst.idx.add.s32.msk $0xffff, v1  }
0x188: {  	v2 =	vld [tilespmem:$0x760];
	_ =	sdelay $0x7  }
0x189: {  	[tilespmem:v2+s11+$0x0] =	vst.idx.add.s32.msk $0xffff, v1  }
0x18a: {  	v2 =	vld [tilespmem:$0x770];
	_ =	sdelay $0x7  }
0x18b: {  	[tilespmem:v2+s11+$0x0] =	vst.idx.add.s32.msk $0xffff, v1  }
0x18c: {  	v2 =	vld [tilespmem:$0x780];
	_ =	sdelay $0x7  }
0x18d: {  	[tilespmem:v2+s11+$0x0] =	vst.idx.add.s32.msk $0xffff, v1  }
0x18e: {  	v2 =	vld [tilespmem:$0x790];
	_ =	sdelay $0x7  }
0x18f: {  	[tilespmem:v2+s11+$0x0] =	vst.idx.add.s32.msk $0xffff, v1  }
0x190: {  	v2 =	vld [tilespmem:$0x7A0];
	_ =	sdelay $0x7  }
0x191: {  	[tilespmem:v2+s11+$0x0] =	vst.idx.add.s32.msk $0xffff, v1  }
0x192: {  	v2 =	vld [tilespmem:$0x7B0];
	_ =	sdelay $0x7  }
0x193: {  	[tilespmem:v2+s11+$0x0] =	vst.idx.add.s32.msk $0xffff, v1  }
0x194: {  	v2 =	vld [tilespmem:$0x7C0];
	_ =	sdelay $0x7  }
0x195: {  	[tilespmem:v2+s11+$0x0] =	vst.idx.add.s32.msk $0xffff, v1  }
0x196: {  	v2 =	vld [tilespmem:$0x7D0];
	_ =	sdelay $0x7  }
0x197: {  	[tilespmem:v2+s11+$0x0] =	vst.idx.add.s32.msk $0xffff, v1  }
0x198: {  	v2 =	vld [tilespmem:$0x7E0];
	_ =	sdelay $0x7  }
0x199: {  	[tilespmem:v2+s11+$0x0] =	vst.idx.add.s32.msk $0xffff, v1  }
0x19a: {  	v2 =	vld [tilespmem:$0x7F0];
	_ =	sdelay $0x7  }
0x19b: {  	[tilespmem:v2+s11+$0x0] =	vst.idx.add.s32.msk $0xffff, v1  }
0x19c: {  	v2 =	vld [tilespmem:$0x0]  }
0x19d: {  	v3 =	vld [tilespmem:$0x10]  }
0x19e: {  	v4 =	vld [tilespmem:$0x20]  }
0x19f: {  	v5 =	vld [tilespmem:$0x30]  }
0x1a0: {  	v6 =	vld [tilespmem:$0x810]  }
0x1a1: {  	v11 =	vld [tilespmem:$0x820]  }
0x1a2: {  	v14 =	vld [tilespmem:$0x830]  }
0x1a3: {  	v54 =	vld [tilespmem:$0x50]  }
0x1a4: {  	v55 =	vld [tilespmem:$0x60]  }
0x1a5: {  	v9 =	vld [tilespmem:$0x70]  }
0x1a6: {  	v56 =	vld [tilespmem:$0x80]  }
0x1a7: {  	v13 =	vld [tilespmem:$0x90]  }
0x1a8: {  	v17 =	vld [tilespmem:$0xA0]  }
0x1a9: {  	v18 =	vld [tilespmem:$0xB0]  }
0x1aa: {  	v19 =	vld [tilespmem:$0xC0]  }
0x1ab: {  	v20 =	vld [tilespmem:$0xD0]  }
0x1ac: {  	v62 =	vld [tilespmem:$0xE0]  }
0x1ad: {  	v21 =	vld [tilespmem:$0xF0]  }
0x1ae: {  	v28 =	vld [tilespmem:$0x100]  }
0x1af: {  	v30 =	vld [tilespmem:$0x110]  }
0x1b0: {  	v22 =	vld [tilespmem:$0x120]  }
0x1b1: {  	v23 =	vld [tilespmem:$0x130]  }
0x1b2: {  	v24 =	vld [tilespmem:$0x140]  }
0x1b3: {  	v25 =	vld [tilespmem:$0x150]  }
0x1b4: {  	v39 =	vld [tilespmem:$0x160]  }
0x1b5: {  	v27 =	vld [tilespmem:$0x170]  }
0x1b6: {  	v41 =	vld [tilespmem:$0x180]  }
0x1b7: {  	v43 =	vld [tilespmem:$0x190]  }
0x1b8: {  	v2 =	vld.idx.msk [tilespmem:v2+s11+$0x0], $0xffff  }
0x1b9: {  	v3 =	vld.idx.msk [tilespmem:v3+s11+$0x0], $0xffff  }
0x1ba: {  	v4 =	vld.idx.msk [tilespmem:v4+s11+$0x0], $0xffff  }
0x1bb: {  	v7 =	vld.idx.msk [tilespmem:v5+s11+$0x0], $0xffff  }
0x1bc: {  	v9 =	vld.idx.msk [tilespmem:v9+s11+$0x0], $0xffff  }
0x1bd: {  	v57 =	vld.idx.msk [tilespmem:v13+s11+$0x0], $0xffff  }
0x1be: {  	v58 =	vld.idx.msk [tilespmem:v17+s11+$0x0], $0xffff  }
0x1bf: {  	v59 =	vld.idx.msk [tilespmem:v18+s11+$0x0], $0xffff  }
0x1c0: {  	v60 =	vld.idx.msk [tilespmem:v19+s11+$0x0], $0xffff  }
0x1c1: {  	v61 =	vld.idx.msk [tilespmem:v20+s11+$0x0], $0xffff  }
0x1c2: {  	v63 =	vld.idx.msk [tilespmem:v62+s11+$0x0], $0xffff  }
0x1c3: {  	v29 =	vld.idx.msk [tilespmem:v21+s11+$0x0], $0xffff  }
0x1c4: {  	v31 =	vld.idx.msk [tilespmem:v28+s11+$0x0], $0xffff  }
0x1c5: {  	v34 =	vld.idx.msk [tilespmem:v30+s11+$0x0], $0xffff  }
0x1c6: {  	v35 =	vld.idx.msk [tilespmem:v22+s11+$0x0], $0xffff  }
0x1c7: {  	v36 =	vld.idx.msk [tilespmem:v23+s11+$0x0], $0xffff  }
0x1c8: {  	v37 =	vld.idx.msk [tilespmem:v24+s11+$0x0], $0xffff  }
0x1c9: {  	v38 =	vld.idx.msk [tilespmem:v25+s11+$0x0], $0xffff  }
0x1ca: {  	v40 =	vld.idx.msk [tilespmem:v39+s11+$0x0], $0xffff  }
0x1cb: {  	v42 =	vld.idx.msk [tilespmem:v27+s11+$0x0], $0xffff  }
0x1cc: {  	v30 =	vld [tilespmem:$0x1B0]  }
0x1cd: {  	v44 =	vld.idx.msk [tilespmem:v41+s11+$0x0], $0xffff  }
0x1ce: {  	v8 =	vld.idx.msk [tilespmem:v3+s10+$0x0], $0xffff  }
0x1cf: {  	v3 =	vld [tilespmem:$0x40]  }
0x1d0: {  	v45 =	vld.idx.msk [tilespmem:v43+s11+$0x0], $0xffff  }
0x1d1: {  	v5 =	vld.idx.msk [tilespmem:v2+s10+$0x0], $0xffff  }
0x1d2: {  	v2 =	vld [tilespmem:$0x800]  }
0x1d3: {  	v12 =	vld.idx.msk [tilespmem:v4+s10+$0x0], $0xffff  }
0x1d4: {  	v16 =	vld.idx.msk [tilespmem:v7+s10+$0x0], $0xffff  }
0x1d5: {  	v4 =	vld.idx.msk [tilespmem:v54+s11+$0x0], $0xffff  }
0x1d6: {  	v9 =	vld.idx.msk [tilespmem:v9+s10+$0x0], $0xffff  }
0x1d7: {  	v3 =	vld.idx.msk [tilespmem:v3+s11+$0x0], $0xffff  }
0x1d8: {  	v7 =	vld.idx.msk [tilespmem:v57+s10+$0x0], $0xffff  }
0x1d9: {  	v13 =	vld.idx.msk [tilespmem:v58+s10+$0x0], $0xffff  }
0x1da: {  	v32 =	vld.idx.msk [tilespmem:v59+s10+$0x0], $0xffff  }
0x1db: {  	v33 =	vld.idx.msk [tilespmem:v60+s10+$0x0], $0xffff  }
0x1dc: {  	v50 =	vld.idx.msk [tilespmem:v61+s10+$0x0], $0xffff  }
0x1dd: {  	v18 =	vld.idx.msk [tilespmem:v63+s10+$0x0], $0xffff  }
0x1de: {  	v20 =	vld.idx.msk [tilespmem:v29+s10+$0x0], $0xffff  }
0x1df: {  	v10 =	vld.idx.msk [tilespmem:v3+s10+$0x0], $0xffff  }
0x1e0: {  	v3 =	vld.idx.msk [tilespmem:v55+s11+$0x0], $0xffff  }
0x1e1: {  	v17 =	vld.idx.msk [tilespmem:v31+s10+$0x0], $0xffff  }
0x1e2: {  	v19 =	vld.idx.msk [tilespmem:v34+s10+$0x0], $0xffff  }
0x1e3: {  	v51 =	vld.idx.msk [tilespmem:v35+s10+$0x0], $0xffff  }
0x1e4: {  	v22 =	vld.idx.msk [tilespmem:v36+s10+$0x0], $0xffff  }
0x1e5: {  	v26 =	vld.idx.msk [tilespmem:v37+s10+$0x0], $0xffff  }
0x1e6: {  	v29 =	vld [tilespmem:$0x1A0]  }
0x1e7: {  	v15 =	vld.idx.msk [tilespmem:v4+s10+$0x0], $0xffff  }
0x1e8: {  	v4 =	vld.idx.msk [tilespmem:v3+s10+$0x0], $0xffff  }
0x1e9: {  	v3 =	vld.idx.msk [tilespmem:v56+s11+$0x0], $0xffff  }
0x1ea: {  	v31 =	vld [tilespmem:$0x1C0]  }
0x1eb: {  	v34 =	vld [tilespmem:$0x1D0]  }
0x1ec: {  	v28 =	vld.idx.msk [tilespmem:v38+s10+$0x0], $0xffff  }
0x1ed: {  	v23 =	vld.idx.msk [tilespmem:v40+s10+$0x0], $0xffff  }
0x1ee: {  	v25 =	vld.idx.msk [tilespmem:v42+s10+$0x0], $0xffff  }
0x1ef: {  	v47 =	vld.idx.msk [tilespmem:v30+s11+$0x0], $0xffff  }
0x1f0: {  	v46 =	vld.idx.msk [tilespmem:v29+s11+$0x0], $0xffff  }
0x1f1: {  	v3 =	vld.idx.msk [tilespmem:v3+s10+$0x0], $0xffff  }
0x1f2: {  	v31 =	vld.idx.msk [tilespmem:v31+s11+$0x0], $0xffff  }
0x1f3: {  	v34 =	vld.idx.msk [tilespmem:v34+s11+$0x0], $0xffff  }
0x1f4: {  	v35 =	vld [tilespmem:$0x1E0]  }
0x1f5: {  	v21 =	vld.idx.msk [tilespmem:v44+s10+$0x0], $0xffff  }
0x1f6: {  	v36 =	vld [tilespmem:$0x1F0]  }
0x1f7: {  	v24 =	vld.idx.msk [tilespmem:v45+s10+$0x0], $0xffff  }
0x1f8: {  	v27 =	vld.idx.msk [tilespmem:v46+s10+$0x0], $0xffff  }
0x1f9: {  	v30 =	vld.idx.msk [tilespmem:v47+s10+$0x0], $0xffff  }
0x1fa: {  	v52 =	vld [tilespmem:$0x200]  }
0x1fb: {  	v54 =	vld [tilespmem:$0x210]  }
0x1fc: {  	v37 =	vld [tilespmem:$0x220]  }
0x1fd: {  	v38 =	vld [tilespmem:$0x230]  }
0x1fe: {  	v39 =	vld [tilespmem:$0x240]  }
0x1ff: {  	v40 =	vld [tilespmem:$0x250]  }
0x200: {  	v46 =	vld [tilespmem:$0x260]  }
0x201: {  	v47 =	vld [tilespmem:$0x270]  }
0x202: {  	v41 =	vld [tilespmem:$0x2D0]  }
0x203: {  	v61 =	vld.idx.msk [tilespmem:v31+s10+$0x0], $0xffff  }
0x204: {  	v49 =	vld.idx.msk [tilespmem:v35+s11+$0x0], $0xffff  }
0x205: {  	v53 =	vld.idx.msk [tilespmem:v36+s11+$0x0], $0xffff  }
0x206: {  	v55 =	vld.idx.msk [tilespmem:v52+s11+$0x0], $0xffff  }
0x207: {  	v56 =	vld.idx.msk [tilespmem:v54+s11+$0x0], $0xffff  }
0x208: {  	v57 =	vld.idx.msk [tilespmem:v37+s11+$0x0], $0xffff  }
0x209: {  	v44 =	vld.idx.msk [tilespmem:v39+s11+$0x0], $0xffff  }
0x20a: {  	v45 =	vld.idx.msk [tilespmem:v40+s11+$0x0], $0xffff  }
0x20b: {  	v58 =	vld.idx.msk [tilespmem:v38+s11+$0x0], $0xffff  }
0x20c: {  	v52 =	vld.idx.msk [tilespmem:v47+s11+$0x0], $0xffff  }
0x20d: {  	v37 =	vld [tilespmem:$0x290]  }
0x20e: {  	v47 =	vld [tilespmem:$0x2C0]  }
0x20f: {  	v31 =	vld.idx.msk [tilespmem:v49+s10+$0x0], $0xffff  }
0x210: {  	v62 =	vld.idx.msk [tilespmem:v53+s10+$0x0], $0xffff  }
0x211: {  	v53 =	vld.idx.msk [tilespmem:v44+s10+$0x0], $0xffff  }
0x212: {  	v49 =	vld.idx.msk [tilespmem:v45+s10+$0x0], $0xffff  }
0x213: {  	v44 =	vld [tilespmem:$0x280]  }
0x214: {  	v45 =	vld [tilespmem:$0x2A0]  }
0x215: {  	v29 =	vld.idx.msk [tilespmem:v55+s10+$0x0], $0xffff  }
0x216: {  	v60 =	vld.idx.msk [tilespmem:v57+s10+$0x0], $0xffff  }
0x217: {  	v57 =	vld.idx.msk [tilespmem:v58+s10+$0x0], $0xffff  }
0x218: {  	v58 =	vld.idx.msk [tilespmem:v46+s11+$0x0], $0xffff  }
0x219: {  	v46 =	vld [tilespmem:$0x2B0]  }
0x21a: {  	v63 =	vld.idx.msk [tilespmem:v56+s10+$0x0], $0xffff  }
0x21b: {  	v44 =	vld.idx.msk [tilespmem:v44+s11+$0x0], $0xffff  }
0x21c: {  	v36 =	vld.idx.msk [tilespmem:v45+s11+$0x0], $0xffff  }
0x21d: {  	v45 =	vld.idx.msk [tilespmem:v47+s11+$0x0], $0xffff  }
0x21e: {  	v55 =	vld.idx.msk [tilespmem:v37+s11+$0x0], $0xffff  }
0x21f: {  	v47 =	vld [tilespmem:$0x2E0]  }
0x220: {  	v56 =	vld.idx.msk [tilespmem:v58+s10+$0x0], $0xffff  }
0x221: {  	v37 =	vld.idx.msk [tilespmem:v46+s11+$0x0], $0xffff  }
0x222: {  	v46 =	vld.idx.msk [tilespmem:v41+s11+$0x0], $0xffff  }
0x223: {  	v58 =	vld.idx.msk [tilespmem:v44+s10+$0x0], $0xffff  }
0x224: {  	v44 =	vld [tilespmem:$0x2F0]  }
0x225: {  	v0 =	vld.idx.msk [tilespmem:v45+s10+$0x0], $0xffff;
	_ =	sdelay $0x1  }
0x226: {  	v35 =	vld.idx.msk [tilespmem:v47+s11+$0x0], $0xffff;
	_ =	sdelay $0x2  }
0x227: {  	[tilespmem:$0x1FDD0] =	vst v0;
	v0 =	vld.idx.msk [tilespmem:v46+s10+$0x0], $0xffff  }
0x228: {  	v59 =	vld.idx.msk [tilespmem:v34+s10+$0x0], $0xffff  }
0x229: {  	v34 =	vld.idx.msk [tilespmem:v44+s11+$0x0], $0xffff;
	_ =	sdelay $0x2  }
0x22a: {  	[tilespmem:$0x1FDE0] =	vst v0;
	v0 =	vld.idx.msk [tilespmem:v35+s10+$0x0], $0xffff;
	_ =	sdelay $0x4  }
0x22b: {  	[tilespmem:$0x1FDF0] =	vst v0;
	v0 =	vld.idx.msk [tilespmem:v34+s10+$0x0], $0xffff  }
0x22c: {  	v54 =	vld.idx.msk [tilespmem:v52+s10+$0x0], $0xffff  }
0x22d: {  	v52 =	vld.idx.msk [tilespmem:v36+s10+$0x0], $0xffff  }
0x22e: {  	v36 =	vld [tilespmem:$0x300]  }
0x22f: {  	v45 =	vld [tilespmem:$0x320]  }
0x230: {  	[tilespmem:$0x1FE00] =	vst v0;
	v0 =	vld [tilespmem:$0x360];
	_ =	sdelay $0x1  }
0x231: {  	v42 =	vld [tilespmem:$0x350]  }
0x232: {  	v43 =	vld [tilespmem:$0x370]  }
0x233: {  	v46 =	vld [tilespmem:$0x330]  }
0x234: {  	v47 =	vld [tilespmem:$0x340]  }
0x235: {  	v44 =	vld.idx.msk [tilespmem:v36+s11+$0x0], $0xffff  }
0x236: {  	v36 =	vld.idx.msk [tilespmem:v45+s11+$0x0], $0xffff  }
0x237: {  	v0 =	vld.idx.msk [tilespmem:v0+s11+$0x0], $0xffff  }
0x238: {  	v40 =	vld [tilespmem:$0x3A0]  }
0x239: {  	v41 =	vld.idx.msk [tilespmem:v37+s10+$0x0], $0xffff  }
0x23a: {  	v37 =	vld [tilespmem:$0x310]  }
0x23b: {  	v45 =	vld.idx.msk [tilespmem:v46+s11+$0x0], $0xffff  }
0x23c: {  	v46 =	vld.idx.msk [tilespmem:v47+s11+$0x0], $0xffff  }
0x23d: {  	v47 =	vld.idx.msk [tilespmem:v42+s11+$0x0], $0xffff  }
0x23e: {  	v42 =	vld.idx.msk [tilespmem:v36+s10+$0x0], $0xffff  }
0x23f: {  	v0 =	vld.idx.msk [tilespmem:v0+s10+$0x0], $0xffff  }
0x240: {  	v36 =	vld.idx.msk [tilespmem:v43+s11+$0x0], $0xffff  }
0x241: {  	v43 =	vld [tilespmem:$0x3B0]  }
0x242: {  	v34 =	vld.idx.msk [tilespmem:v37+s11+$0x0], $0xffff  }
0x243: {  	v38 =	vld [tilespmem:$0x3C0]  }
0x244: {  	[tilespmem:$0x1FE40] =	vst v0;
	v0 =	vld.idx.msk [tilespmem:v40+s11+$0x0], $0xffff  }
0x245: {  	v35 =	vld.idx.msk [tilespmem:v44+s10+$0x0], $0xffff  }
0x246: {  	v44 =	vld.idx.msk [tilespmem:v46+s10+$0x0], $0xffff;
	_ =	sdelay $0x2  }
0x247: {  	v43 =	vld.idx.msk [tilespmem:v43+s11+$0x0], $0xffff  }
0x248: {  	v39 =	vld.idx.msk [tilespmem:v34+s10+$0x0], $0xffff  }
0x249: {  	[tilespmem:$0x1FE20] =	vst v44;
	v44 =	vld [tilespmem:$0x3D0]  }
0x24a: {  	v0 =	vld.idx.msk [tilespmem:v0+s10+$0x0], $0xffff  }
0x24b: {  	v34 =	vld [tilespmem:$0x380]  }
0x24c: {  	v38 =	vld.idx.msk [tilespmem:v38+s11+$0x0], $0xffff;
	_ =	sdelay $0x1  }
0x24d: {  	v37 =	vld.idx.msk [tilespmem:v45+s10+$0x0], $0xffff  }
0x24e: {  	[tilespmem:$0x1FE50] =	vst v0;
	v0 =	vld.idx.msk [tilespmem:v43+s10+$0x0], $0xffff  }
0x24f: {  	v45 =	vld.idx.msk [tilespmem:v47+s10+$0x0], $0xffff  }
0x250: {  	v44 =	vld.idx.msk [tilespmem:v44+s11+$0x0], $0xffff  }
0x251: {  	v46 =	vld [tilespmem:$0x3F0]  }
0x252: {  	v34 =	vld.idx.msk [tilespmem:v34+s11+$0x0], $0xffff  }
0x253: {  	[tilespmem:$0x1FE60] =	vst v0;
	v0 =	vld.idx.msk [tilespmem:v38+s10+$0x0], $0xffff;
	_ =	sdelay $0x3  }
0x254: {  	[tilespmem:$0x1FE30] =	vst v45;
	v45 =	vld [tilespmem:$0x3E0]  }
0x255: {  	[tilespmem:$0x1FE70] =	vst v0;
	v0 =	vld.idx.msk [tilespmem:v44+s10+$0x0], $0xffff;
	_ =	sdelay $0x1  }
0x256: {  	v40 =	vld.idx.msk [tilespmem:v34+s10+$0x0], $0xffff  }
0x257: {  	v34 =	vld.idx.msk [tilespmem:v46+s11+$0x0], $0xffff;
	_ =	sdelay $0x1  }
0x258: {  	[tilespmem:$0x1FE80] =	vst v0;
	v0 =	vld [tilespmem:$0x430];
	_ =	sdelay $0x1  }
0x259: {  	v38 =	vld.idx.msk [tilespmem:v45+s11+$0x0], $0xffff  }
0x25a: {  	v47 =	vld [tilespmem:$0x450]  }
0x25b: {  	v44 =	vld [tilespmem:$0x410]  }
0x25c: {  	v46 =	vld [tilespmem:$0x440]  }
0x25d: {  	v34 =	vld.idx.msk [tilespmem:v34+s10+$0x0], $0xffff  }
0x25e: {  	v43 =	vld [tilespmem:$0x400]  }
0x25f: {  	v0 =	vld.idx.msk [tilespmem:v0+s11+$0x0], $0xffff  }
0x260: {  	v45 =	vld [tilespmem:$0x420]  }
0x261: {  	v38 =	vld.idx.msk [tilespmem:v38+s10+$0x0], $0xffff;
	_ =	sdelay $0x1  }
0x262: {  	[tilespmem:$0x1FEA0] =	vst v34;
	v34 =	vld.idx.msk [tilespmem:v44+s11+$0x0], $0xffff  }
0x263: {  	v44 =	vld.idx.msk [tilespmem:v46+s11+$0x0], $0xffff;
	_ =	sdelay $0x1  }
0x264: {  	[tilespmem:$0x1FE90] =	vst v38;
	v38 =	vld.idx.msk [tilespmem:v43+s11+$0x0], $0xffff  }
0x265: {  	v0 =	vld.idx.msk [tilespmem:v0+s10+$0x0], $0xffff  }
0x266: {  	v43 =	vld.idx.msk [tilespmem:v45+s11+$0x0], $0xffff  }
0x267: {  	v45 =	vld.idx.msk [tilespmem:v47+s11+$0x0], $0xffff;
	_ =	sdelay $0x2  }
0x268: {  	[tilespmem:$0x1FEE0] =	vst v0;
	v0 =	vld.idx.msk [tilespmem:v44+s10+$0x0], $0xffff;
	_ =	sdelay $0x1  }
0x269: {  	v46 =	vld [tilespmem:$0x460];
	_ =	sdelay $0x2  }
0x26a: {  	[tilespmem:$0x1FEF0] =	vst v0;
	v0 =	vld.idx.msk [tilespmem:v45+s10+$0x0], $0xffff  }
0x26b: {  	v38 =	vld.idx.msk [tilespmem:v38+s10+$0x0], $0xffff;
	_ =	sdelay $0x2  }
0x26c: {  	v34 =	vld.idx.msk [tilespmem:v34+s10+$0x0], $0xffff  }
0x26d: {  	[tilespmem:$0x1FF00] =	vst v0;
	v0 =	vld.idx.msk [tilespmem:v46+s11+$0x0], $0xffff  }
0x26e: {  	[tilespmem:$0x1FEB0] =	vst v38;
	v38 =	vld [tilespmem:$0x470];
	_ =	sdelay $0x3  }
0x26f: {  	[tilespmem:$0x1FEC0] =	vst v34;
	v34 =	vld [tilespmem:$0x480];
	_ =	sdelay $0x2  }
0x270: {  	v0 =	vld.idx.msk [tilespmem:v0+s10+$0x0], $0xffff  }
0x271: {  	v38 =	vld.idx.msk [tilespmem:v38+s11+$0x0], $0xffff  }
0x272: {  	v47 =	vld.idx.msk [tilespmem:v43+s10+$0x0], $0xffff;
	_ =	sdelay $0x1  }
0x273: {  	v43 =	vld [tilespmem:$0x490]  }
0x274: {  	[tilespmem:$0x1FF10] =	vst v0;
	v0 =	vld.idx.msk [tilespmem:v34+s11+$0x0], $0xffff  }
0x275: {  	v44 =	vld [tilespmem:$0x4A0]  }
0x276: {  	[tilespmem:$0x1FED0] =	vst v47;
	v47 =	vld [tilespmem:$0x4D0]  }
0x277: {  	v45 =	vld [tilespmem:$0x4B0]  }
0x278: {  	v38 =	vld.idx.msk [tilespmem:v38+s10+$0x0], $0xffff;
	_ =	sdelay $0x2  }
0x279: {  	v46 =	vld [tilespmem:$0x4C0]  }
0x27a: {  	v0 =	vld.idx.msk [tilespmem:v0+s10+$0x0], $0xffff  }
0x27b: {  	[tilespmem:$0x1FF20] =	vst v38;
	v38 =	vld.idx.msk [tilespmem:v44+s11+$0x0], $0xffff  }
0x27c: {  	v34 =	vld.idx.msk [tilespmem:v43+s11+$0x0], $0xffff  }
0x27d: {  	v43 =	vld.idx.msk [tilespmem:v45+s11+$0x0], $0xffff  }
0x27e: {  	v45 =	vld.idx.msk [tilespmem:v47+s11+$0x0], $0xffff  }
0x27f: {  	[tilespmem:$0x1FF30] =	vst v0;
	v0 =	vld [tilespmem:$0x4F0];
	_ =	sdelay $0x1  }
0x280: {  	v44 =	vld.idx.msk [tilespmem:v46+s11+$0x0], $0xffff  }
0x281: {  	v46 =	vld [tilespmem:$0x4E0]  }
0x282: {  	v38 =	vld.idx.msk [tilespmem:v38+s10+$0x0], $0xffff  }
0x283: {  	v34 =	vld.idx.msk [tilespmem:v34+s10+$0x0], $0xffff  }
0x284: {  	v47 =	vld.idx.msk [tilespmem:v43+s10+$0x0], $0xffff  }
0x285: {  	v43 =	vld.idx.msk [tilespmem:v45+s10+$0x0], $0xffff  }
0x286: {  	v0 =	vld.idx.msk [tilespmem:v0+s11+$0x0], $0xffff;
	_ =	sdelay $0x2  }
0x287: {  	[tilespmem:$0x1FF50] =	vst v38;
	v38 =	vld.idx.msk [tilespmem:v44+s10+$0x0], $0xffff  }
0x288: {  	[tilespmem:$0x1FF40] =	vst v34;
	v34 =	vld.idx.msk [tilespmem:v46+s11+$0x0], $0xffff  }
0x289: {  	[tilespmem:$0x1FF80] =	vst v43;
	v43 =	vld [tilespmem:$0x510];
	_ =	sdelay $0x2  }
0x28a: {  	v0 =	vld.idx.msk [tilespmem:v0+s10+$0x0], $0xffff  }
0x28b: {  	[tilespmem:$0x1FF70] =	vst v38;
	v38 =	vld [tilespmem:$0x500]  }
0x28c: {  	v44 =	vld [tilespmem:$0x520]  }
0x28d: {  	[tilespmem:$0x1FE10] =	vst v37;
	v37 =	vld [tilespmem:$0x390]  }
0x28e: {  	v34 =	vld.idx.msk [tilespmem:v34+s10+$0x0], $0xffff  }
0x28f: {  	[tilespmem:$0x1FFA0] =	vst v0;
	v0 =	vld.idx.msk [tilespmem:v43+s11+$0x0], $0xffff  }
0x290: {  	v46 =	vld [tilespmem:$0x540]  }
0x291: {  	v45 =	vld [tilespmem:$0x530]  }
0x292: {  	[tilespmem:$0x1FF60] =	vst v47;
	v47 =	vld [tilespmem:$0x550]  }
0x293: {  	[tilespmem:$0x1FF90] =	vst v34;
	v34 =	vld.idx.msk [tilespmem:v38+s11+$0x0], $0xffff  }
0x294: {  	v38 =	vld.idx.msk [tilespmem:v44+s11+$0x0], $0xffff  }
0x295: {  	v55 =	vld.idx.msk [tilespmem:v55+s10+$0x0], $0xffff  }
0x296: {  	v37 =	vld.idx.msk [tilespmem:v37+s11+$0x0], $0xffff  }
0x297: {  	v0 =	vld.idx.msk [tilespmem:v0+s10+$0x0], $0xffff  }
0x298: {  	v44 =	vld.idx.msk [tilespmem:v46+s11+$0x0], $0xffff  }
0x299: {  	v43 =	vld.idx.msk [tilespmem:v45+s11+$0x0], $0xffff  }
0x29a: {  	v45 =	vld.idx.msk [tilespmem:v47+s11+$0x0], $0xffff  }
0x29b: {  	v34 =	vld.idx.msk [tilespmem:v34+s10+$0x0], $0xffff  }
0x29c: {  	[tilespmem:$0x1FFC0] =	vst v0;
	v0 =	vld.idx.msk [tilespmem:v38+s10+$0x0], $0xffff  }
0x29d: {  	v36 =	vld.idx.msk [tilespmem:v36+s10+$0x0], $0xffff  }
0x29e: {  	v37 =	vld.idx.msk [tilespmem:v37+s10+$0x0], $0xffff  }
0x29f: {  	v46 =	vld [tilespmem:$0x560]  }
0x2a0: {  	[tilespmem:$0x1FFB0] =	vst v34;
	v34 =	vld [tilespmem:$0x570]  }
0x2a1: {  	[tilespmem:$0x1FFD0] =	vst v0;
	v0 =	vld.idx.msk [tilespmem:v43+s10+$0x0], $0xffff  }
0x2a2: {  	v47 =	vld.idx.msk [tilespmem:v44+s10+$0x0], $0xffff  }
0x2a3: {  	v44 =	vld [tilespmem:$0x840]  }
0x2a4: {  	v45 =	vld.idx.msk [tilespmem:v45+s10+$0x0], $0xffff  }
0x2a5: {  	v38 =	vld [tilespmem:$0x860]  }
0x2a6: {  	v43 =	vld [tilespmem:$0x870];
	[tilespmem:$0x1FFE0] =	vst v0;
	v0 =	vmul.f32 v2, v5  }
0x2a7: {  	v5 =	vld.idx.msk [tilespmem:v46+s11+$0x0], $0xffff  }
0x2a8: {  	v2 =	vmul.f32 v6, v8;
	v8 =	vld.idx.msk [tilespmem:v34+s11+$0x0], $0xffff;
	v0 =	vadd.f32 $0.0e+00, v0  }
0x2a9: {  	v46 =	vld [tilespmem:$0x850]  }
0x2aa: {  	v34 =	vld [tilespmem:$0x580];
	v0 =	vadd.f32 v2, v0;
	v2 =	vmul.f32 v11, v12  }
0x2ab: {  	v6 =	vld [tilespmem:$0x590]  }
0x2ac: {  	v12 =	vld [tilespmem:$0x8C0];
	v0 =	vadd.f32 v2, v0;
	v2 =	vmul.f32 v14, v16  }
0x2ad: {  	v11 =	vld [tilespmem:$0x940]  }
0x2ae: {  	v16 =	vld [tilespmem:$0x890];
	v0 =	vadd.f32 v2, v0;
	v2 =	vmul.f32 v44, v10  }
0x2af: {  	v14 =	vld [tilespmem:$0x8D0]  }
0x2b0: {  	v44 =	vld [tilespmem:$0x880];
	v0 =	vadd.f32 v2, v0;
	v2 =	vmul.f32 v46, v15  }
0x2b1: {  	v15 =	vld.idx.msk [tilespmem:v8+s10+$0x0], $0xffff  }
0x2b2: {  	v34 =	vld.idx.msk [tilespmem:v34+s11+$0x0], $0xffff;
	v0 =	vadd.f32 v2, v0;
	v2 =	vmul.f32 v38, v4  }
0x2b3: {  	v46 =	vld.idx.msk [tilespmem:v5+s10+$0x0], $0xffff  }
0x2b4: {  	v38 =	vld [tilespmem:$0x8A0];
	v0 =	vadd.f32 v2, v0;
	v2 =	vmul.f32 v43, v9  }
0x2b5: {  	v43 =	vld [tilespmem:$0x8B0]  }
0x2b6: {  	[tilespmem:$0x1FFF0] =	vst v15;
	v15 =	vld [tilespmem:$0x8E0];
	v0 =	vadd.f32 v2, v0;
	v2 =	vmul.f32 v44, v3  }
0x2b7: {  	v3 =	vld.idx.msk [tilespmem:v6+s11+$0x0], $0xffff  }
0x2b8: {  	v44 =	vld [tilespmem:$0x5A0];
	v0 =	vadd.f32 v2, v0;
	v2 =	vmul.f32 v16, v7  }
0x2b9: {  	v16 =	vld [tilespmem:$0x900]  }
0x2ba: {  	v0 =	vadd.f32 v2, v0;
	v2 =	vmul.f32 v38, v13;
	v13 =	vld [tilespmem:$0x5B0]  }
0x2bb: {  	v38 =	vld [tilespmem:$0x920]  }
0x2bc: {  	v0 =	vadd.f32 v2, v0;
	v2 =	vmul.f32 v43, v32;
	v32 =	vld.idx.msk [tilespmem:v34+s10+$0x0], $0xffff  }
0x2bd: {  	v34 =	vld [tilespmem:$0x910]  }
0x2be: {  	v43 =	vld [tilespmem:$0x5D0]  }
0x2bf: {  	v0 =	vadd.f32 v2, v0;
	v2 =	vmul.f32 v12, v33;
	v33 =	vld.idx.msk [tilespmem:v3+s10+$0x0], $0xffff  }
0x2c0: {  	v3 =	vld [tilespmem:$0x8F0]  }
0x2c1: {  	v4 =	vld.idx.msk [tilespmem:v44+s11+$0x0], $0xffff  }
0x2c2: {  	v44 =	vld [tilespmem:$0x930];
	v0 =	vadd.f32 v2, v0;
	v2 =	vmul.f32 v14, v50  }
0x2c3: {  	v12 =	vld [tilespmem:$0x950]  }
0x2c4: {  	v0 =	vadd.f32 v2, v0;
	v2 =	vmul.f32 v15, v18;
	v18 =	vld.idx.msk [tilespmem:v13+s11+$0x0], $0xffff  }
0x2c5: {  	v13 =	vld [tilespmem:$0x960]  }
0x2c6: {  	v15 =	vld [tilespmem:$0x970]  }
0x2c7: {  	v0 =	vadd.f32 v2, v0;
	v2 =	vmul.f32 v3, v20;
	v3 =	vld [tilespmem:$0x5C0]  }
0x2c8: {  	v14 =	vld.idx.msk [tilespmem:v43+s11+$0x0], $0xffff  }
0x2c9: {  	v20 =	vld [tilespmem:$0x9A0]  }
0x2ca: {  	v43 =	vld [tilespmem:$0x610];
	v0 =	vadd.f32 v2, v0;
	v2 =	vmul.f32 v16, v17  }
0x2cb: {  	v50 =	vld.idx.msk [tilespmem:v4+s10+$0x0], $0xffff  }
0x2cc: {  	v16 =	vld [tilespmem:$0x5E0];
	v0 =	vadd.f32 v2, v0;
	v2 =	vmul.f32 v34, v19  }
0x2cd: {  	v17 =	vld [tilespmem:$0x980]  }
0x2ce: {  	v6 =	vmul.f32 v15, v25;
	v15 =	vld [tilespmem:$0xB60];
	v0 =	vadd.f32 v2, v0;
	v2 =	vmul.f32 v38, v51  }
0x2cf: {  	v19 =	vld [tilespmem:$0x990]  }
0x2d0: {  	v34 =	vld [tilespmem:$0x9E0];
	v0 =	vadd.f32 v2, v0;
	v2 =	vmul.f32 v44, v22  }
0x2d1: {  	v51 =	vld.idx.msk [tilespmem:v18+s10+$0x0], $0xffff  }
0x2d2: {  	v18 =	vld [tilespmem:$0x5F0];
	v0 =	vadd.f32 v2, v0;
	v2 =	vmul.f32 v11, v26  }
0x2d3: {  	v3 =	vld.idx.msk [tilespmem:v3+s11+$0x0], $0xffff  }
0x2d4: {  	v44 =	vld [tilespmem:$0x9F0];
	v0 =	vadd.f32 v2, v0;
	v2 =	vmul.f32 v12, v28  }
0x2d5: {  	v22 =	vmul.f32 v17, v21;
	v17 =	vld [tilespmem:$0xA10]  }
0x2d6: {  	v8 =	vld.idx.msk [tilespmem:v43+s11+$0x0], $0xffff;
	v0 =	vadd.f32 v2, v0;
	v2 =	vmul.f32 v13, v23  }
0x2d7: {  	v21 =	vld [tilespmem:$0xA30]  }
0x2d8: {  	v43 =	vld [tilespmem:$0xAA0];
	v0 =	vadd.f32 v2, v0  }
0x2d9: {  	v25 =	vmul.f32 v19, v24;
	v19 =	vld [tilespmem:$0xA20]  }
0x2da: {  	v5 =	vld.idx.msk [tilespmem:v16+s11+$0x0], $0xffff;
	v0 =	vadd.f32 v6, v0  }
0x2db: {  	v23 =	vld [tilespmem:$0x9B0]  }
0x2dc: {  	v26 =	vld [tilespmem:$0x9C0];
	v0 =	vadd.f32 v22, v0  }
0x2dd: {  	v16 =	vmul.f32 v34, v31;
	v31 =	vld [tilespmem:$0xA80]  }
0x2de: {  	v27 =	vmul.f32 v20, v27;
	v34 =	vld [tilespmem:$0xA90];
	v0 =	vadd.f32 v25, v0  }
0x2df: {  	v28 =	vld [tilespmem:$0x9D0]  }
0x2e0: {  	v7 =	vld.idx.msk [tilespmem:v18+s11+$0x0], $0xffff;
	v4 =	vmul.f32 v23, v30;
	v0 =	vadd.f32 v27, v0  }
0x2e1: {  	v18 =	vmul.f32 v44, v62;
	v44 =	vld [tilespmem:$0xAB0]  }
0x2e2: {  	v24 =	vmul.f32 v19, v60;
	v60 =	vld [tilespmem:$0xB10];
	v38 =	vmul.f32 v26, v61;
	v0 =	vadd.f32 v4, v0  }
0x2e3: {  	v62 =	vld [tilespmem:$0xB20]  }
0x2e4: {  	v13 =	vld [tilespmem:$0xBC0];
	v9 =	vmul.f32 v28, v59;
	v0 =	vadd.f32 v38, v0  }
0x2e5: {  	v61 =	vld [tilespmem:$0xA00]  }
0x2e6: {  	v26 =	vld [tilespmem:$0xA50];
	v0 =	vadd.f32 v9, v0  }
0x2e7: {  	v10 =	vmul.f32 v34, v55;
	v34 =	vld [tilespmem:$0x1FDF0]  }
0x2e8: {  	v55 =	vld [tilespmem:$0x1FE10];
	v0 =	vadd.f32 v16, v0  }
0x2e9: {  	v2 =	vld.idx.msk [tilespmem:v3+s10+$0x0], $0xffff  }
0x2ea: {  	v30 =	vld [tilespmem:$0x600];
	v20 =	vmul.f32 v61, v29;
	v0 =	vadd.f32 v18, v0  }
0x2eb: {  	v4 =	vld.idx.msk [tilespmem:v5+s10+$0x0], $0xffff  }
0x2ec: {  	v5 =	vld.idx.msk [tilespmem:v7+s10+$0x0], $0xffff;
	v7 =	vmul.f32 v17, v63;
	v0 =	vadd.f32 v20, v0  }
0x2ed: {  	v23 =	vld [tilespmem:$0xA40]  }
0x2ee: {  	v3 =	vld.idx.msk [tilespmem:v14+s10+$0x0], $0xffff;
	v0 =	vadd.f32 v7, v0  }
0x2ef: {  	v14 =	vld [tilespmem:$0xDB0]  }
0x2f0: {  	v28 =	vld [tilespmem:$0xA60];
	v27 =	vmul.f32 v21, v57;
	v0 =	vadd.f32 v24, v0  }
0x2f1: {  	v59 =	vld [tilespmem:$0xB00]  }
0x2f2: {  	v22 =	vld [tilespmem:$0x620];
	v12 =	vmul.f32 v23, v53;
	v0 =	vadd.f32 v27, v0  }
0x2f3: {  	v29 =	vld [tilespmem:$0xA70]  }
0x2f4: {  	v6 =	vld.idx.msk [tilespmem:v30+s11+$0x0], $0xffff;
	v30 =	vmul.f32 v26, v49;
	v0 =	vadd.f32 v12, v0  }
0x2f5: {  	v61 =	vmul.f32 v44, v41;
	v44 =	vld [tilespmem:$0xBE0]  }
0x2f6: {  	v25 =	vld [tilespmem:$0x630];
	v11 =	vmul.f32 v28, v56;
	v0 =	vadd.f32 v30, v0  }
0x2f7: {  	v56 =	vld [tilespmem:$0xAE0]  }
0x2f8: {  	v28 =	vld [tilespmem:$0x1FDD0];
	v38 =	vmul.f32 v29, v54;
	v0 =	vadd.f32 v11, v0  }
0x2f9: {  	v41 =	vmul.f32 v59, v35;
	v59 =	vld [tilespmem:$0xC40]  }
0x2fa: {  	v53 =	vld [tilespmem:$0xAC0];
	v49 =	vmul.f32 v31, v58;
	v0 =	vadd.f32 v38, v0  }
0x2fb: {  	v57 =	vld [tilespmem:$0xAF0]  }
0x2fc: {  	v21 =	vld [tilespmem:$0xB90];
	v0 =	vadd.f32 v49, v0  }
0x2fd: {  	v23 =	vld [tilespmem:$0xBD0]  }
0x2fe: {  	v58 =	vmul.f32 v43, v52;
	v31 =	vld [tilespmem:$0x1FDE0];
	v0 =	vadd.f32 v10, v0  }
0x2ff: {  	v54 =	vld [tilespmem:$0xAD0]  }
0x300: {  	v63 =	vld [tilespmem:$0xB30];
	v0 =	vadd.f32 v58, v0  }
0x301: {  	v17 =	vld [tilespmem:$0xD80]  }
0x302: {  	v43 =	vmul.f32 v60, v39;
	v60 =	vld [tilespmem:$0xC50];
	v10 =	vmul.f32 v53, v28;
	v0 =	vadd.f32 v61, v0  }
0x303: {  	v38 =	vld [tilespmem:$0x1FE00]  }
0x304: {  	v52 =	vmul.f32 v62, v42;
	v62 =	vld [tilespmem:$0xC60];
	v0 =	vadd.f32 v10, v0;
	v10 =	vmul.f32 v54, v31  }
0x305: {  	v39 =	vld [tilespmem:$0x1FE50]  }
0x306: {  	v42 =	vld [tilespmem:$0x1FE80];
	v0 =	vadd.f32 v10, v0;
	v10 =	vmul.f32 v56, v34  }
0x307: {  	v26 =	vld [tilespmem:$0xE00]  }
0x308: {  	v29 =	vld [tilespmem:$0xB40];
	v0 =	vadd.f32 v10, v0;
	v10 =	vmul.f32 v57, v38  }
0x309: {  	v9 =	vld.idx.msk [tilespmem:v22+s11+$0x0], $0xffff  }
0x30a: {  	v22 =	vld [tilespmem:$0xBB0];
	v0 =	vadd.f32 v10, v0  }
0x30b: {  	v16 =	vld [tilespmem:$0xBA0]  }
0x30c: {  	v7 =	vld.idx.msk [tilespmem:v8+s10+$0x0], $0xffff;
	v0 =	vadd.f32 v41, v0  }
0x30d: {  	v58 =	vld [tilespmem:$0x1FE20]  }
0x30e: {  	v30 =	vld [tilespmem:$0xB50];
	v0 =	vadd.f32 v43, v0  }
0x30f: {  	v61 =	vld [tilespmem:$0x1FE30]  }
0x310: {  	v8 =	vld.idx.msk [tilespmem:v25+s11+$0x0], $0xffff;
	v10 =	vmul.f32 v63, v55;
	v0 =	vadd.f32 v52, v0  }
0x311: {  	v34 =	vld [tilespmem:$0x1FE40]  }
0x312: {  	v20 =	vld [tilespmem:$0xB70];
	v0 =	vadd.f32 v10, v0;
	v10 =	vmul.f32 v29, v58  }
0x313: {  	v6 =	vld.idx.msk [tilespmem:v6+s10+$0x0], $0xffff  }
0x314: {  	v25 =	vld [tilespmem:$0xDD0];
	v0 =	vadd.f32 v10, v0;
	v10 =	vmul.f32 v30, v61  }
0x315: {  	v11 =	vld [tilespmem:$0xB80]  }
0x316: {  	v9 =	vld.idx.msk [tilespmem:v9+s10+$0x0], $0xffff;
	v0 =	vadd.f32 v10, v0;
	v10 =	vmul.f32 v15, v34  }
0x317: {  	v35 =	vmul.f32 v20, v36;
	v20 =	vld [tilespmem:$0xCA0]  }
0x318: {  	v27 =	vld [tilespmem:$0xE20];
	v0 =	vadd.f32 v10, v0  }
0x319: {  	v8 =	vld.idx.msk [tilespmem:v8+s10+$0x0], $0xffff  }
0x31a: {  	v49 =	vld [tilespmem:$0xBF0];
	v36 =	vmul.f32 v11, v40;
	v0 =	vadd.f32 v35, v0  }
0x31b: {  	v40 =	vld [tilespmem:$0x1FE60]  }
0x31c: {  	v11 =	vld [tilespmem:$0xCC0];
	v38 =	vmul.f32 v21, v37;
	v0 =	vadd.f32 v36, v0  }
0x31d: {  	v41 =	vld [tilespmem:$0x1FE70]  }
0x31e: {  	v53 =	vld [tilespmem:$0xC00];
	v10 =	vmul.f32 v16, v39;
	v0 =	vadd.f32 v38, v0  }
0x31f: {  	v28 =	vld [tilespmem:$0xE30]  }
0x320: {  	v54 =	vld [tilespmem:$0xC10];
	v0 =	vadd.f32 v10, v0;
	v10 =	vmul.f32 v22, v40  }
0x321: {  	v43 =	vld [tilespmem:$0x1FE90]  }
0x322: {  	v31 =	vld [tilespmem:$0xCD0];
	v0 =	vadd.f32 v10, v0;
	v10 =	vmul.f32 v13, v41  }
0x323: {  	v56 =	vld [tilespmem:$0xC20]  }
0x324: {  	v57 =	vld [tilespmem:$0xC30];
	v0 =	vadd.f32 v10, v0;
	v10 =	vmul.f32 v23, v42  }
0x325: {  	v55 =	vld [tilespmem:$0x650]  }
0x326: {  	v0 =	vadd.f32 v10, v0;
	v10 =	vmul.f32 v44, v43;
	v44 =	vld [tilespmem:$0x1FEA0]  }
0x327: {  	v21 =	vld [tilespmem:$0xCE0]  }
0x328: {  	v52 =	vld [tilespmem:$0x1FEB0]  }
0x329: {  	v37 =	vld [tilespmem:$0xD50]  }
0x32a: {  	v63 =	vld [tilespmem:$0xC70]  }
0x32b: {  	v29 =	vld [tilespmem:$0xC90];
	v0 =	vadd.f32 v10, v0;
	v10 =	vmul.f32 v49, v44  }
0x32c: {  	v58 =	vld [tilespmem:$0x660]  }
0x32d: {  	v0 =	vadd.f32 v10, v0;
	v10 =	vmul.f32 v53, v52;
	v53 =	vld [tilespmem:$0x1FEC0]  }
0x32e: {  	v18 =	vld.idx.msk [tilespmem:v55+s11+$0x0], $0xffff  }
0x32f: {  	v55 =	vld [tilespmem:$0x690]  }
0x330: {  	v30 =	vld [tilespmem:$0xCB0]  }
0x331: {  	v61 =	vld [tilespmem:$0x670]  }
0x332: {  	v0 =	vadd.f32 v10, v0;
	v10 =	vmul.f32 v54, v53;
	v54 =	vld [tilespmem:$0x1FED0]  }
0x333: {  	v15 =	vld [tilespmem:$0xC80]  }
0x334: {  	v34 =	vld [tilespmem:$0xCF0]  }
0x335: {  	v16 =	vld [tilespmem:$0xD00]  }
0x336: {  	v39 =	vld [tilespmem:$0xD90]  }
0x337: {  	v0 =	vadd.f32 v10, v0;
	v10 =	vmul.f32 v56, v54;
	v56 =	vld [tilespmem:$0x1FEE0]  }
0x338: {  	v35 =	vld [tilespmem:$0xD10]  }
0x339: {  	v12 =	vld.idx.msk [tilespmem:v58+s11+$0x0], $0xffff  }
0x33a: {  	v18 =	vld.idx.msk [tilespmem:v18+s10+$0x0], $0xffff  }
0x33b: {  	v58 =	vld [tilespmem:$0x1FF80]  }
0x33c: {  	v0 =	vadd.f32 v10, v0;
	v10 =	vmul.f32 v57, v56;
	v57 =	vld [tilespmem:$0x1FEF0]  }
0x33d: {  	v36 =	vld [tilespmem:$0xD30]  }
0x33e: {  	v19 =	vld.idx.msk [tilespmem:v61+s11+$0x0], $0xffff  }
0x33f: {  	v61 =	vld [tilespmem:$0x1FFA0]  }
0x340: {  	v39 =	vmul.f32 v39, v33;
	v33 =	vld [tilespmem:$0x770]  }
0x341: {  	v0 =	vadd.f32 v10, v0;
	v10 =	vmul.f32 v59, v57;
	v59 =	vld [tilespmem:$0x1FF00]  }
0x342: {  	v38 =	vld [tilespmem:$0xD70]  }
0x343: {  	v22 =	vld [tilespmem:$0xD20]  }
0x344: {  	v40 =	vld [tilespmem:$0xDA0]  }
0x345: {  	v13 =	vld [tilespmem:$0xD40]  }
0x346: {  	v0 =	vadd.f32 v10, v0;
	v10 =	vmul.f32 v60, v59;
	v60 =	vld [tilespmem:$0x1FF10]  }
0x347: {  	v41 =	vld [tilespmem:$0xDC0]  }
0x348: {  	v23 =	vld [tilespmem:$0xD60]  }
0x349: {  	v49 =	vld [tilespmem:$0x640]  }
0x34a: {  	v42 =	vld [tilespmem:$0xDE0]  }
0x34b: {  	v0 =	vadd.f32 v10, v0;
	v10 =	vmul.f32 v62, v60;
	v62 =	vld [tilespmem:$0x1FF20]  }
0x34c: {  	v19 =	vld.idx.msk [tilespmem:v19+s10+$0x0], $0xffff  }
0x34d: {  	v43 =	vld [tilespmem:$0xDF0]  }
0x34e: {  	v2 =	vmul.f32 v41, v2;
	v41 =	vld [tilespmem:$0xF60]  }
0x34f: {  	v44 =	vld [tilespmem:$0xE10]  }
0x350: {  	v0 =	vadd.f32 v10, v0;
	v10 =	vmul.f32 v63, v62;
	v63 =	vld [tilespmem:$0x1FF30]  }
0x351: {  	v24 =	vld.idx.msk [tilespmem:v49+s11+$0x0], $0xffff  }
0x352: {  	v49 =	vld [tilespmem:$0x1FF40]  }
0x353: {  	v52 =	vld [tilespmem:$0x680]  }
0x354: {  	v53 =	vld [tilespmem:$0x1FF50]  }
0x355: {  	v54 =	vld [tilespmem:$0x1FF60];
	v0 =	vadd.f32 v10, v0;
	v10 =	vmul.f32 v15, v63  }
0x356: {  	v56 =	vld [tilespmem:$0x1FF70]  }
0x357: {  	v57 =	vld [tilespmem:$0x6A0];
	v0 =	vadd.f32 v10, v0;
	v10 =	vmul.f32 v29, v49  }
0x358: {  	v59 =	vld [tilespmem:$0x1FF90]  }
0x359: {  	v60 =	vld [tilespmem:$0x6B0];
	v0 =	vadd.f32 v10, v0;
	v10 =	vmul.f32 v20, v53  }
0x35a: {  	v62 =	vld [tilespmem:$0x1FFB0]  }
0x35b: {  	v15 =	vld.idx.msk [tilespmem:v24+s10+$0x0], $0xffff;
	v0 =	vadd.f32 v10, v0;
	v10 =	vmul.f32 v30, v54  }
0x35c: {  	v24 =	vld.idx.msk [tilespmem:v52+s11+$0x0], $0xffff  }
0x35d: {  	v63 =	vld [tilespmem:$0x6C0];
	v0 =	vadd.f32 v10, v0;
	v10 =	vmul.f32 v11, v56  }
0x35e: {  	v52 =	vld [tilespmem:$0x1FFD0]  }
0x35f: {  	v29 =	vld [tilespmem:$0xE40];
	v0 =	vadd.f32 v10, v0;
	v10 =	vmul.f32 v31, v58  }
0x360: {  	v49 =	vld [tilespmem:$0x1FFC0]  }
0x361: {  	v20 =	vld.idx.msk [tilespmem:v55+s11+$0x0], $0xffff;
	v0 =	vadd.f32 v10, v0;
	v10 =	vmul.f32 v21, v59  }
0x362: {  	v53 =	vld [tilespmem:$0x6D0]  }
0x363: {  	v55 =	vmul.f32 v13, v47;
	v47 =	vld [tilespmem:$0x710];
	v0 =	vadd.f32 v10, v0;
	v10 =	vmul.f32 v34, v61  }
0x364: {  	v30 =	vld [tilespmem:$0xE50]  }
0x365: {  	v54 =	vld [tilespmem:$0x1FFE0];
	v0 =	vadd.f32 v10, v0;
	v10 =	vmul.f32 v16, v62  }
0x366: {  	v11 =	vld.idx.msk [tilespmem:v12+s10+$0x0], $0xffff  }
0x367: {  	v12 =	vld.idx.msk [tilespmem:v57+s11+$0x0], $0xffff;
	v0 =	vadd.f32 v10, v0;
	v10 =	vmul.f32 v35, v49  }
0x368: {  	v24 =	vld.idx.msk [tilespmem:v24+s10+$0x0], $0xffff  }
0x369: {  	v56 =	vld.idx.msk [tilespmem:v63+s11+$0x0], $0xffff;
	v0 =	vadd.f32 v10, v0;
	v10 =	vmul.f32 v22, v52  }
0x36a: {  	v57 =	vmul.f32 v37, v45;
	v37 =	vld [tilespmem:$0xEA0]  }
0x36b: {  	v63 =	vld [tilespmem:$0x700];
	v0 =	vadd.f32 v10, v0;
	v10 =	vmul.f32 v36, v54  }
0x36c: {  	v45 =	vld [tilespmem:$0xEC0]  }
0x36d: {  	v21 =	vld.idx.msk [tilespmem:v60+s11+$0x0], $0xffff;
	v0 =	vadd.f32 v10, v0  }
0x36e: {  	v60 =	vld [tilespmem:$0x1FFF0]  }
0x36f: {  	v31 =	vld [tilespmem:$0xE60];
	v0 =	vadd.f32 v55, v0  }
0x370: {  	v58 =	vld [tilespmem:$0x6E0]  }
0x371: {  	v20 =	vld.idx.msk [tilespmem:v20+s10+$0x0], $0xffff;
	v59 =	vmul.f32 v23, v46;
	v0 =	vadd.f32 v57, v0  }
0x372: {  	v34 =	vld [tilespmem:$0xE70]  }
0x373: {  	v61 =	vld [tilespmem:$0x6F0];
	v10 =	vmul.f32 v38, v60;
	v0 =	vadd.f32 v59, v0  }
0x374: {  	v12 =	vld.idx.msk [tilespmem:v12+s10+$0x0], $0xffff  }
0x375: {  	v62 =	vmul.f32 v17, v32;
	v13 =	vld.idx.msk [tilespmem:v56+s10+$0x0], $0xffff;
	v0 =	vadd.f32 v10, v0  }
0x376: {  	v17 =	vld.idx.msk [tilespmem:v63+s11+$0x0], $0xffff  }
0x377: {  	v63 =	vld [tilespmem:$0x750];
	v0 =	vadd.f32 v62, v0  }
0x378: {  	v35 =	vld [tilespmem:$0xE80]  }
0x379: {  	v46 =	vmul.f32 v40, v50;
	v16 =	vld.idx.msk [tilespmem:v58+s11+$0x0], $0xffff;
	v0 =	vadd.f32 v39, v0  }
0x37a: {  	v49 =	vmul.f32 v14, v51;
	v51 =	vld [tilespmem:$0xED0]  }
0x37b: {  	v21 =	vld.idx.msk [tilespmem:v21+s10+$0x0], $0xffff;
	v0 =	vadd.f32 v46, v0  }
0x37c: {  	v22 =	vld.idx.msk [tilespmem:v53+s11+$0x0], $0xffff  }
0x37d: {  	v52 =	vld [tilespmem:$0x720];
	v0 =	vadd.f32 v49, v0  }
0x37e: {  	v53 =	vld [tilespmem:$0xEE0]  }
0x37f: {  	v36 =	vld [tilespmem:$0xE90];
	v0 =	vadd.f32 v2, v0;
	v2 =	vmul.f32 v25, v3  }
0x380: {  	v50 =	vld.idx.msk [tilespmem:v61+s11+$0x0], $0xffff  }
0x381: {  	v54 =	vld.idx.msk [tilespmem:v47+s11+$0x0], $0xffff;
	v0 =	vadd.f32 v2, v0;
	v2 =	vmul.f32 v42, v4  }
0x382: {  	v61 =	vld [tilespmem:$0xF00]  }
0x383: {  	v47 =	vld [tilespmem:$0xF80];
	v0 =	vadd.f32 v2, v0;
	v2 =	vmul.f32 v43, v5  }
0x384: {  	v38 =	vld [tilespmem:$0xEB0]  }
0x385: {  	v55 =	vld [tilespmem:$0x730];
	v0 =	vadd.f32 v2, v0;
	v2 =	vmul.f32 v26, v6  }
0x386: {  	v60 =	vld [tilespmem:$0x740]  }
0x387: {  	v22 =	vld.idx.msk [tilespmem:v22+s10+$0x0], $0xffff;
	v0 =	vadd.f32 v2, v0;
	v2 =	vmul.f32 v44, v7  }
0x388: {  	v57 =	vld [tilespmem:$0xEF0]  }
0x389: {  	v58 =	vld.idx.msk [tilespmem:v52+s11+$0x0], $0xffff;
	v0 =	vadd.f32 v2, v0;
	v2 =	vmul.f32 v27, v9  }
0x38a: {  	v52 =	vld [tilespmem:$0x7E0]  }
0x38b: {  	v56 =	vld.idx.msk [tilespmem:v50+s10+$0x0], $0xffff;
	v0 =	vadd.f32 v2, v0;
	v2 =	vmul.f32 v28, v8  }
0x38c: {  	v59 =	vld.idx.msk [tilespmem:v17+s10+$0x0], $0xffff  }
0x38d: {  	v62 =	vld.idx.msk [tilespmem:v55+s11+$0x0], $0xffff;
	v0 =	vadd.f32 v2, v0;
	v2 =	vmul.f32 v29, v15  }
0x38e: {  	v39 =	vld [tilespmem:$0xF50]  }
0x38f: {  	v49 =	vld [tilespmem:$0x7C0];
	v0 =	vadd.f32 v2, v0;
	v2 =	vmul.f32 v30, v18  }
0x390: {  	v3 =	vld.idx.msk [tilespmem:v16+s10+$0x0], $0xffff  }
0x391: {  	v42 =	vld [tilespmem:$0x7A0];
	v0 =	vadd.f32 v2, v0;
	v2 =	vmul.f32 v31, v11  }
0x392: {  	v4 =	vld.idx.msk [tilespmem:v54+s10+$0x0], $0xffff  }
0x393: {  	v54 =	vld [tilespmem:$0xF90];
	v0 =	vadd.f32 v2, v0;
	v2 =	vmul.f32 v34, v19  }
0x394: {  	v6 =	vld.idx.msk [tilespmem:v58+s10+$0x0], $0xffff  }
0x395: {  	v58 =	vld [tilespmem:$0xFB0];
	v0 =	vadd.f32 v2, v0;
	v2 =	vmul.f32 v35, v24  }
0x396: {  	v7 =	vld.idx.msk [tilespmem:v60+s11+$0x0], $0xffff  }
0x397: {  	v44 =	vld [tilespmem:$0xF70];
	v0 =	vadd.f32 v2, v0;
	v2 =	vmul.f32 v36, v20  }
0x398: {  	v9 =	vld.idx.msk [tilespmem:v62+s10+$0x0], $0xffff  }
0x399: {  	v50 =	vld.idx.msk [tilespmem:v42+s11+$0x0], $0xffff;
	v0 =	vadd.f32 v2, v0;
	v2 =	vmul.f32 v37, v12  }
0x39a: {  	v28 =	vld [tilespmem:$0xF10]  }
0x39b: {  	v29 =	vld [tilespmem:$0x760];
	v0 =	vadd.f32 v2, v0;
	v2 =	vmul.f32 v38, v21  }
0x39c: {  	v8 =	vld.idx.msk [tilespmem:v63+s11+$0x0], $0xffff  }
0x39d: {  	v30 =	vld [tilespmem:$0xF20];
	v0 =	vadd.f32 v2, v0;
	v2 =	vmul.f32 v45, v13  }
0x39e: {  	v7 =	vld.idx.msk [tilespmem:v7+s10+$0x0], $0xffff  }
0x39f: {  	v35 =	vld [tilespmem:$0x780];
	v0 =	vadd.f32 v2, v0;
	v2 =	vmul.f32 v51, v22  }
0x3a0: {  	v11 =	vld.idx.msk [tilespmem:v33+s11+$0x0], $0xffff  }
0x3a1: {  	v37 =	vld [tilespmem:$0x790];
	v0 =	vadd.f32 v2, v0;
	v2 =	vmul.f32 v53, v3  }
0x3a2: {  	v55 =	vld.idx.msk [tilespmem:v50+s10+$0x0], $0xffff  }
0x3a3: {  	v15 =	vld.idx.msk [tilespmem:v29+s11+$0x0], $0xffff;
	v0 =	vadd.f32 v2, v0;
	v2 =	vmul.f32 v57, v56  }
0x3a4: {  	v34 =	vld [tilespmem:$0xF30]  }
0x3a5: {  	v45 =	vld [tilespmem:$0x7B0];
	v0 =	vadd.f32 v2, v0;
	v2 =	vmul.f32 v61, v59  }
0x3a6: {  	v8 =	vld.idx.msk [tilespmem:v8+s10+$0x0], $0xffff  }
0x3a7: {  	v40 =	vld.idx.msk [tilespmem:v35+s11+$0x0], $0xffff;
	v0 =	vadd.f32 v2, v0;
	v2 =	vmul.f32 v28, v4  }
0x3a8: {  	v36 =	vld [tilespmem:$0xF40]  }
0x3a9: {  	v43 =	vld.idx.msk [tilespmem:v37+s11+$0x0], $0xffff;
	v0 =	vadd.f32 v2, v0;
	v2 =	vmul.f32 v30, v6  }
0x3aa: {  	v51 =	vld [tilespmem:$0x7D0]  }
0x3ab: {  	v15 =	vld.idx.msk [tilespmem:v15+s10+$0x0], $0xffff;
	v0 =	vadd.f32 v2, v0;
	v2 =	vmul.f32 v34, v9  }
0x3ac: {  	v3 =	vld.idx.msk [tilespmem:v11+s10+$0x0], $0xffff  }
0x3ad: {  	v12 =	vld.idx.msk [tilespmem:v45+s11+$0x0], $0xffff;
	v0 =	vadd.f32 v2, v0;
	v2 =	vmul.f32 v36, v7  }
0x3ae: {  	v53 =	vld [tilespmem:$0x7F0]  }
0x3af: {  	v46 =	vld.idx.msk [tilespmem:v40+s10+$0x0], $0xffff;
	v0 =	vadd.f32 v2, v0;
	v2 =	vmul.f32 v39, v8  }
0x3b0: {  	v4 =	vld.idx.msk [tilespmem:v49+s11+$0x0], $0xffff  }
0x3b1: {  	v11 =	vld.idx.msk [tilespmem:v43+s10+$0x0], $0xffff;
	v0 =	vadd.f32 v2, v0;
	v2 =	vmul.f32 v41, v15  }
0x3b2: {  	v6 =	vld.idx.msk [tilespmem:v51+s11+$0x0], $0xffff  }
0x3b3: {  	v56 =	vld [tilespmem:$0xFA0];
	v0 =	vadd.f32 v2, v0;
	v2 =	vmul.f32 v44, v3  }
0x3b4: {  	v3 =	vld.idx.msk [tilespmem:v52+s11+$0x0], $0xffff  }
0x3b5: {  	v57 =	vld.idx.msk [tilespmem:v12+s10+$0x0], $0xffff;
	v0 =	vadd.f32 v2, v0;
	v2 =	vmul.f32 v47, v46  }
0x3b6: {  	v7 =	vld.idx.msk [tilespmem:v53+s11+$0x0], $0xffff  }
0x3b7: {  	v59 =	vld [tilespmem:$0xFC0];
	v0 =	vadd.f32 v2, v0;
	v2 =	vmul.f32 v54, v11  }
0x3b8: {  	v4 =	vld.idx.msk [tilespmem:v4+s10+$0x0], $0xffff  }
0x3b9: {  	v60 =	vld [tilespmem:$0xFD0];
	v0 =	vadd.f32 v2, v0;
	v2 =	vmul.f32 v56, v55  }
0x3ba: {  	v6 =	vld.idx.msk [tilespmem:v6+s10+$0x0], $0xffff  }
0x3bb: {  	v61 =	vld [tilespmem:$0xFE0];
	v0 =	vadd.f32 v2, v0;
	v2 =	vmul.f32 v58, v57  }
0x3bc: {  	v3 =	vld.idx.msk [tilespmem:v3+s10+$0x0], $0xffff  }
0x3bd: {  	v63 =	vld [tilespmem:$0xFF0];
	v0 =	vadd.f32 v2, v0;
	v2 =	vmul.f32 v59, v4  }
0x3be: {  	v62 =	vld.idx.msk [tilespmem:v7+s10+$0x0], $0xffff  }
0x3bf: {  	v0 =	vadd.f32 v2, v0;
	v2 =	vmul.f32 v60, v6;
	_ =	sdelay $0x1  }
0x3c0: {  	v0 =	vadd.f32 v2, v0;
	v2 =	vmul.f32 v61, v3;
	_ =	sdelay $0x1  }
0x3c1: {  	v0 =	vadd.f32 v2, v0;
	v2 =	vmul.f32 v63, v62;
	_ =	sdelay $0x1  }
0x3c2: {  	v0 =	vadd.f32 v2, v0  }
0x3c3: {  	p0 =	sne.s32 s5, $0x1  }
.Ltmp1:
0x3c4: {  	[tilespmem:$0x2080] =	vst v0;
	(pc) =	sbr.rel @p0 .LBB2_2-.Ltmp1, $4  }
0x3c5: {  	[hbm4b:s4+s3] =	stream.linear.scatter [tilespmem:s12], [sflag:$0x1], $0x10, $0x38;
	[tilespmem:$0x2100] =	vst v63  }
0x3c6: {  	_ =	swait.ge [sflag:s8], $0x10  }
0x3c7: {  	[sflag:s8] =	ssyncset.done $0x0  }
0x3c8: {  	s5 =	sadd.s32 $0xFFFFFFFF, s5;
	[sflag:s8] =	ssyncadd.s32 $0xFFFFFFF0  }
.LBB2_3:
0x3c9: {  	_ =	sfence.sel $0x180000  }
0x3ca: {  	[bflag:$0x0] =	sbarrier.arrive $0xFFFF  }
0x3cb: {  	p0 =	sne.s32 s1, $0x0;
	_ =	strace $0x90000047  }
0x3cc: {  	s0 =	sadd.s32 @!p0 $0x100000, s0;
	[bflag:$0x2] =	sbarrier.arrive $0xFFFF  }
0x3cd: {  	[sflag:s0] =	ssyncadd.tile.s32 @!p0 $0x1;
	_ =	shalt  }
.Lfunc_end2:
_tile_overlayer_lowered:
.L_overlay_start_2:
0x3ce: {  	(tag) =	ssettag $0x2  }
0x3cf: {  	s0 =	rddreg [dreg:$0x0];
	s2 =	stileid.u32  }
0x3d0: {  	s1 =	rddreg [dreg:$0x1];
	p0 =	sne.s32 s2, $0x0  }
0x3d1: {  	s3 =	rddreg [dreg:$0x2];
	[bflag:$0x3] =	sbarrier.arrive $0xFFFF;
	s2 =	simm.s32 @!p0 $0x1C01  }
0x3d2: {  	[timem:s3], [sflag:s2] =	dma.local @!p0 [hbm:s0], s1  }
0x3d3: {  	s0 =	simm.s32 @!p0 $0x1  }
0x3d4: {  	_ =	swait.ge @!p0 [sflag:s0], s1  }
0x3d5: {  	s1 =	ssub.s32 @!p0 $0x0, s1;
	[sflag:s0] =	ssyncset.done @!p0 $0x0  }
0x3d6: {  	[sflag:s0] =	ssyncadd.s32 @!p0 s1  }
0x3d7: {  	[bflag:$0x3] =	sbarrier.arrive $0xFFFF  }
0x3d8: {  	_ =	shalt  }

</sc_bundles>
